<compile_context>
chip_gen: v7x
topology: tpu7x:2x2x1
jax: 0.10.2.dev20260603
libtpu: 0.0.44.dev20260713+nightly
codegen_flags: <defaults>
</compile_context>

<pallas_src>
import functools

import jax
import jax.numpy as jnp
from jax import lax
from jax.experimental import pallas as pl
from jax.experimental.pallas import tpu as pltpu
from jax.experimental.pallas import tpu_sc as plsc

_N = 10000
_E = 320000
_D = 128
_H = 128

_NC = 2
_NS = 16
_NW = _NC * _NS
_CH = 128
_CPP = 158
_CA = 95
_CB = _CPP - _CA
_EPAD = _NS * _CPP * _CH
_NP = 10240
_NPT = _NP // _NS

_RB = 2000

def _make_sc_agg(compute_deg: bool):
    mesh = plsc.VectorSubcoreMesh(core_axis_name="c", subcore_axis_name="s",
                                  num_cores=_NC, num_subcores=_NS)
    acc_ty = jax.ShapeDtypeStruct((_NC * _NP, _H), jnp.float32)
    out_type = ([acc_ty, jax.ShapeDtypeStruct((_NC * _NP,), jnp.float32)]
                if compute_deg else acc_ty)
    scratch = [
        pltpu.VMEM((_CH,), jnp.int32),
        pltpu.VMEM((_CH,), jnp.int32),
        pltpu.VMEM((_CH, _H), jnp.float32),
        pltpu.VMEM_SHARED((_NP, _H), jnp.float32),
        pltpu.SemaphoreType.DMA,
    ]
    if compute_deg:
        scratch += [
            pltpu.VMEM((_CH,), jnp.float32),
            pltpu.VMEM((_NPT,), jnp.float32),
            pltpu.VMEM_SHARED((_NP,), jnp.float32),
        ]

    def body(src_hbm, dst_hbm, xt_hbm, z_hbm, *rest):
        if compute_deg:
            (acc_out, deg_out, src_c, dst_c, rows, acc, sem,
             ones_c, dbuf, dega) = rest
        else:
            acc_out, src_c, dst_c, rows, acc, sem = rest
        c = lax.axis_index("c")
        s = lax.axis_index("s")
        base = (s * _CPP + c * _CA) * _CH
        n_chunks = jnp.where(c == 0, _CA, _CB)

        for k in range(_NPT // _CH):
            r0 = s * _NPT + k * _CH
            pltpu.sync_copy(z_hbm.at[pl.ds(r0, _CH)], rows)
            pltpu.sync_copy(rows, acc.at[pl.ds(r0, _CH)])
        if compute_deg:
            for k in range(_NPT // 16):
                dbuf[pl.ds(16 * k, 16)] = jnp.zeros((16,), jnp.float32)
            for k in range(_CH // 16):
                ones_c[pl.ds(16 * k, 16)] = jnp.ones((16,), jnp.float32)
            pltpu.sync_copy(dbuf, dega.at[pl.ds(s * _NPT, _NPT)])
        plsc.subcore_barrier()

        @pl.loop(0, n_chunks)
        def _(j):
            off = base + j * _CH
            pltpu.sync_copy(src_hbm.at[pl.ds(off, _CH)], src_c)
            pltpu.sync_copy(dst_hbm.at[pl.ds(off, _CH)], dst_c)
            pltpu.async_copy(xt_hbm.at[src_c], rows, sem).wait()
            pltpu.sync_copy(rows, acc.at[dst_c], add=True)
            if compute_deg:
                pltpu.sync_copy(ones_c, dega.at[dst_c], add=True)

        pltpu.sync_copy(acc.at[pl.ds(s * _NPT, _CH)], rows)
        plsc.subcore_barrier()
        for k in range(_NPT // _CH):
            r0 = s * _NPT + k * _CH
            pltpu.sync_copy(acc.at[pl.ds(r0, _CH)], rows)
            pltpu.sync_copy(rows, acc_out.at[pl.ds(c * _NP + r0, _CH)])
        if compute_deg:
            pltpu.sync_copy(dega.at[pl.ds(s * _NPT, _NPT)], dbuf)
            pltpu.sync_copy(dbuf, deg_out.at[pl.ds(c * _NP + s * _NPT, _NPT)])

    return pl.kernel(body, out_type=out_type, mesh=mesh,
                     scratch_types=scratch)


@functools.cache
def _sc_aggs():
    return _make_sc_agg(True), _make_sc_agg(False)


def _lin_body(x_ref, w_ref, b_ref, o_ref):
    o_ref[...] = (jnp.dot(x_ref[...], w_ref[...],
                          preferred_element_type=jnp.float32) + b_ref[...])


def _tc_linear(x, W, b):
    return pl.pallas_call(
        _lin_body,
        grid=(_N // _RB,),
        in_specs=[
            pl.BlockSpec((_RB, _D), lambda i: (i, 0)),
            pl.BlockSpec((_D, _H), lambda i: (0, 0)),
            pl.BlockSpec((1, _H), lambda i: (0, 0)),
        ],
        out_specs=pl.BlockSpec((_RB, _H), lambda i: (i, 0)),
        out_shape=jax.ShapeDtypeStruct((_N, _H), jnp.float32),
    )(x, W, b.reshape(1, _H))


def _norm_relu(m, g, be):
    mu = jnp.mean(m, axis=-1, keepdims=True)
    var = jnp.mean((m - mu) * (m - mu), axis=-1, keepdims=True)
    h = (m - mu) / jnp.sqrt(var + 1e-5) * g + be
    return jnp.maximum(h, 0.0)


def _mid_body(p0_ref, p1_ref, d0_ref, d1_ref, g_ref, be_ref, w_ref, b_ref,
              h_out, xt_out):
    deg = jnp.maximum(d0_ref[...] + d1_ref[...], 1.0)
    m = (p0_ref[0] + p1_ref[0]) / deg
    h = _norm_relu(m, g_ref[...], be_ref[...])
    h_out[...] = h
    xt_out[...] = (jnp.dot(h, w_ref[...],
                           preferred_element_type=jnp.float32) + b_ref[...])


def _tc_mid(acc, d0b, d1b, g, be, W, b):
    return pl.pallas_call(
        _mid_body,
        grid=(_N // _RB,),
        in_specs=[
            pl.BlockSpec((1, _RB, _H), lambda i: (0, i, 0)),
            pl.BlockSpec((1, _RB, _H), lambda i: (1, i, 0)),
            pl.BlockSpec((_RB, _H), lambda i: (i, 0)),
            pl.BlockSpec((_RB, _H), lambda i: (i, 0)),
            pl.BlockSpec((1, _H), lambda i: (0, 0)),
            pl.BlockSpec((1, _H), lambda i: (0, 0)),
            pl.BlockSpec((_H, _H), lambda i: (0, 0)),
            pl.BlockSpec((1, _H), lambda i: (0, 0)),
        ],
        out_specs=[
            pl.BlockSpec((_RB, _H), lambda i: (i, 0)),
            pl.BlockSpec((_RB, _H), lambda i: (i, 0)),
        ],
        out_shape=[
            jax.ShapeDtypeStruct((_N, _H), jnp.float32),
            jax.ShapeDtypeStruct((_N, _H), jnp.float32),
        ],
    )(acc, acc, d0b, d1b, g.reshape(1, _H), be.reshape(1, _H), W,
      b.reshape(1, _H))


def _fin_body(h1_ref, p0_ref, p1_ref, d0_ref, d1_ref, g_ref, be_ref,
              w_ref, b_ref, x0_ref, o_ref):
    deg = jnp.maximum(d0_ref[...] + d1_ref[...], 1.0)
    m = (p0_ref[0] + p1_ref[0]) / deg
    h = _norm_relu(h1_ref[...] + m, g_ref[...], be_ref[...])
    o_ref[...] = (jnp.dot(h, w_ref[...],
                          preferred_element_type=jnp.float32)
                  + b_ref[...] + x0_ref[...])


def _tc_final(h1, acc, d0b, d1b, g, be, Wout, bout, x0):
    return pl.pallas_call(
        _fin_body,
        grid=(_N // _RB,),
        in_specs=[
            pl.BlockSpec((_RB, _H), lambda i: (i, 0)),
            pl.BlockSpec((1, _RB, _H), lambda i: (0, i, 0)),
            pl.BlockSpec((1, _RB, _H), lambda i: (1, i, 0)),
            pl.BlockSpec((_RB, _H), lambda i: (i, 0)),
            pl.BlockSpec((_RB, _H), lambda i: (i, 0)),
            pl.BlockSpec((1, _H), lambda i: (0, 0)),
            pl.BlockSpec((1, _H), lambda i: (0, 0)),
            pl.BlockSpec((_H, _D), lambda i: (0, 0)),
            pl.BlockSpec((1, _D), lambda i: (0, 0)),
            pl.BlockSpec((_RB, _D), lambda i: (i, 0)),
        ],
        out_specs=pl.BlockSpec((_RB, _D), lambda i: (i, 0)),
        out_shape=jax.ShapeDtypeStruct((_N, _D), jnp.float32),
    )(h1, acc, acc, d0b, d1b, g.reshape(1, _H), be.reshape(1, _H),
      Wout, bout.reshape(1, _D), x0)


def kernel(subgraph_embeddings, edge_index, W0, b0, g0, be0,
           W1, b1, g1, be1, Wout, bout):
    x0 = subgraph_embeddings
    pad = _EPAD - _E
    srcp = jnp.concatenate([edge_index[0], jnp.zeros((pad,), jnp.int32)])
    dstp = jnp.concatenate([edge_index[1], jnp.full((pad,), _N, jnp.int32)])
    z128 = jnp.zeros((_NP, _H), jnp.float32)

    sc_agg_deg, sc_agg = _sc_aggs()
    xt0 = _tc_linear(x0, W0, b0)
    acc0, degflat = sc_agg_deg(srcp, dstp, xt0, z128)
    acc0 = acc0.reshape(_NC, _NP, _H)
    degp = degflat.reshape(_NC, _NP)
    d0b = jnp.broadcast_to(degp[0, :_N, None], (_N, _H))
    d1b = jnp.broadcast_to(degp[1, :_N, None], (_N, _H))
    h1, xt1 = _tc_mid(acc0, d0b, d1b, g0, be0, W1, b1)
    acc1 = sc_agg(srcp, dstp, xt1, z128).reshape(_NC, _NP, _H)
    return _tc_final(h1, acc1, d0b, d1b, g1, be1, Wout, bout, x0)

# --- scband reference (transcript-rebuilt; emitter-appended) ---
"""Pipeline reference for scband-graph-based-relation-net-12249246728934 (READ-ONLY COPY).

The authoritative reference and input builder live on the scoring server;
editing this copy changes nothing except your own understanding.
"""

import jax, jax.numpy as jnp
import numpy as np

N = 10000
E = 320000
D = 128
H = 128


def _layer_norm(x, g, b, eps=1e-5):
    mu = jnp.mean(x, axis=-1, keepdims=True)
    var = jnp.var(x, axis=-1, keepdims=True)
    return (x - mu) / jnp.sqrt(var + eps) * g + b


def setup_inputs(seed: int = 0):
    key = jax.random.key(seed)
    ks = jax.random.split(key, 12)
    x = jax.random.normal(ks[0], (N, D), dtype=jnp.float32)
    edge_index = jax.random.randint(ks[1], (2, E), 0, N, dtype=jnp.int32)
    s = 0.05
    W0 = jax.random.normal(ks[2], (D, H), dtype=jnp.float32) * s
    b0 = jnp.zeros((H,), dtype=jnp.float32)
    g0 = jnp.ones((H,), dtype=jnp.float32)
    be0 = jnp.zeros((H,), dtype=jnp.float32)
    W1 = jax.random.normal(ks[3], (H, H), dtype=jnp.float32) * s
    b1 = jnp.zeros((H,), dtype=jnp.float32)
    g1 = jnp.ones((H,), dtype=jnp.float32)
    be1 = jnp.zeros((H,), dtype=jnp.float32)
    Wout = jax.random.normal(ks[4], (H, D), dtype=jnp.float32) * s
    bout = jnp.zeros((D,), dtype=jnp.float32)
    return {"subgraph_embeddings": x, "edge_index": edge_index, "W0": W0, "b0": b0, "g0": g0, "be0": be0, "W1": W1, "b1": b1, "g1": g1, "be1": be1, "Wout": Wout, "bout": bout}


def reference(subgraph_embeddings, edge_index, W0, b0, g0, be0, W1, b1, g1, be1, Wout, bout):
    src = edge_index[0]
    dst = edge_index[1]
    x0 = subgraph_embeddings
    h = x0
    params = [(W0, b0, g0, be0), (W1, b1, g1, be1)]
    for i, (W, b, g, be) in enumerate(params):
        xt = h @ W + b
        msgs = jnp.take(xt, src, axis=0)
        agg = jax.ops.segment_sum(msgs, dst, num_segments=N)
        deg = jax.ops.segment_sum(jnp.ones((E,), dtype=xt.dtype), dst, num_segments=N)
        deg = jnp.maximum(deg, 1.0)[:, None]
        xt = agg / deg
        if i == 0:
            h = xt
        else:
            h = h + xt
        h = _layer_norm(h, g, be)
        h = jax.nn.relu(h)
        # dropout is identity in eval mode
    out = h @ Wout + bout + x0
    return out

if __name__ == "__main__":
    import jax
    _d = setup_inputs()
    print(jax.jit(kernel)(*tuple(_d.values())))

</pallas_src>

<mosaic_0001>
#map = affine_map<(d0, d1) -> (0)>
#map1 = affine_map<(d0, d1) -> (0, 0)>
module attributes {stable_mosaic.version = 14 : i64} {
  func.func @body(%arg0: i32, %arg1: i32, %arg2: memref<323584xi32, #tpu.memory_space<hbm>>, %arg3: memref<323584xi32, #tpu.memory_space<hbm>>, %arg4: memref<10000x128xf32, #tpu.memory_space<hbm>>, %arg5: memref<10240x128xf32, #tpu.memory_space<hbm>>, %arg6: memref<20480x128xf32, #tpu.memory_space<hbm>>, %arg7: memref<20480xf32, #tpu.memory_space<hbm>>, %arg8: memref<128xi32, #tpu.memory_space<vmem>>, %arg9: memref<128xi32, #tpu.memory_space<vmem>>, %arg10: memref<128x128xf32, #tpu.memory_space<vmem>>, %arg11: memref<10240x128xf32, #tpu.memory_space<vmem_shared>>, %arg12: memref<!tpu.dma_semaphore, #tpu.memory_space<semaphore_mem>>, %arg13: memref<128xf32, #tpu.memory_space<vmem>>, %arg14: memref<640xf32, #tpu.memory_space<vmem>>, %arg15: memref<10240xf32, #tpu.memory_space<vmem_shared>>) attributes {dimension_semantics = [#tpu.dimension_semantics<core_parallel>, #tpu.dimension_semantics<subcore_parallel>], iteration_bounds = array<i64: 2, 16>, scalar_prefetch = 0 : i64, scratch_operands = 8 : i64, tpu.core_type = #tpu.core_type<sc_vector_subcore>, window_params = [{transform_indices = #map}, {transform_indices = #map}, {transform_indices = #map1}, {transform_indices = #map1}, {transform_indices = #map1}, {transform_indices = #map}]} {
    %mul3A = arith.constant 158 : i32
    %mul3A_0 = arith.muli %arg1, %mul3A : i32
    %mul3A_1 = arith.constant 95 : i32
    %mul3A_2 = arith.muli %arg0, %mul3A_1 : i32
    %add3A = arith.addi %mul3A_0, %mul3A_2 : i32
    %mul3A_3 = arith.constant 128 : i32
    %mul3A_4 = arith.muli %add3A, %mul3A_3 : i32
    %eq3A = arith.constant 0 : i32
    %eq3A_5 = arith.cmpi eq, %arg0, %eq3A : i32
    %jit3A = arith.constant 95 : i32
    %jit3A_6 = arith.constant 63 : i32
    %select_n3A = arith.select %eq3A_5, %jit3A, %jit3A_6 : i32
    %mul3A_7 = arith.constant 640 : i32
    %mul3A_8 = arith.muli %arg1, %mul3A_7 : i32
    %add3A_9 = arith.constant 0 : i32
    %add3A_10 = arith.addi %mul3A_8, %add3A_9 : i32
    "tpu.region"() ({
      %run_scoped3A = tpu.sem_alloc : memref<!tpu.dma_semaphore, #tpu.memory_space<semaphore_mem>>
      %dma_start3A = arith.constant 0 : i32
      %dma_start3A_376 = tpu.memref_slice %arg5[%add3A_10, %dma_start3A] : memref<10240x128xf32, #tpu.memory_space<hbm>> -> memref<128x128xf32, #tpu.memory_space<hbm>>
      %dma_start3A_377 = arith.constant 0 : i32
      %dma_start3A_378 = tpu.memref_slice %arg5[%add3A_10, %dma_start3A_377] : memref<10240x128xf32, #tpu.memory_space<hbm>> -> memref<128x128xf32, #tpu.memory_space<hbm>>
      tpu.enqueue_dma source(%dma_start3A_378 : memref<128x128xf32, #tpu.memory_space<hbm>>) target(%arg10 : memref<128x128xf32, #tpu.memory_space<vmem>>) target_semaphore(%run_scoped3A : memref<!tpu.dma_semaphore, #tpu.memory_space<semaphore_mem>>)
      %dma_wait3A = arith.constant 0 : i32
      %dma_wait3A_379 = tpu.memref_slice %arg5[%add3A_10, %dma_wait3A] : memref<10240x128xf32, #tpu.memory_space<hbm>> -> memref<128x128xf32, #tpu.memory_space<hbm>>
      %dma_wait3A_380 = arith.constant 0 : i32
      %dma_wait3A_381 = tpu.memref_slice %arg5[%add3A_10, %dma_wait3A_380] : memref<10240x128xf32, #tpu.memory_space<hbm>> -> memref<128x128xf32, #tpu.memory_space<hbm>>
      tpu.wait_dma2 semaphore(%run_scoped3A : memref<!tpu.dma_semaphore, #tpu.memory_space<semaphore_mem>>) src(%dma_wait3A_381 : memref<128x128xf32, #tpu.memory_space<hbm>>) dst(%arg10 : memref<128x128xf32, #tpu.memory_space<vmem>>)
      tpu.yield
    }) : () -> ()
    "tpu.region"() ({
      %run_scoped3A = tpu.sem_alloc : memref<!tpu.dma_semaphore, #tpu.memory_space<semaphore_mem>>
      %dma_start3A = arith.constant 0 : i32
      %dma_start3A_376 = tpu.memref_slice %arg11[%add3A_10, %dma_start3A] : memref<10240x128xf32, #tpu.memory_space<vmem_shared>> -> memref<128x128xf32, #tpu.memory_space<vmem_shared>>
      %dma_start3A_377 = arith.constant 0 : i32
      %dma_start3A_378 = tpu.memref_slice %arg11[%add3A_10, %dma_start3A_377] : memref<10240x128xf32, #tpu.memory_space<vmem_shared>> -> memref<128x128xf32, #tpu.memory_space<vmem_shared>>
      tpu.enqueue_dma source(%arg10 : memref<128x128xf32, #tpu.memory_space<vmem>>) target(%dma_start3A_378 : memref<128x128xf32, #tpu.memory_space<vmem_shared>>) target_semaphore(%run_scoped3A : memref<!tpu.dma_semaphore, #tpu.memory_space<semaphore_mem>>)
      %dma_wait3A = arith.constant 0 : i32
      %dma_wait3A_379 = tpu.memref_slice %arg11[%add3A_10, %dma_wait3A] : memref<10240x128xf32, #tpu.memory_space<vmem_shared>> -> memref<128x128xf32, #tpu.memory_space<vmem_shared>>
      %dma_wait3A_380 = arith.constant 0 : i32
      %dma_wait3A_381 = tpu.memref_slice %arg11[%add3A_10, %dma_wait3A_380] : memref<10240x128xf32, #tpu.memory_space<vmem_shared>> -> memref<128x128xf32, #tpu.memory_space<vmem_shared>>
      tpu.wait_dma2 semaphore(%run_scoped3A : memref<!tpu.dma_semaphore, #tpu.memory_space<semaphore_mem>>) src(%arg10 : memref<128x128xf32, #tpu.memory_space<vmem>>) dst(%dma_wait3A_381 : memref<128x128xf32, #tpu.memory_space<vmem_shared>>)
      tpu.yield
    }) : () -> ()
    %mul3A_11 = arith.constant 640 : i32
    %mul3A_12 = arith.muli %arg1, %mul3A_11 : i32
    %add3A_13 = arith.constant 128 : i32
    %add3A_14 = arith.addi %mul3A_12, %add3A_13 : i32
    "tpu.region"() ({
      %run_scoped3A = tpu.sem_alloc : memref<!tpu.dma_semaphore, #tpu.memory_space<semaphore_mem>>
      %dma_start3A = arith.constant 0 : i32
      %dma_start3A_376 = tpu.memref_slice %arg5[%add3A_14, %dma_start3A] : memref<10240x128xf32, #tpu.memory_space<hbm>> -> memref<128x128xf32, #tpu.memory_space<hbm>>
      %dma_start3A_377 = arith.constant 0 : i32
      %dma_start3A_378 = tpu.memref_slice %arg5[%add3A_14, %dma_start3A_377] : memref<10240x128xf32, #tpu.memory_space<hbm>> -> memref<128x128xf32, #tpu.memory_space<hbm>>
      tpu.enqueue_dma source(%dma_start3A_378 : memref<128x128xf32, #tpu.memory_space<hbm>>) target(%arg10 : memref<128x128xf32, #tpu.memory_space<vmem>>) target_semaphore(%run_scoped3A : memref<!tpu.dma_semaphore, #tpu.memory_space<semaphore_mem>>)
      %dma_wait3A = arith.constant 0 : i32
      %dma_wait3A_379 = tpu.memref_slice %arg5[%add3A_14, %dma_wait3A] : memref<10240x128xf32, #tpu.memory_space<hbm>> -> memref<128x128xf32, #tpu.memory_space<hbm>>
      %dma_wait3A_380 = arith.constant 0 : i32
      %dma_wait3A_381 = tpu.memref_slice %arg5[%add3A_14, %dma_wait3A_380] : memref<10240x128xf32, #tpu.memory_space<hbm>> -> memref<128x128xf32, #tpu.memory_space<hbm>>
      tpu.wait_dma2 semaphore(%run_scoped3A : memref<!tpu.dma_semaphore, #tpu.memory_space<semaphore_mem>>) src(%dma_wait3A_381 : memref<128x128xf32, #tpu.memory_space<hbm>>) dst(%arg10 : memref<128x128xf32, #tpu.memory_space<vmem>>)
      tpu.yield
    }) : () -> ()
    "tpu.region"() ({
      %run_scoped3A = tpu.sem_alloc : memref<!tpu.dma_semaphore, #tpu.memory_space<semaphore_mem>>
      %dma_start3A = arith.constant 0 : i32
      %dma_start3A_376 = tpu.memref_slice %arg11[%add3A_14, %dma_start3A] : memref<10240x128xf32, #tpu.memory_space<vmem_shared>> -> memref<128x128xf32, #tpu.memory_space<vmem_shared>>
      %dma_start3A_377 = arith.constant 0 : i32
      %dma_start3A_378 = tpu.memref_slice %arg11[%add3A_14, %dma_start3A_377] : memref<10240x128xf32, #tpu.memory_space<vmem_shared>> -> memref<128x128xf32, #tpu.memory_space<vmem_shared>>
      tpu.enqueue_dma source(%arg10 : memref<128x128xf32, #tpu.memory_space<vmem>>) target(%dma_start3A_378 : memref<128x128xf32, #tpu.memory_space<vmem_shared>>) target_semaphore(%run_scoped3A : memref<!tpu.dma_semaphore, #tpu.memory_space<semaphore_mem>>)
      %dma_wait3A = arith.constant 0 : i32
      %dma_wait3A_379 = tpu.memref_slice %arg11[%add3A_14, %dma_wait3A] : memref<10240x128xf32, #tpu.memory_space<vmem_shared>> -> memref<128x128xf32, #tpu.memory_space<vmem_shared>>
      %dma_wait3A_380 = arith.constant 0 : i32
      %dma_wait3A_381 = tpu.memref_slice %arg11[%add3A_14, %dma_wait3A_380] : memref<10240x128xf32, #tpu.memory_space<vmem_shared>> -> memref<128x128xf32, #tpu.memory_space<vmem_shared>>
      tpu.wait_dma2 semaphore(%run_scoped3A : memref<!tpu.dma_semaphore, #tpu.memory_space<semaphore_mem>>) src(%arg10 : memref<128x128xf32, #tpu.memory_space<vmem>>) dst(%dma_wait3A_381 : memref<128x128xf32, #tpu.memory_space<vmem_shared>>)
      tpu.yield
    }) : () -> ()
    %mul3A_15 = arith.constant 640 : i32
    %mul3A_16 = arith.muli %arg1, %mul3A_15 : i32
    %add3A_17 = arith.constant 256 : i32
    %add3A_18 = arith.addi %mul3A_16, %add3A_17 : i32
    "tpu.region"() ({
      %run_scoped3A = tpu.sem_alloc : memref<!tpu.dma_semaphore, #tpu.memory_space<semaphore_mem>>
      %dma_start3A = arith.constant 0 : i32
      %dma_start3A_376 = tpu.memref_slice %arg5[%add3A_18, %dma_start3A] : memref<10240x128xf32, #tpu.memory_space<hbm>> -> memref<128x128xf32, #tpu.memory_space<hbm>>
      %dma_start3A_377 = arith.constant 0 : i32
      %dma_start3A_378 = tpu.memref_slice %arg5[%add3A_18, %dma_start3A_377] : memref<10240x128xf32, #tpu.memory_space<hbm>> -> memref<128x128xf32, #tpu.memory_space<hbm>>
      tpu.enqueue_dma source(%dma_start3A_378 : memref<128x128xf32, #tpu.memory_space<hbm>>) target(%arg10 : memref<128x128xf32, #tpu.memory_space<vmem>>) target_semaphore(%run_scoped3A : memref<!tpu.dma_semaphore, #tpu.memory_space<semaphore_mem>>)
      %dma_wait3A = arith.constant 0 : i32
      %dma_wait3A_379 = tpu.memref_slice %arg5[%add3A_18, %dma_wait3A] : memref<10240x128xf32, #tpu.memory_space<hbm>> -> memref<128x128xf32, #tpu.memory_space<hbm>>
      %dma_wait3A_380 = arith.constant 0 : i32
      %dma_wait3A_381 = tpu.memref_slice %arg5[%add3A_18, %dma_wait3A_380] : memref<10240x128xf32, #tpu.memory_space<hbm>> -> memref<128x128xf32, #tpu.memory_space<hbm>>
      tpu.wait_dma2 semaphore(%run_scoped3A : memref<!tpu.dma_semaphore, #tpu.memory_space<semaphore_mem>>) src(%dma_wait3A_381 : memref<128x128xf32, #tpu.memory_space<hbm>>) dst(%arg10 : memref<128x128xf32, #tpu.memory_space<vmem>>)
      tpu.yield
    }) : () -> ()
    "tpu.region"() ({
      %run_scoped3A = tpu.sem_alloc : memref<!tpu.dma_semaphore, #tpu.memory_space<semaphore_mem>>
      %dma_start3A = arith.constant 0 : i32
      %dma_start3A_376 = tpu.memref_slice %arg11[%add3A_18, %dma_start3A] : memref<10240x128xf32, #tpu.memory_space<vmem_shared>> -> memref<128x128xf32, #tpu.memory_space<vmem_shared>>
      %dma_start3A_377 = arith.constant 0 : i32
      %dma_start3A_378 = tpu.memref_slice %arg11[%add3A_18, %dma_start3A_377] : memref<10240x128xf32, #tpu.memory_space<vmem_shared>> -> memref<128x128xf32, #tpu.memory_space<vmem_shared>>
      tpu.enqueue_dma source(%arg10 : memref<128x128xf32, #tpu.memory_space<vmem>>) target(%dma_start3A_378 : memref<128x128xf32, #tpu.memory_space<vmem_shared>>) target_semaphore(%run_scoped3A : memref<!tpu.dma_semaphore, #tpu.memory_space<semaphore_mem>>)
      %dma_wait3A = arith.constant 0 : i32
      %dma_wait3A_379 = tpu.memref_slice %arg11[%add3A_18, %dma_wait3A] : memref<10240x128xf32, #tpu.memory_space<vmem_shared>> -> memref<128x128xf32, #tpu.memory_space<vmem_shared>>
      %dma_wait3A_380 = arith.constant 0 : i32
      %dma_wait3A_381 = tpu.memref_slice %arg11[%add3A_18, %dma_wait3A_380] : memref<10240x128xf32, #tpu.memory_space<vmem_shared>> -> memref<128x128xf32, #tpu.memory_space<vmem_shared>>
      tpu.wait_dma2 semaphore(%run_scoped3A : memref<!tpu.dma_semaphore, #tpu.memory_space<semaphore_mem>>) src(%arg10 : memref<128x128xf32, #tpu.memory_space<vmem>>) dst(%dma_wait3A_381 : memref<128x128xf32, #tpu.memory_space<vmem_shared>>)
      tpu.yield
    }) : () -> ()
    %mul3A_19 = arith.constant 640 : i32
    %mul3A_20 = arith.muli %arg1, %mul3A_19 : i32
    %add3A_21 = arith.constant 384 : i32
    %add3A_22 = arith.addi %mul3A_20, %add3A_21 : i32
    "tpu.region"() ({
      %run_scoped3A = tpu.sem_alloc : memref<!tpu.dma_semaphore, #tpu.memory_space<semaphore_mem>>
      %dma_start3A = arith.constant 0 : i32
      %dma_start3A_376 = tpu.memref_slice %arg5[%add3A_22, %dma_start3A] : memref<10240x128xf32, #tpu.memory_space<hbm>> -> memref<128x128xf32, #tpu.memory_space<hbm>>
      %dma_start3A_377 = arith.constant 0 : i32
      %dma_start3A_378 = tpu.memref_slice %arg5[%add3A_22, %dma_start3A_377] : memref<10240x128xf32, #tpu.memory_space<hbm>> -> memref<128x128xf32, #tpu.memory_space<hbm>>
      tpu.enqueue_dma source(%dma_start3A_378 : memref<128x128xf32, #tpu.memory_space<hbm>>) target(%arg10 : memref<128x128xf32, #tpu.memory_space<vmem>>) target_semaphore(%run_scoped3A : memref<!tpu.dma_semaphore, #tpu.memory_space<semaphore_mem>>)
      %dma_wait3A = arith.constant 0 : i32
      %dma_wait3A_379 = tpu.memref_slice %arg5[%add3A_22, %dma_wait3A] : memref<10240x128xf32, #tpu.memory_space<hbm>> -> memref<128x128xf32, #tpu.memory_space<hbm>>
      %dma_wait3A_380 = arith.constant 0 : i32
      %dma_wait3A_381 = tpu.memref_slice %arg5[%add3A_22, %dma_wait3A_380] : memref<10240x128xf32, #tpu.memory_space<hbm>> -> memref<128x128xf32, #tpu.memory_space<hbm>>
      tpu.wait_dma2 semaphore(%run_scoped3A : memref<!tpu.dma_semaphore, #tpu.memory_space<semaphore_mem>>) src(%dma_wait3A_381 : memref<128x128xf32, #tpu.memory_space<hbm>>) dst(%arg10 : memref<128x128xf32, #tpu.memory_space<vmem>>)
      tpu.yield
    }) : () -> ()
    "tpu.region"() ({
      %run_scoped3A = tpu.sem_alloc : memref<!tpu.dma_semaphore, #tpu.memory_space<semaphore_mem>>
      %dma_start3A = arith.constant 0 : i32
      %dma_start3A_376 = tpu.memref_slice %arg11[%add3A_22, %dma_start3A] : memref<10240x128xf32, #tpu.memory_space<vmem_shared>> -> memref<128x128xf32, #tpu.memory_space<vmem_shared>>
      %dma_start3A_377 = arith.constant 0 : i32
      %dma_start3A_378 = tpu.memref_slice %arg11[%add3A_22, %dma_start3A_377] : memref<10240x128xf32, #tpu.memory_space<vmem_shared>> -> memref<128x128xf32, #tpu.memory_space<vmem_shared>>
      tpu.enqueue_dma source(%arg10 : memref<128x128xf32, #tpu.memory_space<vmem>>) target(%dma_start3A_378 : memref<128x128xf32, #tpu.memory_space<vmem_shared>>) target_semaphore(%run_scoped3A : memref<!tpu.dma_semaphore, #tpu.memory_space<semaphore_mem>>)
      %dma_wait3A = arith.constant 0 : i32
      %dma_wait3A_379 = tpu.memref_slice %arg11[%add3A_22, %dma_wait3A] : memref<10240x128xf32, #tpu.memory_space<vmem_shared>> -> memref<128x128xf32, #tpu.memory_space<vmem_shared>>
      %dma_wait3A_380 = arith.constant 0 : i32
      %dma_wait3A_381 = tpu.memref_slice %arg11[%add3A_22, %dma_wait3A_380] : memref<10240x128xf32, #tpu.memory_space<vmem_shared>> -> memref<128x128xf32, #tpu.memory_space<vmem_shared>>
      tpu.wait_dma2 semaphore(%run_scoped3A : memref<!tpu.dma_semaphore, #tpu.memory_space<semaphore_mem>>) src(%arg10 : memref<128x128xf32, #tpu.memory_space<vmem>>) dst(%dma_wait3A_381 : memref<128x128xf32, #tpu.memory_space<vmem_shared>>)
      tpu.yield
    }) : () -> ()
    %mul3A_23 = arith.constant 640 : i32
    %mul3A_24 = arith.muli %arg1, %mul3A_23 : i32
    %add3A_25 = arith.constant 512 : i32
    %add3A_26 = arith.addi %mul3A_24, %add3A_25 : i32
    "tpu.region"() ({
      %run_scoped3A = tpu.sem_alloc : memref<!tpu.dma_semaphore, #tpu.memory_space<semaphore_mem>>
      %dma_start3A = arith.constant 0 : i32
      %dma_start3A_376 = tpu.memref_slice %arg5[%add3A_26, %dma_start3A] : memref<10240x128xf32, #tpu.memory_space<hbm>> -> memref<128x128xf32, #tpu.memory_space<hbm>>
      %dma_start3A_377 = arith.constant 0 : i32
      %dma_start3A_378 = tpu.memref_slice %arg5[%add3A_26, %dma_start3A_377] : memref<10240x128xf32, #tpu.memory_space<hbm>> -> memref<128x128xf32, #tpu.memory_space<hbm>>
      tpu.enqueue_dma source(%dma_start3A_378 : memref<128x128xf32, #tpu.memory_space<hbm>>) target(%arg10 : memref<128x128xf32, #tpu.memory_space<vmem>>) target_semaphore(%run_scoped3A : memref<!tpu.dma_semaphore, #tpu.memory_space<semaphore_mem>>)
      %dma_wait3A = arith.constant 0 : i32
      %dma_wait3A_379 = tpu.memref_slice %arg5[%add3A_26, %dma_wait3A] : memref<10240x128xf32, #tpu.memory_space<hbm>> -> memref<128x128xf32, #tpu.memory_space<hbm>>
      %dma_wait3A_380 = arith.constant 0 : i32
      %dma_wait3A_381 = tpu.memref_slice %arg5[%add3A_26, %dma_wait3A_380] : memref<10240x128xf32, #tpu.memory_space<hbm>> -> memref<128x128xf32, #tpu.memory_space<hbm>>
      tpu.wait_dma2 semaphore(%run_scoped3A : memref<!tpu.dma_semaphore, #tpu.memory_space<semaphore_mem>>) src(%dma_wait3A_381 : memref<128x128xf32, #tpu.memory_space<hbm>>) dst(%arg10 : memref<128x128xf32, #tpu.memory_space<vmem>>)
      tpu.yield
    }) : () -> ()
    "tpu.region"() ({
      %run_scoped3A = tpu.sem_alloc : memref<!tpu.dma_semaphore, #tpu.memory_space<semaphore_mem>>
      %dma_start3A = arith.constant 0 : i32
      %dma_start3A_376 = tpu.memref_slice %arg11[%add3A_26, %dma_start3A] : memref<10240x128xf32, #tpu.memory_space<vmem_shared>> -> memref<128x128xf32, #tpu.memory_space<vmem_shared>>
      %dma_start3A_377 = arith.constant 0 : i32
      %dma_start3A_378 = tpu.memref_slice %arg11[%add3A_26, %dma_start3A_377] : memref<10240x128xf32, #tpu.memory_space<vmem_shared>> -> memref<128x128xf32, #tpu.memory_space<vmem_shared>>
      tpu.enqueue_dma source(%arg10 : memref<128x128xf32, #tpu.memory_space<vmem>>) target(%dma_start3A_378 : memref<128x128xf32, #tpu.memory_space<vmem_shared>>) target_semaphore(%run_scoped3A : memref<!tpu.dma_semaphore, #tpu.memory_space<semaphore_mem>>)
      %dma_wait3A = arith.constant 0 : i32
      %dma_wait3A_379 = tpu.memref_slice %arg11[%add3A_26, %dma_wait3A] : memref<10240x128xf32, #tpu.memory_space<vmem_shared>> -> memref<128x128xf32, #tpu.memory_space<vmem_shared>>
      %dma_wait3A_380 = arith.constant 0 : i32
      %dma_wait3A_381 = tpu.memref_slice %arg11[%add3A_26, %dma_wait3A_380] : memref<10240x128xf32, #tpu.memory_space<vmem_shared>> -> memref<128x128xf32, #tpu.memory_space<vmem_shared>>
      tpu.wait_dma2 semaphore(%run_scoped3A : memref<!tpu.dma_semaphore, #tpu.memory_space<semaphore_mem>>) src(%arg10 : memref<128x128xf32, #tpu.memory_space<vmem>>) dst(%dma_wait3A_381 : memref<128x128xf32, #tpu.memory_space<vmem_shared>>)
      tpu.yield
    }) : () -> ()
    %broadcast_in_dim3A = arith.constant 0.000000e+00 : f32
    %broadcast_in_dim3A_27 = vector.broadcast %broadcast_in_dim3A : f32 to vector<16xf32>
    %swap3A = arith.constant 0 : index
    %swap3A_28 = tpu.vector_load %arg14[%swap3A] {strides = array<i32>} : memref<640xf32, #tpu.memory_space<vmem>>, vector<16xf32>,
    %swap3A_29 = vector.shape_cast %swap3A_28 : vector<16xf32> to vector<16xf32>
    %swap3A_30 = vector.shape_cast %broadcast_in_dim3A_27 : vector<16xf32> to vector<16xf32>
    tpu.vector_store %arg14[%swap3A], %swap3A_30 {strides = array<i32>} : memref<640xf32, #tpu.memory_space<vmem>>, vector<16xf32>,
    %broadcast_in_dim3A_31 = arith.constant 0.000000e+00 : f32
    %broadcast_in_dim3A_32 = vector.broadcast %broadcast_in_dim3A_31 : f32 to vector<16xf32>
    %swap3A_33 = arith.constant 16 : index
    %swap3A_34 = tpu.vector_load %arg14[%swap3A_33] {strides = array<i32>} : memref<640xf32, #tpu.memory_space<vmem>>, vector<16xf32>,
    %swap3A_35 = vector.shape_cast %swap3A_34 : vector<16xf32> to vector<16xf32>
    %swap3A_36 = vector.shape_cast %broadcast_in_dim3A_32 : vector<16xf32> to vector<16xf32>
    tpu.vector_store %arg14[%swap3A_33], %swap3A_36 {strides = array<i32>} : memref<640xf32, #tpu.memory_space<vmem>>, vector<16xf32>,
    %broadcast_in_dim3A_37 = arith.constant 0.000000e+00 : f32
    %broadcast_in_dim3A_38 = vector.broadcast %broadcast_in_dim3A_37 : f32 to vector<16xf32>
    %swap3A_39 = arith.constant 32 : index
    %swap3A_40 = tpu.vector_load %arg14[%swap3A_39] {strides = array<i32>} : memref<640xf32, #tpu.memory_space<vmem>>, vector<16xf32>,
    %swap3A_41 = vector.shape_cast %swap3A_40 : vector<16xf32> to vector<16xf32>
    %swap3A_42 = vector.shape_cast %broadcast_in_dim3A_38 : vector<16xf32> to vector<16xf32>
    tpu.vector_store %arg14[%swap3A_39], %swap3A_42 {strides = array<i32>} : memref<640xf32, #tpu.memory_space<vmem>>, vector<16xf32>,
    %broadcast_in_dim3A_43 = arith.constant 0.000000e+00 : f32
    %broadcast_in_dim3A_44 = vector.broadcast %broadcast_in_dim3A_43 : f32 to vector<16xf32>
    %swap3A_45 = arith.constant 48 : index
    %swap3A_46 = tpu.vector_load %arg14[%swap3A_45] {strides = array<i32>} : memref<640xf32, #tpu.memory_space<vmem>>, vector<16xf32>,
    %swap3A_47 = vector.shape_cast %swap3A_46 : vector<16xf32> to vector<16xf32>
    %swap3A_48 = vector.shape_cast %broadcast_in_dim3A_44 : vector<16xf32> to vector<16xf32>
    tpu.vector_store %arg14[%swap3A_45], %swap3A_48 {strides = array<i32>} : memref<640xf32, #tpu.memory_space<vmem>>, vector<16xf32>,
    %broadcast_in_dim3A_49 = arith.constant 0.000000e+00 : f32
    %broadcast_in_dim3A_50 = vector.broadcast %broadcast_in_dim3A_49 : f32 to vector<16xf32>
    %swap3A_51 = arith.constant 64 : index
    %swap3A_52 = tpu.vector_load %arg14[%swap3A_51] {strides = array<i32>} : memref<640xf32, #tpu.memory_space<vmem>>, vector<16xf32>,
    %swap3A_53 = vector.shape_cast %swap3A_52 : vector<16xf32> to vector<16xf32>
    %swap3A_54 = vector.shape_cast %broadcast_in_dim3A_50 : vector<16xf32> to vector<16xf32>
    tpu.vector_store %arg14[%swap3A_51], %swap3A_54 {strides = array<i32>} : memref<640xf32, #tpu.memory_space<vmem>>, vector<16xf32>,
    %broadcast_in_dim3A_55 = arith.constant 0.000000e+00 : f32
    %broadcast_in_dim3A_56 = vector.broadcast %broadcast_in_dim3A_55 : f32 to vector<16xf32>
    %swap3A_57 = arith.constant 80 : index
    %swap3A_58 = tpu.vector_load %arg14[%swap3A_57] {strides = array<i32>} : memref<640xf32, #tpu.memory_space<vmem>>, vector<16xf32>,
    %swap3A_59 = vector.shape_cast %swap3A_58 : vector<16xf32> to vector<16xf32>
    %swap3A_60 = vector.shape_cast %broadcast_in_dim3A_56 : vector<16xf32> to vector<16xf32>
    tpu.vector_store %arg14[%swap3A_57], %swap3A_60 {strides = array<i32>} : memref<640xf32, #tpu.memory_space<vmem>>, vector<16xf32>,
    %broadcast_in_dim3A_61 = arith.constant 0.000000e+00 : f32
    %broadcast_in_dim3A_62 = vector.broadcast %broadcast_in_dim3A_61 : f32 to vector<16xf32>
    %swap3A_63 = arith.constant 96 : index
    %swap3A_64 = tpu.vector_load %arg14[%swap3A_63] {strides = array<i32>} : memref<640xf32, #tpu.memory_space<vmem>>, vector<16xf32>,
    %swap3A_65 = vector.shape_cast %swap3A_64 : vector<16xf32> to vector<16xf32>
    %swap3A_66 = vector.shape_cast %broadcast_in_dim3A_62 : vector<16xf32> to vector<16xf32>
    tpu.vector_store %arg14[%swap3A_63], %swap3A_66 {strides = array<i32>} : memref<640xf32, #tpu.memory_space<vmem>>, vector<16xf32>,
    %broadcast_in_dim3A_67 = arith.constant 0.000000e+00 : f32
    %broadcast_in_dim3A_68 = vector.broadcast %broadcast_in_dim3A_67 : f32 to vector<16xf32>
    %swap3A_69 = arith.constant 112 : index
    %swap3A_70 = tpu.vector_load %arg14[%swap3A_69] {strides = array<i32>} : memref<640xf32, #tpu.memory_space<vmem>>, vector<16xf32>,
    %swap3A_71 = vector.shape_cast %swap3A_70 : vector<16xf32> to vector<16xf32>
    %swap3A_72 = vector.shape_cast %broadcast_in_dim3A_68 : vector<16xf32> to vector<16xf32>
    tpu.vector_store %arg14[%swap3A_69], %swap3A_72 {strides = array<i32>} : memref<640xf32, #tpu.memory_space<vmem>>, vector<16xf32>,
    %broadcast_in_dim3A_73 = arith.constant 0.000000e+00 : f32
    %broadcast_in_dim3A_74 = vector.broadcast %broadcast_in_dim3A_73 : f32 to vector<16xf32>
    %swap3A_75 = arith.constant 128 : index
    %swap3A_76 = tpu.vector_load %arg14[%swap3A_75] {strides = array<i32>} : memref<640xf32, #tpu.memory_space<vmem>>, vector<16xf32>,
    %swap3A_77 = vector.shape_cast %swap3A_76 : vector<16xf32> to vector<16xf32>
    %swap3A_78 = vector.shape_cast %broadcast_in_dim3A_74 : vector<16xf32> to vector<16xf32>
    tpu.vector_store %arg14[%swap3A_75], %swap3A_78 {strides = array<i32>} : memref<640xf32, #tpu.memory_space<vmem>>, vector<16xf32>,
    %broadcast_in_dim3A_79 = arith.constant 0.000000e+00 : f32
    %broadcast_in_dim3A_80 = vector.broadcast %broadcast_in_dim3A_79 : f32 to vector<16xf32>
    %swap3A_81 = arith.constant 144 : index
    %swap3A_82 = tpu.vector_load %arg14[%swap3A_81] {strides = array<i32>} : memref<640xf32, #tpu.memory_space<vmem>>, vector<16xf32>,
    %swap3A_83 = vector.shape_cast %swap3A_82 : vector<16xf32> to vector<16xf32>
    %swap3A_84 = vector.shape_cast %broadcast_in_dim3A_80 : vector<16xf32> to vector<16xf32>
    tpu.vector_store %arg14[%swap3A_81], %swap3A_84 {strides = array<i32>} : memref<640xf32, #tpu.memory_space<vmem>>, vector<16xf32>,
    %broadcast_in_dim3A_85 = arith.constant 0.000000e+00 : f32
    %broadcast_in_dim3A_86 = vector.broadcast %broadcast_in_dim3A_85 : f32 to vector<16xf32>
    %swap3A_87 = arith.constant 160 : index
    %swap3A_88 = tpu.vector_load %arg14[%swap3A_87] {strides = array<i32>} : memref<640xf32, #tpu.memory_space<vmem>>, vector<16xf32>,
    %swap3A_89 = vector.shape_cast %swap3A_88 : vector<16xf32> to vector<16xf32>
    %swap3A_90 = vector.shape_cast %broadcast_in_dim3A_86 : vector<16xf32> to vector<16xf32>
    tpu.vector_store %arg14[%swap3A_87], %swap3A_90 {strides = array<i32>} : memref<640xf32, #tpu.memory_space<vmem>>, vector<16xf32>,
    %broadcast_in_dim3A_91 = arith.constant 0.000000e+00 : f32
    %broadcast_in_dim3A_92 = vector.broadcast %broadcast_in_dim3A_91 : f32 to vector<16xf32>
    %swap3A_93 = arith.constant 176 : index
    %swap3A_94 = tpu.vector_load %arg14[%swap3A_93] {strides = array<i32>} : memref<640xf32, #tpu.memory_space<vmem>>, vector<16xf32>,
    %swap3A_95 = vector.shape_cast %swap3A_94 : vector<16xf32> to vector<16xf32>
    %swap3A_96 = vector.shape_cast %broadcast_in_dim3A_92 : vector<16xf32> to vector<16xf32>
    tpu.vector_store %arg14[%swap3A_93], %swap3A_96 {strides = array<i32>} : memref<640xf32, #tpu.memory_space<vmem>>, vector<16xf32>,
    %broadcast_in_dim3A_97 = arith.constant 0.000000e+00 : f32
    %broadcast_in_dim3A_98 = vector.broadcast %broadcast_in_dim3A_97 : f32 to vector<16xf32>
    %swap3A_99 = arith.constant 192 : index
    %swap3A_100 = tpu.vector_load %arg14[%swap3A_99] {strides = array<i32>} : memref<640xf32, #tpu.memory_space<vmem>>, vector<16xf32>,
    %swap3A_101 = vector.shape_cast %swap3A_100 : vector<16xf32> to vector<16xf32>
    %swap3A_102 = vector.shape_cast %broadcast_in_dim3A_98 : vector<16xf32> to vector<16xf32>
    tpu.vector_store %arg14[%swap3A_99], %swap3A_102 {strides = array<i32>} : memref<640xf32, #tpu.memory_space<vmem>>, vector<16xf32>,
    %broadcast_in_dim3A_103 = arith.constant 0.000000e+00 : f32
    %broadcast_in_dim3A_104 = vector.broadcast %broadcast_in_dim3A_103 : f32 to vector<16xf32>
    %swap3A_105 = arith.constant 208 : index
    %swap3A_106 = tpu.vector_load %arg14[%swap3A_105] {strides = array<i32>} : memref<640xf32, #tpu.memory_space<vmem>>, vector<16xf32>,
    %swap3A_107 = vector.shape_cast %swap3A_106 : vector<16xf32> to vector<16xf32>
    %swap3A_108 = vector.shape_cast %broadcast_in_dim3A_104 : vector<16xf32> to vector<16xf32>
    tpu.vector_store %arg14[%swap3A_105], %swap3A_108 {strides = array<i32>} : memref<640xf32, #tpu.memory_space<vmem>>, vector<16xf32>,
    %broadcast_in_dim3A_109 = arith.constant 0.000000e+00 : f32
    %broadcast_in_dim3A_110 = vector.broadcast %broadcast_in_dim3A_109 : f32 to vector<16xf32>
    %swap3A_111 = arith.constant 224 : index
    %swap3A_112 = tpu.vector_load %arg14[%swap3A_111] {strides = array<i32>} : memref<640xf32, #tpu.memory_space<vmem>>, vector<16xf32>,
    %swap3A_113 = vector.shape_cast %swap3A_112 : vector<16xf32> to vector<16xf32>
    %swap3A_114 = vector.shape_cast %broadcast_in_dim3A_110 : vector<16xf32> to vector<16xf32>
    tpu.vector_store %arg14[%swap3A_111], %swap3A_114 {strides = array<i32>} : memref<640xf32, #tpu.memory_space<vmem>>, vector<16xf32>,
    %broadcast_in_dim3A_115 = arith.constant 0.000000e+00 : f32
    %broadcast_in_dim3A_116 = vector.broadcast %broadcast_in_dim3A_115 : f32 to vector<16xf32>
    %swap3A_117 = arith.constant 240 : index
    %swap3A_118 = tpu.vector_load %arg14[%swap3A_117] {strides = array<i32>} : memref<640xf32, #tpu.memory_space<vmem>>, vector<16xf32>,
    %swap3A_119 = vector.shape_cast %swap3A_118 : vector<16xf32> to vector<16xf32>
    %swap3A_120 = vector.shape_cast %broadcast_in_dim3A_116 : vector<16xf32> to vector<16xf32>
    tpu.vector_store %arg14[%swap3A_117], %swap3A_120 {strides = array<i32>} : memref<640xf32, #tpu.memory_space<vmem>>, vector<16xf32>,
    %broadcast_in_dim3A_121 = arith.constant 0.000000e+00 : f32
    %broadcast_in_dim3A_122 = vector.broadcast %broadcast_in_dim3A_121 : f32 to vector<16xf32>
    %swap3A_123 = arith.constant 256 : index
    %swap3A_124 = tpu.vector_load %arg14[%swap3A_123] {strides = array<i32>} : memref<640xf32, #tpu.memory_space<vmem>>, vector<16xf32>,
    %swap3A_125 = vector.shape_cast %swap3A_124 : vector<16xf32> to vector<16xf32>
    %swap3A_126 = vector.shape_cast %broadcast_in_dim3A_122 : vector<16xf32> to vector<16xf32>
    tpu.vector_store %arg14[%swap3A_123], %swap3A_126 {strides = array<i32>} : memref<640xf32, #tpu.memory_space<vmem>>, vector<16xf32>,
    %broadcast_in_dim3A_127 = arith.constant 0.000000e+00 : f32
    %broadcast_in_dim3A_128 = vector.broadcast %broadcast_in_dim3A_127 : f32 to vector<16xf32>
    %swap3A_129 = arith.constant 272 : index
    %swap3A_130 = tpu.vector_load %arg14[%swap3A_129] {strides = array<i32>} : memref<640xf32, #tpu.memory_space<vmem>>, vector<16xf32>,
    %swap3A_131 = vector.shape_cast %swap3A_130 : vector<16xf32> to vector<16xf32>
    %swap3A_132 = vector.shape_cast %broadcast_in_dim3A_128 : vector<16xf32> to vector<16xf32>
    tpu.vector_store %arg14[%swap3A_129], %swap3A_132 {strides = array<i32>} : memref<640xf32, #tpu.memory_space<vmem>>, vector<16xf32>,
    %broadcast_in_dim3A_133 = arith.constant 0.000000e+00 : f32
    %broadcast_in_dim3A_134 = vector.broadcast %broadcast_in_dim3A_133 : f32 to vector<16xf32>
    %swap3A_135 = arith.constant 288 : index
    %swap3A_136 = tpu.vector_load %arg14[%swap3A_135] {strides = array<i32>} : memref<640xf32, #tpu.memory_space<vmem>>, vector<16xf32>,
    %swap3A_137 = vector.shape_cast %swap3A_136 : vector<16xf32> to vector<16xf32>
    %swap3A_138 = vector.shape_cast %broadcast_in_dim3A_134 : vector<16xf32> to vector<16xf32>
    tpu.vector_store %arg14[%swap3A_135], %swap3A_138 {strides = array<i32>} : memref<640xf32, #tpu.memory_space<vmem>>, vector<16xf32>,
    %broadcast_in_dim3A_139 = arith.constant 0.000000e+00 : f32
    %broadcast_in_dim3A_140 = vector.broadcast %broadcast_in_dim3A_139 : f32 to vector<16xf32>
    %swap3A_141 = arith.constant 304 : index
    %swap3A_142 = tpu.vector_load %arg14[%swap3A_141] {strides = array<i32>} : memref<640xf32, #tpu.memory_space<vmem>>, vector<16xf32>,
    %swap3A_143 = vector.shape_cast %swap3A_142 : vector<16xf32> to vector<16xf32>
    %swap3A_144 = vector.shape_cast %broadcast_in_dim3A_140 : vector<16xf32> to vector<16xf32>
    tpu.vector_store %arg14[%swap3A_141], %swap3A_144 {strides = array<i32>} : memref<640xf32, #tpu.memory_space<vmem>>, vector<16xf32>,
    %broadcast_in_dim3A_145 = arith.constant 0.000000e+00 : f32
    %broadcast_in_dim3A_146 = vector.broadcast %broadcast_in_dim3A_145 : f32 to vector<16xf32>
    %swap3A_147 = arith.constant 320 : index
    %swap3A_148 = tpu.vector_load %arg14[%swap3A_147] {strides = array<i32>} : memref<640xf32, #tpu.memory_space<vmem>>, vector<16xf32>,
    %swap3A_149 = vector.shape_cast %swap3A_148 : vector<16xf32> to vector<16xf32>
    %swap3A_150 = vector.shape_cast %broadcast_in_dim3A_146 : vector<16xf32> to vector<16xf32>
    tpu.vector_store %arg14[%swap3A_147], %swap3A_150 {strides = array<i32>} : memref<640xf32, #tpu.memory_space<vmem>>, vector<16xf32>,
    %broadcast_in_dim3A_151 = arith.constant 0.000000e+00 : f32
    %broadcast_in_dim3A_152 = vector.broadcast %broadcast_in_dim3A_151 : f32 to vector<16xf32>
    %swap3A_153 = arith.constant 336 : index
    %swap3A_154 = tpu.vector_load %arg14[%swap3A_153] {strides = array<i32>} : memref<640xf32, #tpu.memory_space<vmem>>, vector<16xf32>,
    %swap3A_155 = vector.shape_cast %swap3A_154 : vector<16xf32> to vector<16xf32>
    %swap3A_156 = vector.shape_cast %broadcast_in_dim3A_152 : vector<16xf32> to vector<16xf32>
    tpu.vector_store %arg14[%swap3A_153], %swap3A_156 {strides = array<i32>} : memref<640xf32, #tpu.memory_space<vmem>>, vector<16xf32>,
    %broadcast_in_dim3A_157 = arith.constant 0.000000e+00 : f32
    %broadcast_in_dim3A_158 = vector.broadcast %broadcast_in_dim3A_157 : f32 to vector<16xf32>
    %swap3A_159 = arith.constant 352 : index
    %swap3A_160 = tpu.vector_load %arg14[%swap3A_159] {strides = array<i32>} : memref<640xf32, #tpu.memory_space<vmem>>, vector<16xf32>,
    %swap3A_161 = vector.shape_cast %swap3A_160 : vector<16xf32> to vector<16xf32>
    %swap3A_162 = vector.shape_cast %broadcast_in_dim3A_158 : vector<16xf32> to vector<16xf32>
    tpu.vector_store %arg14[%swap3A_159], %swap3A_162 {strides = array<i32>} : memref<640xf32, #tpu.memory_space<vmem>>, vector<16xf32>,
    %broadcast_in_dim3A_163 = arith.constant 0.000000e+00 : f32
    %broadcast_in_dim3A_164 = vector.broadcast %broadcast_in_dim3A_163 : f32 to vector<16xf32>
    %swap3A_165 = arith.constant 368 : index
    %swap3A_166 = tpu.vector_load %arg14[%swap3A_165] {strides = array<i32>} : memref<640xf32, #tpu.memory_space<vmem>>, vector<16xf32>,
    %swap3A_167 = vector.shape_cast %swap3A_166 : vector<16xf32> to vector<16xf32>
    %swap3A_168 = vector.shape_cast %broadcast_in_dim3A_164 : vector<16xf32> to vector<16xf32>
    tpu.vector_store %arg14[%swap3A_165], %swap3A_168 {strides = array<i32>} : memref<640xf32, #tpu.memory_space<vmem>>, vector<16xf32>,
    %broadcast_in_dim3A_169 = arith.constant 0.000000e+00 : f32
    %broadcast_in_dim3A_170 = vector.broadcast %broadcast_in_dim3A_169 : f32 to vector<16xf32>
    %swap3A_171 = arith.constant 384 : index
    %swap3A_172 = tpu.vector_load %arg14[%swap3A_171] {strides = array<i32>} : memref<640xf32, #tpu.memory_space<vmem>>, vector<16xf32>,
    %swap3A_173 = vector.shape_cast %swap3A_172 : vector<16xf32> to vector<16xf32>
    %swap3A_174 = vector.shape_cast %broadcast_in_dim3A_170 : vector<16xf32> to vector<16xf32>
    tpu.vector_store %arg14[%swap3A_171], %swap3A_174 {strides = array<i32>} : memref<640xf32, #tpu.memory_space<vmem>>, vector<16xf32>,
    %broadcast_in_dim3A_175 = arith.constant 0.000000e+00 : f32
    %broadcast_in_dim3A_176 = vector.broadcast %broadcast_in_dim3A_175 : f32 to vector<16xf32>
    %swap3A_177 = arith.constant 400 : index
    %swap3A_178 = tpu.vector_load %arg14[%swap3A_177] {strides = array<i32>} : memref<640xf32, #tpu.memory_space<vmem>>, vector<16xf32>,
    %swap3A_179 = vector.shape_cast %swap3A_178 : vector<16xf32> to vector<16xf32>
    %swap3A_180 = vector.shape_cast %broadcast_in_dim3A_176 : vector<16xf32> to vector<16xf32>
    tpu.vector_store %arg14[%swap3A_177], %swap3A_180 {strides = array<i32>} : memref<640xf32, #tpu.memory_space<vmem>>, vector<16xf32>,
    %broadcast_in_dim3A_181 = arith.constant 0.000000e+00 : f32
    %broadcast_in_dim3A_182 = vector.broadcast %broadcast_in_dim3A_181 : f32 to vector<16xf32>
    %swap3A_183 = arith.constant 416 : index
    %swap3A_184 = tpu.vector_load %arg14[%swap3A_183] {strides = array<i32>} : memref<640xf32, #tpu.memory_space<vmem>>, vector<16xf32>,
    %swap3A_185 = vector.shape_cast %swap3A_184 : vector<16xf32> to vector<16xf32>
    %swap3A_186 = vector.shape_cast %broadcast_in_dim3A_182 : vector<16xf32> to vector<16xf32>
    tpu.vector_store %arg14[%swap3A_183], %swap3A_186 {strides = array<i32>} : memref<640xf32, #tpu.memory_space<vmem>>, vector<16xf32>,
    %broadcast_in_dim3A_187 = arith.constant 0.000000e+00 : f32
    %broadcast_in_dim3A_188 = vector.broadcast %broadcast_in_dim3A_187 : f32 to vector<16xf32>
    %swap3A_189 = arith.constant 432 : index
    %swap3A_190 = tpu.vector_load %arg14[%swap3A_189] {strides = array<i32>} : memref<640xf32, #tpu.memory_space<vmem>>, vector<16xf32>,
    %swap3A_191 = vector.shape_cast %swap3A_190 : vector<16xf32> to vector<16xf32>
    %swap3A_192 = vector.shape_cast %broadcast_in_dim3A_188 : vector<16xf32> to vector<16xf32>
    tpu.vector_store %arg14[%swap3A_189], %swap3A_192 {strides = array<i32>} : memref<640xf32, #tpu.memory_space<vmem>>, vector<16xf32>,
    %broadcast_in_dim3A_193 = arith.constant 0.000000e+00 : f32
    %broadcast_in_dim3A_194 = vector.broadcast %broadcast_in_dim3A_193 : f32 to vector<16xf32>
    %swap3A_195 = arith.constant 448 : index
    %swap3A_196 = tpu.vector_load %arg14[%swap3A_195] {strides = array<i32>} : memref<640xf32, #tpu.memory_space<vmem>>, vector<16xf32>,
    %swap3A_197 = vector.shape_cast %swap3A_196 : vector<16xf32> to vector<16xf32>
    %swap3A_198 = vector.shape_cast %broadcast_in_dim3A_194 : vector<16xf32> to vector<16xf32>
    tpu.vector_store %arg14[%swap3A_195], %swap3A_198 {strides = array<i32>} : memref<640xf32, #tpu.memory_space<vmem>>, vector<16xf32>,
    %broadcast_in_dim3A_199 = arith.constant 0.000000e+00 : f32
    %broadcast_in_dim3A_200 = vector.broadcast %broadcast_in_dim3A_199 : f32 to vector<16xf32>
    %swap3A_201 = arith.constant 464 : index
    %swap3A_202 = tpu.vector_load %arg14[%swap3A_201] {strides = array<i32>} : memref<640xf32, #tpu.memory_space<vmem>>, vector<16xf32>,
    %swap3A_203 = vector.shape_cast %swap3A_202 : vector<16xf32> to vector<16xf32>
    %swap3A_204 = vector.shape_cast %broadcast_in_dim3A_200 : vector<16xf32> to vector<16xf32>
    tpu.vector_store %arg14[%swap3A_201], %swap3A_204 {strides = array<i32>} : memref<640xf32, #tpu.memory_space<vmem>>, vector<16xf32>,
    %broadcast_in_dim3A_205 = arith.constant 0.000000e+00 : f32
    %broadcast_in_dim3A_206 = vector.broadcast %broadcast_in_dim3A_205 : f32 to vector<16xf32>
    %swap3A_207 = arith.constant 480 : index
    %swap3A_208 = tpu.vector_load %arg14[%swap3A_207] {strides = array<i32>} : memref<640xf32, #tpu.memory_space<vmem>>, vector<16xf32>,
    %swap3A_209 = vector.shape_cast %swap3A_208 : vector<16xf32> to vector<16xf32>
    %swap3A_210 = vector.shape_cast %broadcast_in_dim3A_206 : vector<16xf32> to vector<16xf32>
    tpu.vector_store %arg14[%swap3A_207], %swap3A_210 {strides = array<i32>} : memref<640xf32, #tpu.memory_space<vmem>>, vector<16xf32>,
    %broadcast_in_dim3A_211 = arith.constant 0.000000e+00 : f32
    %broadcast_in_dim3A_212 = vector.broadcast %broadcast_in_dim3A_211 : f32 to vector<16xf32>
    %swap3A_213 = arith.constant 496 : index
    %swap3A_214 = tpu.vector_load %arg14[%swap3A_213] {strides = array<i32>} : memref<640xf32, #tpu.memory_space<vmem>>, vector<16xf32>,
    %swap3A_215 = vector.shape_cast %swap3A_214 : vector<16xf32> to vector<16xf32>
    %swap3A_216 = vector.shape_cast %broadcast_in_dim3A_212 : vector<16xf32> to vector<16xf32>
    tpu.vector_store %arg14[%swap3A_213], %swap3A_216 {strides = array<i32>} : memref<640xf32, #tpu.memory_space<vmem>>, vector<16xf32>,
    %broadcast_in_dim3A_217 = arith.constant 0.000000e+00 : f32
    %broadcast_in_dim3A_218 = vector.broadcast %broadcast_in_dim3A_217 : f32 to vector<16xf32>
    %swap3A_219 = arith.constant 512 : index
    %swap3A_220 = tpu.vector_load %arg14[%swap3A_219] {strides = array<i32>} : memref<640xf32, #tpu.memory_space<vmem>>, vector<16xf32>,
    %swap3A_221 = vector.shape_cast %swap3A_220 : vector<16xf32> to vector<16xf32>
    %swap3A_222 = vector.shape_cast %broadcast_in_dim3A_218 : vector<16xf32> to vector<16xf32>
    tpu.vector_store %arg14[%swap3A_219], %swap3A_222 {strides = array<i32>} : memref<640xf32, #tpu.memory_space<vmem>>, vector<16xf32>,
    %broadcast_in_dim3A_223 = arith.constant 0.000000e+00 : f32
    %broadcast_in_dim3A_224 = vector.broadcast %broadcast_in_dim3A_223 : f32 to vector<16xf32>
    %swap3A_225 = arith.constant 528 : index
    %swap3A_226 = tpu.vector_load %arg14[%swap3A_225] {strides = array<i32>} : memref<640xf32, #tpu.memory_space<vmem>>, vector<16xf32>,
    %swap3A_227 = vector.shape_cast %swap3A_226 : vector<16xf32> to vector<16xf32>
    %swap3A_228 = vector.shape_cast %broadcast_in_dim3A_224 : vector<16xf32> to vector<16xf32>
    tpu.vector_store %arg14[%swap3A_225], %swap3A_228 {strides = array<i32>} : memref<640xf32, #tpu.memory_space<vmem>>, vector<16xf32>,
    %broadcast_in_dim3A_229 = arith.constant 0.000000e+00 : f32
    %broadcast_in_dim3A_230 = vector.broadcast %broadcast_in_dim3A_229 : f32 to vector<16xf32>
    %swap3A_231 = arith.constant 544 : index
    %swap3A_232 = tpu.vector_load %arg14[%swap3A_231] {strides = array<i32>} : memref<640xf32, #tpu.memory_space<vmem>>, vector<16xf32>,
    %swap3A_233 = vector.shape_cast %swap3A_232 : vector<16xf32> to vector<16xf32>
    %swap3A_234 = vector.shape_cast %broadcast_in_dim3A_230 : vector<16xf32> to vector<16xf32>
    tpu.vector_store %arg14[%swap3A_231], %swap3A_234 {strides = array<i32>} : memref<640xf32, #tpu.memory_space<vmem>>, vector<16xf32>,
    %broadcast_in_dim3A_235 = arith.constant 0.000000e+00 : f32
    %broadcast_in_dim3A_236 = vector.broadcast %broadcast_in_dim3A_235 : f32 to vector<16xf32>
    %swap3A_237 = arith.constant 560 : index
    %swap3A_238 = tpu.vector_load %arg14[%swap3A_237] {strides = array<i32>} : memref<640xf32, #tpu.memory_space<vmem>>, vector<16xf32>,
    %swap3A_239 = vector.shape_cast %swap3A_238 : vector<16xf32> to vector<16xf32>
    %swap3A_240 = vector.shape_cast %broadcast_in_dim3A_236 : vector<16xf32> to vector<16xf32>
    tpu.vector_store %arg14[%swap3A_237], %swap3A_240 {strides = array<i32>} : memref<640xf32, #tpu.memory_space<vmem>>, vector<16xf32>,
    %broadcast_in_dim3A_241 = arith.constant 0.000000e+00 : f32
    %broadcast_in_dim3A_242 = vector.broadcast %broadcast_in_dim3A_241 : f32 to vector<16xf32>
    %swap3A_243 = arith.constant 576 : index
    %swap3A_244 = tpu.vector_load %arg14[%swap3A_243] {strides = array<i32>} : memref<640xf32, #tpu.memory_space<vmem>>, vector<16xf32>,
    %swap3A_245 = vector.shape_cast %swap3A_244 : vector<16xf32> to vector<16xf32>
    %swap3A_246 = vector.shape_cast %broadcast_in_dim3A_242 : vector<16xf32> to vector<16xf32>
    tpu.vector_store %arg14[%swap3A_243], %swap3A_246 {strides = array<i32>} : memref<640xf32, #tpu.memory_space<vmem>>, vector<16xf32>,
    %broadcast_in_dim3A_247 = arith.constant 0.000000e+00 : f32
    %broadcast_in_dim3A_248 = vector.broadcast %broadcast_in_dim3A_247 : f32 to vector<16xf32>
    %swap3A_249 = arith.constant 592 : index
    %swap3A_250 = tpu.vector_load %arg14[%swap3A_249] {strides = array<i32>} : memref<640xf32, #tpu.memory_space<vmem>>, vector<16xf32>,
    %swap3A_251 = vector.shape_cast %swap3A_250 : vector<16xf32> to vector<16xf32>
    %swap3A_252 = vector.shape_cast %broadcast_in_dim3A_248 : vector<16xf32> to vector<16xf32>
    tpu.vector_store %arg14[%swap3A_249], %swap3A_252 {strides = array<i32>} : memref<640xf32, #tpu.memory_space<vmem>>, vector<16xf32>,
    %broadcast_in_dim3A_253 = arith.constant 0.000000e+00 : f32
    %broadcast_in_dim3A_254 = vector.broadcast %broadcast_in_dim3A_253 : f32 to vector<16xf32>
    %swap3A_255 = arith.constant 608 : index
    %swap3A_256 = tpu.vector_load %arg14[%swap3A_255] {strides = array<i32>} : memref<640xf32, #tpu.memory_space<vmem>>, vector<16xf32>,
    %swap3A_257 = vector.shape_cast %swap3A_256 : vector<16xf32> to vector<16xf32>
    %swap3A_258 = vector.shape_cast %broadcast_in_dim3A_254 : vector<16xf32> to vector<16xf32>
    tpu.vector_store %arg14[%swap3A_255], %swap3A_258 {strides = array<i32>} : memref<640xf32, #tpu.memory_space<vmem>>, vector<16xf32>,
    %broadcast_in_dim3A_259 = arith.constant 0.000000e+00 : f32
    %broadcast_in_dim3A_260 = vector.broadcast %broadcast_in_dim3A_259 : f32 to vector<16xf32>
    %swap3A_261 = arith.constant 624 : index
    %swap3A_262 = tpu.vector_load %arg14[%swap3A_261] {strides = array<i32>} : memref<640xf32, #tpu.memory_space<vmem>>, vector<16xf32>,
    %swap3A_263 = vector.shape_cast %swap3A_262 : vector<16xf32> to vector<16xf32>
    %swap3A_264 = vector.shape_cast %broadcast_in_dim3A_260 : vector<16xf32> to vector<16xf32>
    tpu.vector_store %arg14[%swap3A_261], %swap3A_264 {strides = array<i32>} : memref<640xf32, #tpu.memory_space<vmem>>, vector<16xf32>,
    %broadcast_in_dim3A_265 = arith.constant 1.000000e+00 : f32
    %broadcast_in_dim3A_266 = vector.broadcast %broadcast_in_dim3A_265 : f32 to vector<16xf32>
    %swap3A_267 = arith.constant 0 : index
    %swap3A_268 = tpu.vector_load %arg13[%swap3A_267] {strides = array<i32>} : memref<128xf32, #tpu.memory_space<vmem>>, vector<16xf32>,
    %swap3A_269 = vector.shape_cast %swap3A_268 : vector<16xf32> to vector<16xf32>
    %swap3A_270 = vector.shape_cast %broadcast_in_dim3A_266 : vector<16xf32> to vector<16xf32>
    tpu.vector_store %arg13[%swap3A_267], %swap3A_270 {strides = array<i32>} : memref<128xf32, #tpu.memory_space<vmem>>, vector<16xf32>,
    %broadcast_in_dim3A_271 = arith.constant 1.000000e+00 : f32
    %broadcast_in_dim3A_272 = vector.broadcast %broadcast_in_dim3A_271 : f32 to vector<16xf32>
    %swap3A_273 = arith.constant 16 : index
    %swap3A_274 = tpu.vector_load %arg13[%swap3A_273] {strides = array<i32>} : memref<128xf32, #tpu.memory_space<vmem>>, vector<16xf32>,
    %swap3A_275 = vector.shape_cast %swap3A_274 : vector<16xf32> to vector<16xf32>
    %swap3A_276 = vector.shape_cast %broadcast_in_dim3A_272 : vector<16xf32> to vector<16xf32>
    tpu.vector_store %arg13[%swap3A_273], %swap3A_276 {strides = array<i32>} : memref<128xf32, #tpu.memory_space<vmem>>, vector<16xf32>,
    %broadcast_in_dim3A_277 = arith.constant 1.000000e+00 : f32
    %broadcast_in_dim3A_278 = vector.broadcast %broadcast_in_dim3A_277 : f32 to vector<16xf32>
    %swap3A_279 = arith.constant 32 : index
    %swap3A_280 = tpu.vector_load %arg13[%swap3A_279] {strides = array<i32>} : memref<128xf32, #tpu.memory_space<vmem>>, vector<16xf32>,
    %swap3A_281 = vector.shape_cast %swap3A_280 : vector<16xf32> to vector<16xf32>
    %swap3A_282 = vector.shape_cast %broadcast_in_dim3A_278 : vector<16xf32> to vector<16xf32>
    tpu.vector_store %arg13[%swap3A_279], %swap3A_282 {strides = array<i32>} : memref<128xf32, #tpu.memory_space<vmem>>, vector<16xf32>,
    %broadcast_in_dim3A_283 = arith.constant 1.000000e+00 : f32
    %broadcast_in_dim3A_284 = vector.broadcast %broadcast_in_dim3A_283 : f32 to vector<16xf32>
    %swap3A_285 = arith.constant 48 : index
    %swap3A_286 = tpu.vector_load %arg13[%swap3A_285] {strides = array<i32>} : memref<128xf32, #tpu.memory_space<vmem>>, vector<16xf32>,
    %swap3A_287 = vector.shape_cast %swap3A_286 : vector<16xf32> to vector<16xf32>
    %swap3A_288 = vector.shape_cast %broadcast_in_dim3A_284 : vector<16xf32> to vector<16xf32>
    tpu.vector_store %arg13[%swap3A_285], %swap3A_288 {strides = array<i32>} : memref<128xf32, #tpu.memory_space<vmem>>, vector<16xf32>,
    %broadcast_in_dim3A_289 = arith.constant 1.000000e+00 : f32
    %broadcast_in_dim3A_290 = vector.broadcast %broadcast_in_dim3A_289 : f32 to vector<16xf32>
    %swap3A_291 = arith.constant 64 : index
    %swap3A_292 = tpu.vector_load %arg13[%swap3A_291] {strides = array<i32>} : memref<128xf32, #tpu.memory_space<vmem>>, vector<16xf32>,
    %swap3A_293 = vector.shape_cast %swap3A_292 : vector<16xf32> to vector<16xf32>
    %swap3A_294 = vector.shape_cast %broadcast_in_dim3A_290 : vector<16xf32> to vector<16xf32>
    tpu.vector_store %arg13[%swap3A_291], %swap3A_294 {strides = array<i32>} : memref<128xf32, #tpu.memory_space<vmem>>, vector<16xf32>,
    %broadcast_in_dim3A_295 = arith.constant 1.000000e+00 : f32
    %broadcast_in_dim3A_296 = vector.broadcast %broadcast_in_dim3A_295 : f32 to vector<16xf32>
    %swap3A_297 = arith.constant 80 : index
    %swap3A_298 = tpu.vector_load %arg13[%swap3A_297] {strides = array<i32>} : memref<128xf32, #tpu.memory_space<vmem>>, vector<16xf32>,
    %swap3A_299 = vector.shape_cast %swap3A_298 : vector<16xf32> to vector<16xf32>
    %swap3A_300 = vector.shape_cast %broadcast_in_dim3A_296 : vector<16xf32> to vector<16xf32>
    tpu.vector_store %arg13[%swap3A_297], %swap3A_300 {strides = array<i32>} : memref<128xf32, #tpu.memory_space<vmem>>, vector<16xf32>,
    %broadcast_in_dim3A_301 = arith.constant 1.000000e+00 : f32
    %broadcast_in_dim3A_302 = vector.broadcast %broadcast_in_dim3A_301 : f32 to vector<16xf32>
    %swap3A_303 = arith.constant 96 : index
    %swap3A_304 = tpu.vector_load %arg13[%swap3A_303] {strides = array<i32>} : memref<128xf32, #tpu.memory_space<vmem>>, vector<16xf32>,
    %swap3A_305 = vector.shape_cast %swap3A_304 : vector<16xf32> to vector<16xf32>
    %swap3A_306 = vector.shape_cast %broadcast_in_dim3A_302 : vector<16xf32> to vector<16xf32>
    tpu.vector_store %arg13[%swap3A_303], %swap3A_306 {strides = array<i32>} : memref<128xf32, #tpu.memory_space<vmem>>, vector<16xf32>,
    %broadcast_in_dim3A_307 = arith.constant 1.000000e+00 : f32
    %broadcast_in_dim3A_308 = vector.broadcast %broadcast_in_dim3A_307 : f32 to vector<16xf32>
    %swap3A_309 = arith.constant 112 : index
    %swap3A_310 = tpu.vector_load %arg13[%swap3A_309] {strides = array<i32>} : memref<128xf32, #tpu.memory_space<vmem>>, vector<16xf32>,
    %swap3A_311 = vector.shape_cast %swap3A_310 : vector<16xf32> to vector<16xf32>
    %swap3A_312 = vector.shape_cast %broadcast_in_dim3A_308 : vector<16xf32> to vector<16xf32>
    tpu.vector_store %arg13[%swap3A_309], %swap3A_312 {strides = array<i32>} : memref<128xf32, #tpu.memory_space<vmem>>, vector<16xf32>,
    %mul3A_313 = arith.constant 640 : i32
    %mul3A_314 = arith.muli %arg1, %mul3A_313 : i32
    "tpu.region"() ({
      %run_scoped3A = tpu.sem_alloc : memref<!tpu.dma_semaphore, #tpu.memory_space<semaphore_mem>>
      %dma_start3A = tpu.memref_slice %arg15[%mul3A_314] : memref<10240xf32, #tpu.memory_space<vmem_shared>> -> memref<640xf32, #tpu.memory_space<vmem_shared>>
      %dma_start3A_376 = tpu.memref_slice %arg15[%mul3A_314] : memref<10240xf32, #tpu.memory_space<vmem_shared>> -> memref<640xf32, #tpu.memory_space<vmem_shared>>
      tpu.enqueue_dma source(%arg14 : memref<640xf32, #tpu.memory_space<vmem>>) target(%dma_start3A_376 : memref<640xf32, #tpu.memory_space<vmem_shared>>) target_semaphore(%run_scoped3A : memref<!tpu.dma_semaphore, #tpu.memory_space<semaphore_mem>>)
      %dma_wait3A = tpu.memref_slice %arg15[%mul3A_314] : memref<10240xf32, #tpu.memory_space<vmem_shared>> -> memref<640xf32, #tpu.memory_space<vmem_shared>>
      %dma_wait3A_377 = tpu.memref_slice %arg15[%mul3A_314] : memref<10240xf32, #tpu.memory_space<vmem_shared>> -> memref<640xf32, #tpu.memory_space<vmem_shared>>
      tpu.wait_dma2 semaphore(%run_scoped3A : memref<!tpu.dma_semaphore, #tpu.memory_space<semaphore_mem>>) src(%arg14 : memref<640xf32, #tpu.memory_space<vmem>>) dst(%dma_wait3A_377 : memref<640xf32, #tpu.memory_space<vmem_shared>>)
      tpu.yield
    }) : () -> ()
    %barrier3A = arith.constant 0 : index
    tpu.barrier barrier_id(%barrier3A)
    %sub3A = arith.constant 0 : i32
    %sub3A_315 = arith.subi %select_n3A, %sub3A : i32
    %sub3A_316 = arith.constant 1 : i32
    %sub3A_317 = arith.constant 1 : i32
    %sub3A_318 = arith.subi %sub3A_316, %sub3A_317 : i32
    %add3A_319 = arith.addi %sub3A_315, %sub3A_318 : i32
    %div3A = arith.constant 1 : i32
    %div3A_320 = arith.divsi %add3A_319, %div3A : i32
    %while3A = arith.constant 1 : i32
    %while3A_321 = arith.constant 0 : i32
    %while3A_322 = arith.constant 0 : i32
    %while3A_323 = arith.subi %div3A_320, %while3A_322 : i32
    %while3A_324 = arith.addi %while3A_322, %while3A_323 : i32
    %while3A_325 = arith.constant 1 : i32
    %while3A_326 = arith.divsi %while3A_323, %while3A_325 : i32
    %while3A_327 = arith.muli %while3A_326, %while3A_325 : i32
    %while3A_328 = arith.addi %while3A_322, %while3A_327 : i32
    %while3A_329 = arith.constant 1 : i32
    scf.for %while3A_376 = %while3A_322 to %while3A_328 step %while3A_329  : i32 {
      %mul3A_377 = arith.muli %while3A_376, %while3A : i32
      %add3A_378 = arith.addi %while3A_321, %mul3A_377 : i32
      %mul3A_379 = arith.constant 128 : i32
      %mul3A_380 = arith.muli %add3A_378, %mul3A_379 : i32
      %add3A_381 = arith.addi %mul3A_4, %mul3A_380 : i32
      "tpu.region"() ({
        %run_scoped3A = tpu.sem_alloc : memref<!tpu.dma_semaphore, #tpu.memory_space<semaphore_mem>>
        %dma_start3A_386 = tpu.memref_slice %arg2[%add3A_381] : memref<323584xi32, #tpu.memory_space<hbm>> -> memref<128xi32, #tpu.memory_space<hbm>>
        %dma_start3A_387 = tpu.memref_slice %arg2[%add3A_381] : memref<323584xi32, #tpu.memory_space<hbm>> -> memref<128xi32, #tpu.memory_space<hbm>>
        tpu.enqueue_dma source(%dma_start3A_387 : memref<128xi32, #tpu.memory_space<hbm>>) target(%arg8 : memref<128xi32, #tpu.memory_space<vmem>>) target_semaphore(%run_scoped3A : memref<!tpu.dma_semaphore, #tpu.memory_space<semaphore_mem>>)
        %dma_wait3A_388 = tpu.memref_slice %arg2[%add3A_381] : memref<323584xi32, #tpu.memory_space<hbm>> -> memref<128xi32, #tpu.memory_space<hbm>>
        %dma_wait3A_389 = tpu.memref_slice %arg2[%add3A_381] : memref<323584xi32, #tpu.memory_space<hbm>> -> memref<128xi32, #tpu.memory_space<hbm>>
        tpu.wait_dma2 semaphore(%run_scoped3A : memref<!tpu.dma_semaphore, #tpu.memory_space<semaphore_mem>>) src(%dma_wait3A_389 : memref<128xi32, #tpu.memory_space<hbm>>) dst(%arg8 : memref<128xi32, #tpu.memory_space<vmem>>)
        tpu.yield
      }) : () -> ()
      "tpu.region"() ({
        %run_scoped3A = tpu.sem_alloc : memref<!tpu.dma_semaphore, #tpu.memory_space<semaphore_mem>>
        %dma_start3A_386 = tpu.memref_slice %arg3[%add3A_381] : memref<323584xi32, #tpu.memory_space<hbm>> -> memref<128xi32, #tpu.memory_space<hbm>>
        %dma_start3A_387 = tpu.memref_slice %arg3[%add3A_381] : memref<323584xi32, #tpu.memory_space<hbm>> -> memref<128xi32, #tpu.memory_space<hbm>>
        tpu.enqueue_dma source(%dma_start3A_387 : memref<128xi32, #tpu.memory_space<hbm>>) target(%arg9 : memref<128xi32, #tpu.memory_space<vmem>>) target_semaphore(%run_scoped3A : memref<!tpu.dma_semaphore, #tpu.memory_space<semaphore_mem>>)
        %dma_wait3A_388 = tpu.memref_slice %arg3[%add3A_381] : memref<323584xi32, #tpu.memory_space<hbm>> -> memref<128xi32, #tpu.memory_space<hbm>>
        %dma_wait3A_389 = tpu.memref_slice %arg3[%add3A_381] : memref<323584xi32, #tpu.memory_space<hbm>> -> memref<128xi32, #tpu.memory_space<hbm>>
        tpu.wait_dma2 semaphore(%run_scoped3A : memref<!tpu.dma_semaphore, #tpu.memory_space<semaphore_mem>>) src(%dma_wait3A_389 : memref<128xi32, #tpu.memory_space<hbm>>) dst(%arg9 : memref<128xi32, #tpu.memory_space<vmem>>)
        tpu.yield
      }) : () -> ()
      %dma_start3A = arith.constant 0 : i32
      %dma_start3A_382 = arith.constant 0 : i32
      %dma_start3A_383 = tpu.memref_slice %arg4[%dma_start3A, %dma_start3A_382] : memref<10000x128xf32, #tpu.memory_space<hbm>> -> memref<10000x128xf32, #tpu.memory_space<hbm>>
      tpu.enqueue_indirect_dma source(%dma_start3A_383 : memref<10000x128xf32, #tpu.memory_space<hbm>>) target(%arg10 : memref<128x128xf32, #tpu.memory_space<vmem>>) offsets(%arg8 : memref<128xi32, #tpu.memory_space<vmem>>) semaphore(%arg12 : memref<!tpu.dma_semaphore, #tpu.memory_space<semaphore_mem>>)
      %dma_wait3A = arith.constant 0 : i32
      %dma_wait3A_384 = arith.constant 0 : i32
      %dma_wait3A_385 = tpu.memref_slice %arg4[%dma_wait3A, %dma_wait3A_384] : memref<10000x128xf32, #tpu.memory_space<hbm>> -> memref<10000x128xf32, #tpu.memory_space<hbm>>
      tpu.wait_indirect_dma semaphore(%arg12 : memref<!tpu.dma_semaphore, #tpu.memory_space<semaphore_mem>>) src(%dma_wait3A_385 : memref<10000x128xf32, #tpu.memory_space<hbm>>) dst(%arg10 : memref<128x128xf32, #tpu.memory_space<vmem>>)
      "tpu.region"() ({
        %run_scoped3A = tpu.sem_alloc : memref<!tpu.dma_semaphore, #tpu.memory_space<semaphore_mem>>
        %dma_start3A_386 = arith.constant 0 : i32
        %dma_start3A_387 = arith.constant 0 : i32
        %dma_start3A_388 = tpu.memref_slice %arg11[%dma_start3A_386, %dma_start3A_387] : memref<10240x128xf32, #tpu.memory_space<vmem_shared>> -> memref<10240x128xf32, #tpu.memory_space<vmem_shared>>
        tpu.enqueue_indirect_dma source(%arg10 : memref<128x128xf32, #tpu.memory_space<vmem>>) target(%dma_start3A_388 : memref<10240x128xf32, #tpu.memory_space<vmem_shared>>) offsets(%arg9 : memref<128xi32, #tpu.memory_space<vmem>>) semaphore(%run_scoped3A : memref<!tpu.dma_semaphore, #tpu.memory_space<semaphore_mem>>) {add = true}
        %dma_wait3A_389 = arith.constant 0 : i32
        %dma_wait3A_390 = arith.constant 0 : i32
        %dma_wait3A_391 = tpu.memref_slice %arg11[%dma_wait3A_389, %dma_wait3A_390] : memref<10240x128xf32, #tpu.memory_space<vmem_shared>> -> memref<10240x128xf32, #tpu.memory_space<vmem_shared>>
        tpu.wait_indirect_dma semaphore(%run_scoped3A : memref<!tpu.dma_semaphore, #tpu.memory_space<semaphore_mem>>) src(%arg10 : memref<128x128xf32, #tpu.memory_space<vmem>>) dst(%dma_wait3A_391 : memref<10240x128xf32, #tpu.memory_space<vmem_shared>>)
        tpu.yield
      }) : () -> ()
      "tpu.region"() ({
        %run_scoped3A = tpu.sem_alloc : memref<!tpu.dma_semaphore, #tpu.memory_space<semaphore_mem>>
        %dma_start3A_386 = arith.constant 0 : i32
        %dma_start3A_387 = tpu.memref_slice %arg15[%dma_start3A_386] : memref<10240xf32, #tpu.memory_space<vmem_shared>> -> memref<10240xf32, #tpu.memory_space<vmem_shared>>
        tpu.enqueue_indirect_dma source(%arg13 : memref<128xf32, #tpu.memory_space<vmem>>) target(%dma_start3A_387 : memref<10240xf32, #tpu.memory_space<vmem_shared>>) offsets(%arg9 : memref<128xi32, #tpu.memory_space<vmem>>) semaphore(%run_scoped3A : memref<!tpu.dma_semaphore, #tpu.memory_space<semaphore_mem>>) {add = true}
        %dma_wait3A_388 = arith.constant 0 : i32
        %dma_wait3A_389 = tpu.memref_slice %arg15[%dma_wait3A_388] : memref<10240xf32, #tpu.memory_space<vmem_shared>> -> memref<10240xf32, #tpu.memory_space<vmem_shared>>
        tpu.wait_indirect_dma semaphore(%run_scoped3A : memref<!tpu.dma_semaphore, #tpu.memory_space<semaphore_mem>>) src(%arg13 : memref<128xf32, #tpu.memory_space<vmem>>) dst(%dma_wait3A_389 : memref<10240xf32, #tpu.memory_space<vmem_shared>>)
        tpu.yield
      }) : () -> ()
    }
    %while3A_330 = arith.constant 1 : i32
    scf.for %while3A_376 = %while3A_328 to %while3A_324 step %while3A_330  : i32 {
      %mul3A_377 = arith.muli %while3A_376, %while3A : i32
      %add3A_378 = arith.addi %while3A_321, %mul3A_377 : i32
      %mul3A_379 = arith.constant 128 : i32
      %mul3A_380 = arith.muli %add3A_378, %mul3A_379 : i32
      %add3A_381 = arith.addi %mul3A_4, %mul3A_380 : i32
      "tpu.region"() ({
        %run_scoped3A = tpu.sem_alloc : memref<!tpu.dma_semaphore, #tpu.memory_space<semaphore_mem>>
        %dma_start3A_386 = tpu.memref_slice %arg2[%add3A_381] : memref<323584xi32, #tpu.memory_space<hbm>> -> memref<128xi32, #tpu.memory_space<hbm>>
        %dma_start3A_387 = tpu.memref_slice %arg2[%add3A_381] : memref<323584xi32, #tpu.memory_space<hbm>> -> memref<128xi32, #tpu.memory_space<hbm>>
        tpu.enqueue_dma source(%dma_start3A_387 : memref<128xi32, #tpu.memory_space<hbm>>) target(%arg8 : memref<128xi32, #tpu.memory_space<vmem>>) target_semaphore(%run_scoped3A : memref<!tpu.dma_semaphore, #tpu.memory_space<semaphore_mem>>)
        %dma_wait3A_388 = tpu.memref_slice %arg2[%add3A_381] : memref<323584xi32, #tpu.memory_space<hbm>> -> memref<128xi32, #tpu.memory_space<hbm>>
        %dma_wait3A_389 = tpu.memref_slice %arg2[%add3A_381] : memref<323584xi32, #tpu.memory_space<hbm>> -> memref<128xi32, #tpu.memory_space<hbm>>
        tpu.wait_dma2 semaphore(%run_scoped3A : memref<!tpu.dma_semaphore, #tpu.memory_space<semaphore_mem>>) src(%dma_wait3A_389 : memref<128xi32, #tpu.memory_space<hbm>>) dst(%arg8 : memref<128xi32, #tpu.memory_space<vmem>>)
        tpu.yield
      }) : () -> ()
      "tpu.region"() ({
        %run_scoped3A = tpu.sem_alloc : memref<!tpu.dma_semaphore, #tpu.memory_space<semaphore_mem>>
        %dma_start3A_386 = tpu.memref_slice %arg3[%add3A_381] : memref<323584xi32, #tpu.memory_space<hbm>> -> memref<128xi32, #tpu.memory_space<hbm>>
        %dma_start3A_387 = tpu.memref_slice %arg3[%add3A_381] : memref<323584xi32, #tpu.memory_space<hbm>> -> memref<128xi32, #tpu.memory_space<hbm>>
        tpu.enqueue_dma source(%dma_start3A_387 : memref<128xi32, #tpu.memory_space<hbm>>) target(%arg9 : memref<128xi32, #tpu.memory_space<vmem>>) target_semaphore(%run_scoped3A : memref<!tpu.dma_semaphore, #tpu.memory_space<semaphore_mem>>)
        %dma_wait3A_388 = tpu.memref_slice %arg3[%add3A_381] : memref<323584xi32, #tpu.memory_space<hbm>> -> memref<128xi32, #tpu.memory_space<hbm>>
        %dma_wait3A_389 = tpu.memref_slice %arg3[%add3A_381] : memref<323584xi32, #tpu.memory_space<hbm>> -> memref<128xi32, #tpu.memory_space<hbm>>
        tpu.wait_dma2 semaphore(%run_scoped3A : memref<!tpu.dma_semaphore, #tpu.memory_space<semaphore_mem>>) src(%dma_wait3A_389 : memref<128xi32, #tpu.memory_space<hbm>>) dst(%arg9 : memref<128xi32, #tpu.memory_space<vmem>>)
        tpu.yield
      }) : () -> ()
      %dma_start3A = arith.constant 0 : i32
      %dma_start3A_382 = arith.constant 0 : i32
      %dma_start3A_383 = tpu.memref_slice %arg4[%dma_start3A, %dma_start3A_382] : memref<10000x128xf32, #tpu.memory_space<hbm>> -> memref<10000x128xf32, #tpu.memory_space<hbm>>
      tpu.enqueue_indirect_dma source(%dma_start3A_383 : memref<10000x128xf32, #tpu.memory_space<hbm>>) target(%arg10 : memref<128x128xf32, #tpu.memory_space<vmem>>) offsets(%arg8 : memref<128xi32, #tpu.memory_space<vmem>>) semaphore(%arg12 : memref<!tpu.dma_semaphore, #tpu.memory_space<semaphore_mem>>)
      %dma_wait3A = arith.constant 0 : i32
      %dma_wait3A_384 = arith.constant 0 : i32
      %dma_wait3A_385 = tpu.memref_slice %arg4[%dma_wait3A, %dma_wait3A_384] : memref<10000x128xf32, #tpu.memory_space<hbm>> -> memref<10000x128xf32, #tpu.memory_space<hbm>>
      tpu.wait_indirect_dma semaphore(%arg12 : memref<!tpu.dma_semaphore, #tpu.memory_space<semaphore_mem>>) src(%dma_wait3A_385 : memref<10000x128xf32, #tpu.memory_space<hbm>>) dst(%arg10 : memref<128x128xf32, #tpu.memory_space<vmem>>)
      "tpu.region"() ({
        %run_scoped3A = tpu.sem_alloc : memref<!tpu.dma_semaphore, #tpu.memory_space<semaphore_mem>>
        %dma_start3A_386 = arith.constant 0 : i32
        %dma_start3A_387 = arith.constant 0 : i32
        %dma_start3A_388 = tpu.memref_slice %arg11[%dma_start3A_386, %dma_start3A_387] : memref<10240x128xf32, #tpu.memory_space<vmem_shared>> -> memref<10240x128xf32, #tpu.memory_space<vmem_shared>>
        tpu.enqueue_indirect_dma source(%arg10 : memref<128x128xf32, #tpu.memory_space<vmem>>) target(%dma_start3A_388 : memref<10240x128xf32, #tpu.memory_space<vmem_shared>>) offsets(%arg9 : memref<128xi32, #tpu.memory_space<vmem>>) semaphore(%run_scoped3A : memref<!tpu.dma_semaphore, #tpu.memory_space<semaphore_mem>>) {add = true}
        %dma_wait3A_389 = arith.constant 0 : i32
        %dma_wait3A_390 = arith.constant 0 : i32
        %dma_wait3A_391 = tpu.memref_slice %arg11[%dma_wait3A_389, %dma_wait3A_390] : memref<10240x128xf32, #tpu.memory_space<vmem_shared>> -> memref<10240x128xf32, #tpu.memory_space<vmem_shared>>
        tpu.wait_indirect_dma semaphore(%run_scoped3A : memref<!tpu.dma_semaphore, #tpu.memory_space<semaphore_mem>>) src(%arg10 : memref<128x128xf32, #tpu.memory_space<vmem>>) dst(%dma_wait3A_391 : memref<10240x128xf32, #tpu.memory_space<vmem_shared>>)
        tpu.yield
      }) : () -> ()
      "tpu.region"() ({
        %run_scoped3A = tpu.sem_alloc : memref<!tpu.dma_semaphore, #tpu.memory_space<semaphore_mem>>
        %dma_start3A_386 = arith.constant 0 : i32
        %dma_start3A_387 = tpu.memref_slice %arg15[%dma_start3A_386] : memref<10240xf32, #tpu.memory_space<vmem_shared>> -> memref<10240xf32, #tpu.memory_space<vmem_shared>>
        tpu.enqueue_indirect_dma source(%arg13 : memref<128xf32, #tpu.memory_space<vmem>>) target(%dma_start3A_387 : memref<10240xf32, #tpu.memory_space<vmem_shared>>) offsets(%arg9 : memref<128xi32, #tpu.memory_space<vmem>>) semaphore(%run_scoped3A : memref<!tpu.dma_semaphore, #tpu.memory_space<semaphore_mem>>) {add = true}
        %dma_wait3A_388 = arith.constant 0 : i32
        %dma_wait3A_389 = tpu.memref_slice %arg15[%dma_wait3A_388] : memref<10240xf32, #tpu.memory_space<vmem_shared>> -> memref<10240xf32, #tpu.memory_space<vmem_shared>>
        tpu.wait_indirect_dma semaphore(%run_scoped3A : memref<!tpu.dma_semaphore, #tpu.memory_space<semaphore_mem>>) src(%arg13 : memref<128xf32, #tpu.memory_space<vmem>>) dst(%dma_wait3A_389 : memref<10240xf32, #tpu.memory_space<vmem_shared>>)
        tpu.yield
      }) : () -> ()
    }
    %mul3A_331 = arith.constant 640 : i32
    %mul3A_332 = arith.muli %arg1, %mul3A_331 : i32
    "tpu.region"() ({
      %run_scoped3A = tpu.sem_alloc : memref<!tpu.dma_semaphore, #tpu.memory_space<semaphore_mem>>
      %dma_start3A = arith.constant 0 : i32
      %dma_start3A_376 = tpu.memref_slice %arg11[%mul3A_332, %dma_start3A] : memref<10240x128xf32, #tpu.memory_space<vmem_shared>> -> memref<128x128xf32, #tpu.memory_space<vmem_shared>>
      %dma_start3A_377 = arith.constant 0 : i32
      %dma_start3A_378 = tpu.memref_slice %arg11[%mul3A_332, %dma_start3A_377] : memref<10240x128xf32, #tpu.memory_space<vmem_shared>> -> memref<128x128xf32, #tpu.memory_space<vmem_shared>>
      tpu.enqueue_dma source(%dma_start3A_378 : memref<128x128xf32, #tpu.memory_space<vmem_shared>>) target(%arg10 : memref<128x128xf32, #tpu.memory_space<vmem>>) target_semaphore(%run_scoped3A : memref<!tpu.dma_semaphore, #tpu.memory_space<semaphore_mem>>)
      %dma_wait3A = arith.constant 0 : i32
      %dma_wait3A_379 = tpu.memref_slice %arg11[%mul3A_332, %dma_wait3A] : memref<10240x128xf32, #tpu.memory_space<vmem_shared>> -> memref<128x128xf32, #tpu.memory_space<vmem_shared>>
      %dma_wait3A_380 = arith.constant 0 : i32
      %dma_wait3A_381 = tpu.memref_slice %arg11[%mul3A_332, %dma_wait3A_380] : memref<10240x128xf32, #tpu.memory_space<vmem_shared>> -> memref<128x128xf32, #tpu.memory_space<vmem_shared>>
      tpu.wait_dma2 semaphore(%run_scoped3A : memref<!tpu.dma_semaphore, #tpu.memory_space<semaphore_mem>>) src(%dma_wait3A_381 : memref<128x128xf32, #tpu.memory_space<vmem_shared>>) dst(%arg10 : memref<128x128xf32, #tpu.memory_space<vmem>>)
      tpu.yield
    }) : () -> ()
    %barrier3A_333 = arith.constant 0 : index
    tpu.barrier barrier_id(%barrier3A_333)
    %mul3A_334 = arith.constant 640 : i32
    %mul3A_335 = arith.muli %arg1, %mul3A_334 : i32
    %add3A_336 = arith.constant 0 : i32
    %add3A_337 = arith.addi %mul3A_335, %add3A_336 : i32
    "tpu.region"() ({
      %run_scoped3A = tpu.sem_alloc : memref<!tpu.dma_semaphore, #tpu.memory_space<semaphore_mem>>
      %dma_start3A = arith.constant 0 : i32
      %dma_start3A_376 = tpu.memref_slice %arg11[%add3A_337, %dma_start3A] : memref<10240x128xf32, #tpu.memory_space<vmem_shared>> -> memref<128x128xf32, #tpu.memory_space<vmem_shared>>
      %dma_start3A_377 = arith.constant 0 : i32
      %dma_start3A_378 = tpu.memref_slice %arg11[%add3A_337, %dma_start3A_377] : memref<10240x128xf32, #tpu.memory_space<vmem_shared>> -> memref<128x128xf32, #tpu.memory_space<vmem_shared>>
      tpu.enqueue_dma source(%dma_start3A_378 : memref<128x128xf32, #tpu.memory_space<vmem_shared>>) target(%arg10 : memref<128x128xf32, #tpu.memory_space<vmem>>) target_semaphore(%run_scoped3A : memref<!tpu.dma_semaphore, #tpu.memory_space<semaphore_mem>>)
      %dma_wait3A = arith.constant 0 : i32
      %dma_wait3A_379 = tpu.memref_slice %arg11[%add3A_337, %dma_wait3A] : memref<10240x128xf32, #tpu.memory_space<vmem_shared>> -> memref<128x128xf32, #tpu.memory_space<vmem_shared>>
      %dma_wait3A_380 = arith.constant 0 : i32
      %dma_wait3A_381 = tpu.memref_slice %arg11[%add3A_337, %dma_wait3A_380] : memref<10240x128xf32, #tpu.memory_space<vmem_shared>> -> memref<128x128xf32, #tpu.memory_space<vmem_shared>>
      tpu.wait_dma2 semaphore(%run_scoped3A : memref<!tpu.dma_semaphore, #tpu.memory_space<semaphore_mem>>) src(%dma_wait3A_381 : memref<128x128xf32, #tpu.memory_space<vmem_shared>>) dst(%arg10 : memref<128x128xf32, #tpu.memory_space<vmem>>)
      tpu.yield
    }) : () -> ()
    %mul3A_338 = arith.constant 10240 : i32
    %mul3A_339 = arith.muli %arg0, %mul3A_338 : i32
    %add3A_340 = arith.addi %mul3A_339, %add3A_337 : i32
    "tpu.region"() ({
      %run_scoped3A = tpu.sem_alloc : memref<!tpu.dma_semaphore, #tpu.memory_space<semaphore_mem>>
      %dma_start3A = arith.constant 0 : i32
      %dma_start3A_376 = tpu.memref_slice %arg6[%add3A_340, %dma_start3A] : memref<20480x128xf32, #tpu.memory_space<hbm>> -> memref<128x128xf32, #tpu.memory_space<hbm>>
      %dma_start3A_377 = arith.constant 0 : i32
      %dma_start3A_378 = tpu.memref_slice %arg6[%add3A_340, %dma_start3A_377] : memref<20480x128xf32, #tpu.memory_space<hbm>> -> memref<128x128xf32, #tpu.memory_space<hbm>>
      tpu.enqueue_dma source(%arg10 : memref<128x128xf32, #tpu.memory_space<vmem>>) target(%dma_start3A_378 : memref<128x128xf32, #tpu.memory_space<hbm>>) target_semaphore(%run_scoped3A : memref<!tpu.dma_semaphore, #tpu.memory_space<semaphore_mem>>)
      %dma_wait3A = arith.constant 0 : i32
      %dma_wait3A_379 = tpu.memref_slice %arg6[%add3A_340, %dma_wait3A] : memref<20480x128xf32, #tpu.memory_space<hbm>> -> memref<128x128xf32, #tpu.memory_space<hbm>>
      %dma_wait3A_380 = arith.constant 0 : i32
      %dma_wait3A_381 = tpu.memref_slice %arg6[%add3A_340, %dma_wait3A_380] : memref<20480x128xf32, #tpu.memory_space<hbm>> -> memref<128x128xf32, #tpu.memory_space<hbm>>
      tpu.wait_dma2 semaphore(%run_scoped3A : memref<!tpu.dma_semaphore, #tpu.memory_space<semaphore_mem>>) src(%arg10 : memref<128x128xf32, #tpu.memory_space<vmem>>) dst(%dma_wait3A_381 : memref<128x128xf32, #tpu.memory_space<hbm>>)
      tpu.yield
    }) : () -> ()
    %mul3A_341 = arith.constant 640 : i32
    %mul3A_342 = arith.muli %arg1, %mul3A_341 : i32
    %add3A_343 = arith.constant 128 : i32
    %add3A_344 = arith.addi %mul3A_342, %add3A_343 : i32
    "tpu.region"() ({
      %run_scoped3A = tpu.sem_alloc : memref<!tpu.dma_semaphore, #tpu.memory_space<semaphore_mem>>
      %dma_start3A = arith.constant 0 : i32
      %dma_start3A_376 = tpu.memref_slice %arg11[%add3A_344, %dma_start3A] : memref<10240x128xf32, #tpu.memory_space<vmem_shared>> -> memref<128x128xf32, #tpu.memory_space<vmem_shared>>
      %dma_start3A_377 = arith.constant 0 : i32
      %dma_start3A_378 = tpu.memref_slice %arg11[%add3A_344, %dma_start3A_377] : memref<10240x128xf32, #tpu.memory_space<vmem_shared>> -> memref<128x128xf32, #tpu.memory_space<vmem_shared>>
      tpu.enqueue_dma source(%dma_start3A_378 : memref<128x128xf32, #tpu.memory_space<vmem_shared>>) target(%arg10 : memref<128x128xf32, #tpu.memory_space<vmem>>) target_semaphore(%run_scoped3A : memref<!tpu.dma_semaphore, #tpu.memory_space<semaphore_mem>>)
      %dma_wait3A = arith.constant 0 : i32
      %dma_wait3A_379 = tpu.memref_slice %arg11[%add3A_344, %dma_wait3A] : memref<10240x128xf32, #tpu.memory_space<vmem_shared>> -> memref<128x128xf32, #tpu.memory_space<vmem_shared>>
      %dma_wait3A_380 = arith.constant 0 : i32
      %dma_wait3A_381 = tpu.memref_slice %arg11[%add3A_344, %dma_wait3A_380] : memref<10240x128xf32, #tpu.memory_space<vmem_shared>> -> memref<128x128xf32, #tpu.memory_space<vmem_shared>>
      tpu.wait_dma2 semaphore(%run_scoped3A : memref<!tpu.dma_semaphore, #tpu.memory_space<semaphore_mem>>) src(%dma_wait3A_381 : memref<128x128xf32, #tpu.memory_space<vmem_shared>>) dst(%arg10 : memref<128x128xf32, #tpu.memory_space<vmem>>)
      tpu.yield
    }) : () -> ()
    %mul3A_345 = arith.constant 10240 : i32
    %mul3A_346 = arith.muli %arg0, %mul3A_345 : i32
    %add3A_347 = arith.addi %mul3A_346, %add3A_344 : i32
    "tpu.region"() ({
      %run_scoped3A = tpu.sem_alloc : memref<!tpu.dma_semaphore, #tpu.memory_space<semaphore_mem>>
      %dma_start3A = arith.constant 0 : i32
      %dma_start3A_376 = tpu.memref_slice %arg6[%add3A_347, %dma_start3A] : memref<20480x128xf32, #tpu.memory_space<hbm>> -> memref<128x128xf32, #tpu.memory_space<hbm>>
      %dma_start3A_377 = arith.constant 0 : i32
      %dma_start3A_378 = tpu.memref_slice %arg6[%add3A_347, %dma_start3A_377] : memref<20480x128xf32, #tpu.memory_space<hbm>> -> memref<128x128xf32, #tpu.memory_space<hbm>>
      tpu.enqueue_dma source(%arg10 : memref<128x128xf32, #tpu.memory_space<vmem>>) target(%dma_start3A_378 : memref<128x128xf32, #tpu.memory_space<hbm>>) target_semaphore(%run_scoped3A : memref<!tpu.dma_semaphore, #tpu.memory_space<semaphore_mem>>)
      %dma_wait3A = arith.constant 0 : i32
      %dma_wait3A_379 = tpu.memref_slice %arg6[%add3A_347, %dma_wait3A] : memref<20480x128xf32, #tpu.memory_space<hbm>> -> memref<128x128xf32, #tpu.memory_space<hbm>>
      %dma_wait3A_380 = arith.constant 0 : i32
      %dma_wait3A_381 = tpu.memref_slice %arg6[%add3A_347, %dma_wait3A_380] : memref<20480x128xf32, #tpu.memory_space<hbm>> -> memref<128x128xf32, #tpu.memory_space<hbm>>
      tpu.wait_dma2 semaphore(%run_scoped3A : memref<!tpu.dma_semaphore, #tpu.memory_space<semaphore_mem>>) src(%arg10 : memref<128x128xf32, #tpu.memory_space<vmem>>) dst(%dma_wait3A_381 : memref<128x128xf32, #tpu.memory_space<hbm>>)
      tpu.yield
    }) : () -> ()
    %mul3A_348 = arith.constant 640 : i32
    %mul3A_349 = arith.muli %arg1, %mul3A_348 : i32
    %add3A_350 = arith.constant 256 : i32
    %add3A_351 = arith.addi %mul3A_349, %add3A_350 : i32
    "tpu.region"() ({
      %run_scoped3A = tpu.sem_alloc : memref<!tpu.dma_semaphore, #tpu.memory_space<semaphore_mem>>
      %dma_start3A = arith.constant 0 : i32
      %dma_start3A_376 = tpu.memref_slice %arg11[%add3A_351, %dma_start3A] : memref<10240x128xf32, #tpu.memory_space<vmem_shared>> -> memref<128x128xf32, #tpu.memory_space<vmem_shared>>
      %dma_start3A_377 = arith.constant 0 : i32
      %dma_start3A_378 = tpu.memref_slice %arg11[%add3A_351, %dma_start3A_377] : memref<10240x128xf32, #tpu.memory_space<vmem_shared>> -> memref<128x128xf32, #tpu.memory_space<vmem_shared>>
      tpu.enqueue_dma source(%dma_start3A_378 : memref<128x128xf32, #tpu.memory_space<vmem_shared>>) target(%arg10 : memref<128x128xf32, #tpu.memory_space<vmem>>) target_semaphore(%run_scoped3A : memref<!tpu.dma_semaphore, #tpu.memory_space<semaphore_mem>>)
      %dma_wait3A = arith.constant 0 : i32
      %dma_wait3A_379 = tpu.memref_slice %arg11[%add3A_351, %dma_wait3A] : memref<10240x128xf32, #tpu.memory_space<vmem_shared>> -> memref<128x128xf32, #tpu.memory_space<vmem_shared>>
      %dma_wait3A_380 = arith.constant 0 : i32
      %dma_wait3A_381 = tpu.memref_slice %arg11[%add3A_351, %dma_wait3A_380] : memref<10240x128xf32, #tpu.memory_space<vmem_shared>> -> memref<128x128xf32, #tpu.memory_space<vmem_shared>>
      tpu.wait_dma2 semaphore(%run_scoped3A : memref<!tpu.dma_semaphore, #tpu.memory_space<semaphore_mem>>) src(%dma_wait3A_381 : memref<128x128xf32, #tpu.memory_space<vmem_shared>>) dst(%arg10 : memref<128x128xf32, #tpu.memory_space<vmem>>)
      tpu.yield
    }) : () -> ()
    %mul3A_352 = arith.constant 10240 : i32
    %mul3A_353 = arith.muli %arg0, %mul3A_352 : i32
    %add3A_354 = arith.addi %mul3A_353, %add3A_351 : i32
    "tpu.region"() ({
      %run_scoped3A = tpu.sem_alloc : memref<!tpu.dma_semaphore, #tpu.memory_space<semaphore_mem>>
      %dma_start3A = arith.constant 0 : i32
      %dma_start3A_376 = tpu.memref_slice %arg6[%add3A_354, %dma_start3A] : memref<20480x128xf32, #tpu.memory_space<hbm>> -> memref<128x128xf32, #tpu.memory_space<hbm>>
      %dma_start3A_377 = arith.constant 0 : i32
      %dma_start3A_378 = tpu.memref_slice %arg6[%add3A_354, %dma_start3A_377] : memref<20480x128xf32, #tpu.memory_space<hbm>> -> memref<128x128xf32, #tpu.memory_space<hbm>>
      tpu.enqueue_dma source(%arg10 : memref<128x128xf32, #tpu.memory_space<vmem>>) target(%dma_start3A_378 : memref<128x128xf32, #tpu.memory_space<hbm>>) target_semaphore(%run_scoped3A : memref<!tpu.dma_semaphore, #tpu.memory_space<semaphore_mem>>)
      %dma_wait3A = arith.constant 0 : i32
      %dma_wait3A_379 = tpu.memref_slice %arg6[%add3A_354, %dma_wait3A] : memref<20480x128xf32, #tpu.memory_space<hbm>> -> memref<128x128xf32, #tpu.memory_space<hbm>>
      %dma_wait3A_380 = arith.constant 0 : i32
      %dma_wait3A_381 = tpu.memref_slice %arg6[%add3A_354, %dma_wait3A_380] : memref<20480x128xf32, #tpu.memory_space<hbm>> -> memref<128x128xf32, #tpu.memory_space<hbm>>
      tpu.wait_dma2 semaphore(%run_scoped3A : memref<!tpu.dma_semaphore, #tpu.memory_space<semaphore_mem>>) src(%arg10 : memref<128x128xf32, #tpu.memory_space<vmem>>) dst(%dma_wait3A_381 : memref<128x128xf32, #tpu.memory_space<hbm>>)
      tpu.yield
    }) : () -> ()
    %mul3A_355 = arith.constant 640 : i32
    %mul3A_356 = arith.muli %arg1, %mul3A_355 : i32
    %add3A_357 = arith.constant 384 : i32
    %add3A_358 = arith.addi %mul3A_356, %add3A_357 : i32
    "tpu.region"() ({
      %run_scoped3A = tpu.sem_alloc : memref<!tpu.dma_semaphore, #tpu.memory_space<semaphore_mem>>
      %dma_start3A = arith.constant 0 : i32
      %dma_start3A_376 = tpu.memref_slice %arg11[%add3A_358, %dma_start3A] : memref<10240x128xf32, #tpu.memory_space<vmem_shared>> -> memref<128x128xf32, #tpu.memory_space<vmem_shared>>
      %dma_start3A_377 = arith.constant 0 : i32
      %dma_start3A_378 = tpu.memref_slice %arg11[%add3A_358, %dma_start3A_377] : memref<10240x128xf32, #tpu.memory_space<vmem_shared>> -> memref<128x128xf32, #tpu.memory_space<vmem_shared>>
      tpu.enqueue_dma source(%dma_start3A_378 : memref<128x128xf32, #tpu.memory_space<vmem_shared>>) target(%arg10 : memref<128x128xf32, #tpu.memory_space<vmem>>) target_semaphore(%run_scoped3A : memref<!tpu.dma_semaphore, #tpu.memory_space<semaphore_mem>>)
      %dma_wait3A = arith.constant 0 : i32
      %dma_wait3A_379 = tpu.memref_slice %arg11[%add3A_358, %dma_wait3A] : memref<10240x128xf32, #tpu.memory_space<vmem_shared>> -> memref<128x128xf32, #tpu.memory_space<vmem_shared>>
      %dma_wait3A_380 = arith.constant 0 : i32
      %dma_wait3A_381 = tpu.memref_slice %arg11[%add3A_358, %dma_wait3A_380] : memref<10240x128xf32, #tpu.memory_space<vmem_shared>> -> memref<128x128xf32, #tpu.memory_space<vmem_shared>>
      tpu.wait_dma2 semaphore(%run_scoped3A : memref<!tpu.dma_semaphore, #tpu.memory_space<semaphore_mem>>) src(%dma_wait3A_381 : memref<128x128xf32, #tpu.memory_space<vmem_shared>>) dst(%arg10 : memref<128x128xf32, #tpu.memory_space<vmem>>)
      tpu.yield
    }) : () -> ()
    %mul3A_359 = arith.constant 10240 : i32
    %mul3A_360 = arith.muli %arg0, %mul3A_359 : i32
    %add3A_361 = arith.addi %mul3A_360, %add3A_358 : i32
    "tpu.region"() ({
      %run_scoped3A = tpu.sem_alloc : memref<!tpu.dma_semaphore, #tpu.memory_space<semaphore_mem>>
      %dma_start3A = arith.constant 0 : i32
      %dma_start3A_376 = tpu.memref_slice %arg6[%add3A_361, %dma_start3A] : memref<20480x128xf32, #tpu.memory_space<hbm>> -> memref<128x128xf32, #tpu.memory_space<hbm>>
      %dma_start3A_377 = arith.constant 0 : i32
      %dma_start3A_378 = tpu.memref_slice %arg6[%add3A_361, %dma_start3A_377] : memref<20480x128xf32, #tpu.memory_space<hbm>> -> memref<128x128xf32, #tpu.memory_space<hbm>>
      tpu.enqueue_dma source(%arg10 : memref<128x128xf32, #tpu.memory_space<vmem>>) target(%dma_start3A_378 : memref<128x128xf32, #tpu.memory_space<hbm>>) target_semaphore(%run_scoped3A : memref<!tpu.dma_semaphore, #tpu.memory_space<semaphore_mem>>)
      %dma_wait3A = arith.constant 0 : i32
      %dma_wait3A_379 = tpu.memref_slice %arg6[%add3A_361, %dma_wait3A] : memref<20480x128xf32, #tpu.memory_space<hbm>> -> memref<128x128xf32, #tpu.memory_space<hbm>>
      %dma_wait3A_380 = arith.constant 0 : i32
      %dma_wait3A_381 = tpu.memref_slice %arg6[%add3A_361, %dma_wait3A_380] : memref<20480x128xf32, #tpu.memory_space<hbm>> -> memref<128x128xf32, #tpu.memory_space<hbm>>
      tpu.wait_dma2 semaphore(%run_scoped3A : memref<!tpu.dma_semaphore, #tpu.memory_space<semaphore_mem>>) src(%arg10 : memref<128x128xf32, #tpu.memory_space<vmem>>) dst(%dma_wait3A_381 : memref<128x128xf32, #tpu.memory_space<hbm>>)
      tpu.yield
    }) : () -> ()
    %mul3A_362 = arith.constant 640 : i32
    %mul3A_363 = arith.muli %arg1, %mul3A_362 : i32
    %add3A_364 = arith.constant 512 : i32
    %add3A_365 = arith.addi %mul3A_363, %add3A_364 : i32
    "tpu.region"() ({
      %run_scoped3A = tpu.sem_alloc : memref<!tpu.dma_semaphore, #tpu.memory_space<semaphore_mem>>
      %dma_start3A = arith.constant 0 : i32
      %dma_start3A_376 = tpu.memref_slice %arg11[%add3A_365, %dma_start3A] : memref<10240x128xf32, #tpu.memory_space<vmem_shared>> -> memref<128x128xf32, #tpu.memory_space<vmem_shared>>
      %dma_start3A_377 = arith.constant 0 : i32
      %dma_start3A_378 = tpu.memref_slice %arg11[%add3A_365, %dma_start3A_377] : memref<10240x128xf32, #tpu.memory_space<vmem_shared>> -> memref<128x128xf32, #tpu.memory_space<vmem_shared>>
      tpu.enqueue_dma source(%dma_start3A_378 : memref<128x128xf32, #tpu.memory_space<vmem_shared>>) target(%arg10 : memref<128x128xf32, #tpu.memory_space<vmem>>) target_semaphore(%run_scoped3A : memref<!tpu.dma_semaphore, #tpu.memory_space<semaphore_mem>>)
      %dma_wait3A = arith.constant 0 : i32
      %dma_wait3A_379 = tpu.memref_slice %arg11[%add3A_365, %dma_wait3A] : memref<10240x128xf32, #tpu.memory_space<vmem_shared>> -> memref<128x128xf32, #tpu.memory_space<vmem_shared>>
      %dma_wait3A_380 = arith.constant 0 : i32
      %dma_wait3A_381 = tpu.memref_slice %arg11[%add3A_365, %dma_wait3A_380] : memref<10240x128xf32, #tpu.memory_space<vmem_shared>> -> memref<128x128xf32, #tpu.memory_space<vmem_shared>>
      tpu.wait_dma2 semaphore(%run_scoped3A : memref<!tpu.dma_semaphore, #tpu.memory_space<semaphore_mem>>) src(%dma_wait3A_381 : memref<128x128xf32, #tpu.memory_space<vmem_shared>>) dst(%arg10 : memref<128x128xf32, #tpu.memory_space<vmem>>)
      tpu.yield
    }) : () -> ()
    %mul3A_366 = arith.constant 10240 : i32
    %mul3A_367 = arith.muli %arg0, %mul3A_366 : i32
    %add3A_368 = arith.addi %mul3A_367, %add3A_365 : i32
    "tpu.region"() ({
      %run_scoped3A = tpu.sem_alloc : memref<!tpu.dma_semaphore, #tpu.memory_space<semaphore_mem>>
      %dma_start3A = arith.constant 0 : i32
      %dma_start3A_376 = tpu.memref_slice %arg6[%add3A_368, %dma_start3A] : memref<20480x128xf32, #tpu.memory_space<hbm>> -> memref<128x128xf32, #tpu.memory_space<hbm>>
      %dma_start3A_377 = arith.constant 0 : i32
      %dma_start3A_378 = tpu.memref_slice %arg6[%add3A_368, %dma_start3A_377] : memref<20480x128xf32, #tpu.memory_space<hbm>> -> memref<128x128xf32, #tpu.memory_space<hbm>>
      tpu.enqueue_dma source(%arg10 : memref<128x128xf32, #tpu.memory_space<vmem>>) target(%dma_start3A_378 : memref<128x128xf32, #tpu.memory_space<hbm>>) target_semaphore(%run_scoped3A : memref<!tpu.dma_semaphore, #tpu.memory_space<semaphore_mem>>)
      %dma_wait3A = arith.constant 0 : i32
      %dma_wait3A_379 = tpu.memref_slice %arg6[%add3A_368, %dma_wait3A] : memref<20480x128xf32, #tpu.memory_space<hbm>> -> memref<128x128xf32, #tpu.memory_space<hbm>>
      %dma_wait3A_380 = arith.constant 0 : i32
      %dma_wait3A_381 = tpu.memref_slice %arg6[%add3A_368, %dma_wait3A_380] : memref<20480x128xf32, #tpu.memory_space<hbm>> -> memref<128x128xf32, #tpu.memory_space<hbm>>
      tpu.wait_dma2 semaphore(%run_scoped3A : memref<!tpu.dma_semaphore, #tpu.memory_space<semaphore_mem>>) src(%arg10 : memref<128x128xf32, #tpu.memory_space<vmem>>) dst(%dma_wait3A_381 : memref<128x128xf32, #tpu.memory_space<hbm>>)
      tpu.yield
    }) : () -> ()
    %mul3A_369 = arith.constant 640 : i32
    %mul3A_370 = arith.muli %arg1, %mul3A_369 : i32
    "tpu.region"() ({
      %run_scoped3A = tpu.sem_alloc : memref<!tpu.dma_semaphore, #tpu.memory_space<semaphore_mem>>
      %dma_start3A = tpu.memref_slice %arg15[%mul3A_370] : memref<10240xf32, #tpu.memory_space<vmem_shared>> -> memref<640xf32, #tpu.memory_space<vmem_shared>>
      %dma_start3A_376 = tpu.memref_slice %arg15[%mul3A_370] : memref<10240xf32, #tpu.memory_space<vmem_shared>> -> memref<640xf32, #tpu.memory_space<vmem_shared>>
      tpu.enqueue_dma source(%dma_start3A_376 : memref<640xf32, #tpu.memory_space<vmem_shared>>) target(%arg14 : memref<640xf32, #tpu.memory_space<vmem>>) target_semaphore(%run_scoped3A : memref<!tpu.dma_semaphore, #tpu.memory_space<semaphore_mem>>)
      %dma_wait3A = tpu.memref_slice %arg15[%mul3A_370] : memref<10240xf32, #tpu.memory_space<vmem_shared>> -> memref<640xf32, #tpu.memory_space<vmem_shared>>
      %dma_wait3A_377 = tpu.memref_slice %arg15[%mul3A_370] : memref<10240xf32, #tpu.memory_space<vmem_shared>> -> memref<640xf32, #tpu.memory_space<vmem_shared>>
      tpu.wait_dma2 semaphore(%run_scoped3A : memref<!tpu.dma_semaphore, #tpu.memory_space<semaphore_mem>>) src(%dma_wait3A_377 : memref<640xf32, #tpu.memory_space<vmem_shared>>) dst(%arg14 : memref<640xf32, #tpu.memory_space<vmem>>)
      tpu.yield
    }) : () -> ()
    %mul3A_371 = arith.constant 10240 : i32
    %mul3A_372 = arith.muli %arg0, %mul3A_371 : i32
    %mul3A_373 = arith.constant 640 : i32
    %mul3A_374 = arith.muli %arg1, %mul3A_373 : i32
    %add3A_375 = arith.addi %mul3A_372, %mul3A_374 : i32
    "tpu.region"() ({
      %run_scoped3A = tpu.sem_alloc : memref<!tpu.dma_semaphore, #tpu.memory_space<semaphore_mem>>
      %dma_start3A = tpu.memref_slice %arg7[%add3A_375] : memref<20480xf32, #tpu.memory_space<hbm>> -> memref<640xf32, #tpu.memory_space<hbm>>
      %dma_start3A_376 = tpu.memref_slice %arg7[%add3A_375] : memref<20480xf32, #tpu.memory_space<hbm>> -> memref<640xf32, #tpu.memory_space<hbm>>
      tpu.enqueue_dma source(%arg14 : memref<640xf32, #tpu.memory_space<vmem>>) target(%dma_start3A_376 : memref<640xf32, #tpu.memory_space<hbm>>) target_semaphore(%run_scoped3A : memref<!tpu.dma_semaphore, #tpu.memory_space<semaphore_mem>>)
      %dma_wait3A = tpu.memref_slice %arg7[%add3A_375] : memref<20480xf32, #tpu.memory_space<hbm>> -> memref<640xf32, #tpu.memory_space<hbm>>
      %dma_wait3A_377 = tpu.memref_slice %arg7[%add3A_375] : memref<20480xf32, #tpu.memory_space<hbm>> -> memref<640xf32, #tpu.memory_space<hbm>>
      tpu.wait_dma2 semaphore(%run_scoped3A : memref<!tpu.dma_semaphore, #tpu.memory_space<semaphore_mem>>) src(%arg14 : memref<640xf32, #tpu.memory_space<vmem>>) dst(%dma_wait3A_377 : memref<640xf32, #tpu.memory_space<hbm>>)
      tpu.yield
    }) : () -> ()
    return
  }
}

#map = affine_map<(d0, d1) -> (0)>
#map1 = affine_map<(d0, d1) -> (0, 0)>
module attributes {stable_mosaic.version = 14 : i64} {
  func.func @body(%arg0: i32, %arg1: i32, %arg2: memref<323584xi32, #tpu.memory_space<hbm>>, %arg3: memref<323584xi32, #tpu.memory_space<hbm>>, %arg4: memref<10000x128xf32, #tpu.memory_space<hbm>>, %arg5: memref<10240x128xf32, #tpu.memory_space<hbm>>, %arg6: memref<20480x128xf32, #tpu.memory_space<hbm>>, %arg7: memref<128xi32, #tpu.memory_space<vmem>>, %arg8: memref<128xi32, #tpu.memory_space<vmem>>, %arg9: memref<128x128xf32, #tpu.memory_space<vmem>>, %arg10: memref<10240x128xf32, #tpu.memory_space<vmem_shared>>, %arg11: memref<!tpu.dma_semaphore, #tpu.memory_space<semaphore_mem>>) attributes {dimension_semantics = [#tpu.dimension_semantics<core_parallel>, #tpu.dimension_semantics<subcore_parallel>], iteration_bounds = array<i64: 2, 16>, scalar_prefetch = 0 : i64, scratch_operands = 5 : i64, tpu.core_type = #tpu.core_type<sc_vector_subcore>, window_params = [{transform_indices = #map}, {transform_indices = #map}, {transform_indices = #map1}, {transform_indices = #map1}, {transform_indices = #map1}]} {
    %mul3A = arith.constant 158 : i32
    %mul3A_0 = arith.muli %arg1, %mul3A : i32
    %mul3A_1 = arith.constant 95 : i32
    %mul3A_2 = arith.muli %arg0, %mul3A_1 : i32
    %add3A = arith.addi %mul3A_0, %mul3A_2 : i32
    %mul3A_3 = arith.constant 128 : i32
    %mul3A_4 = arith.muli %add3A, %mul3A_3 : i32
    %eq3A = arith.constant 0 : i32
    %eq3A_5 = arith.cmpi eq, %arg0, %eq3A : i32
    %jit3A = arith.constant 95 : i32
    %jit3A_6 = arith.constant 63 : i32
    %select_n3A = arith.select %eq3A_5, %jit3A, %jit3A_6 : i32
    %mul3A_7 = arith.constant 640 : i32
    %mul3A_8 = arith.muli %arg1, %mul3A_7 : i32
    %add3A_9 = arith.constant 0 : i32
    %add3A_10 = arith.addi %mul3A_8, %add3A_9 : i32
    "tpu.region"() ({
      %run_scoped3A = tpu.sem_alloc : memref<!tpu.dma_semaphore, #tpu.memory_space<semaphore_mem>>
      %dma_start3A = arith.constant 0 : i32
      %dma_start3A_81 = tpu.memref_slice %arg5[%add3A_10, %dma_start3A] : memref<10240x128xf32, #tpu.memory_space<hbm>> -> memref<128x128xf32, #tpu.memory_space<hbm>>
      %dma_start3A_82 = arith.constant 0 : i32
      %dma_start3A_83 = tpu.memref_slice %arg5[%add3A_10, %dma_start3A_82] : memref<10240x128xf32, #tpu.memory_space<hbm>> -> memref<128x128xf32, #tpu.memory_space<hbm>>
      tpu.enqueue_dma source(%dma_start3A_83 : memref<128x128xf32, #tpu.memory_space<hbm>>) target(%arg9 : memref<128x128xf32, #tpu.memory_space<vmem>>) target_semaphore(%run_scoped3A : memref<!tpu.dma_semaphore, #tpu.memory_space<semaphore_mem>>)
      %dma_wait3A = arith.constant 0 : i32
      %dma_wait3A_84 = tpu.memref_slice %arg5[%add3A_10, %dma_wait3A] : memref<10240x128xf32, #tpu.memory_space<hbm>> -> memref<128x128xf32, #tpu.memory_space<hbm>>
      %dma_wait3A_85 = arith.constant 0 : i32
      %dma_wait3A_86 = tpu.memref_slice %arg5[%add3A_10, %dma_wait3A_85] : memref<10240x128xf32, #tpu.memory_space<hbm>> -> memref<128x128xf32, #tpu.memory_space<hbm>>
      tpu.wait_dma2 semaphore(%run_scoped3A : memref<!tpu.dma_semaphore, #tpu.memory_space<semaphore_mem>>) src(%dma_wait3A_86 : memref<128x128xf32, #tpu.memory_space<hbm>>) dst(%arg9 : memref<128x128xf32, #tpu.memory_space<vmem>>)
      tpu.yield
    }) : () -> ()
    "tpu.region"() ({
      %run_scoped3A = tpu.sem_alloc : memref<!tpu.dma_semaphore, #tpu.memory_space<semaphore_mem>>
      %dma_start3A = arith.constant 0 : i32
      %dma_start3A_81 = tpu.memref_slice %arg10[%add3A_10, %dma_start3A] : memref<10240x128xf32, #tpu.memory_space<vmem_shared>> -> memref<128x128xf32, #tpu.memory_space<vmem_shared>>
      %dma_start3A_82 = arith.constant 0 : i32
      %dma_start3A_83 = tpu.memref_slice %arg10[%add3A_10, %dma_start3A_82] : memref<10240x128xf32, #tpu.memory_space<vmem_shared>> -> memref<128x128xf32, #tpu.memory_space<vmem_shared>>
      tpu.enqueue_dma source(%arg9 : memref<128x128xf32, #tpu.memory_space<vmem>>) target(%dma_start3A_83 : memref<128x128xf32, #tpu.memory_space<vmem_shared>>) target_semaphore(%run_scoped3A : memref<!tpu.dma_semaphore, #tpu.memory_space<semaphore_mem>>)
      %dma_wait3A = arith.constant 0 : i32
      %dma_wait3A_84 = tpu.memref_slice %arg10[%add3A_10, %dma_wait3A] : memref<10240x128xf32, #tpu.memory_space<vmem_shared>> -> memref<128x128xf32, #tpu.memory_space<vmem_shared>>
      %dma_wait3A_85 = arith.constant 0 : i32
      %dma_wait3A_86 = tpu.memref_slice %arg10[%add3A_10, %dma_wait3A_85] : memref<10240x128xf32, #tpu.memory_space<vmem_shared>> -> memref<128x128xf32, #tpu.memory_space<vmem_shared>>
      tpu.wait_dma2 semaphore(%run_scoped3A : memref<!tpu.dma_semaphore, #tpu.memory_space<semaphore_mem>>) src(%arg9 : memref<128x128xf32, #tpu.memory_space<vmem>>) dst(%dma_wait3A_86 : memref<128x128xf32, #tpu.memory_space<vmem_shared>>)
      tpu.yield
    }) : () -> ()
    %mul3A_11 = arith.constant 640 : i32
    %mul3A_12 = arith.muli %arg1, %mul3A_11 : i32
    %add3A_13 = arith.constant 128 : i32
    %add3A_14 = arith.addi %mul3A_12, %add3A_13 : i32
    "tpu.region"() ({
      %run_scoped3A = tpu.sem_alloc : memref<!tpu.dma_semaphore, #tpu.memory_space<semaphore_mem>>
      %dma_start3A = arith.constant 0 : i32
      %dma_start3A_81 = tpu.memref_slice %arg5[%add3A_14, %dma_start3A] : memref<10240x128xf32, #tpu.memory_space<hbm>> -> memref<128x128xf32, #tpu.memory_space<hbm>>
      %dma_start3A_82 = arith.constant 0 : i32
      %dma_start3A_83 = tpu.memref_slice %arg5[%add3A_14, %dma_start3A_82] : memref<10240x128xf32, #tpu.memory_space<hbm>> -> memref<128x128xf32, #tpu.memory_space<hbm>>
      tpu.enqueue_dma source(%dma_start3A_83 : memref<128x128xf32, #tpu.memory_space<hbm>>) target(%arg9 : memref<128x128xf32, #tpu.memory_space<vmem>>) target_semaphore(%run_scoped3A : memref<!tpu.dma_semaphore, #tpu.memory_space<semaphore_mem>>)
      %dma_wait3A = arith.constant 0 : i32
      %dma_wait3A_84 = tpu.memref_slice %arg5[%add3A_14, %dma_wait3A] : memref<10240x128xf32, #tpu.memory_space<hbm>> -> memref<128x128xf32, #tpu.memory_space<hbm>>
      %dma_wait3A_85 = arith.constant 0 : i32
      %dma_wait3A_86 = tpu.memref_slice %arg5[%add3A_14, %dma_wait3A_85] : memref<10240x128xf32, #tpu.memory_space<hbm>> -> memref<128x128xf32, #tpu.memory_space<hbm>>
      tpu.wait_dma2 semaphore(%run_scoped3A : memref<!tpu.dma_semaphore, #tpu.memory_space<semaphore_mem>>) src(%dma_wait3A_86 : memref<128x128xf32, #tpu.memory_space<hbm>>) dst(%arg9 : memref<128x128xf32, #tpu.memory_space<vmem>>)
      tpu.yield
    }) : () -> ()
    "tpu.region"() ({
      %run_scoped3A = tpu.sem_alloc : memref<!tpu.dma_semaphore, #tpu.memory_space<semaphore_mem>>
      %dma_start3A = arith.constant 0 : i32
      %dma_start3A_81 = tpu.memref_slice %arg10[%add3A_14, %dma_start3A] : memref<10240x128xf32, #tpu.memory_space<vmem_shared>> -> memref<128x128xf32, #tpu.memory_space<vmem_shared>>
      %dma_start3A_82 = arith.constant 0 : i32
      %dma_start3A_83 = tpu.memref_slice %arg10[%add3A_14, %dma_start3A_82] : memref<10240x128xf32, #tpu.memory_space<vmem_shared>> -> memref<128x128xf32, #tpu.memory_space<vmem_shared>>
      tpu.enqueue_dma source(%arg9 : memref<128x128xf32, #tpu.memory_space<vmem>>) target(%dma_start3A_83 : memref<128x128xf32, #tpu.memory_space<vmem_shared>>) target_semaphore(%run_scoped3A : memref<!tpu.dma_semaphore, #tpu.memory_space<semaphore_mem>>)
      %dma_wait3A = arith.constant 0 : i32
      %dma_wait3A_84 = tpu.memref_slice %arg10[%add3A_14, %dma_wait3A] : memref<10240x128xf32, #tpu.memory_space<vmem_shared>> -> memref<128x128xf32, #tpu.memory_space<vmem_shared>>
      %dma_wait3A_85 = arith.constant 0 : i32
      %dma_wait3A_86 = tpu.memref_slice %arg10[%add3A_14, %dma_wait3A_85] : memref<10240x128xf32, #tpu.memory_space<vmem_shared>> -> memref<128x128xf32, #tpu.memory_space<vmem_shared>>
      tpu.wait_dma2 semaphore(%run_scoped3A : memref<!tpu.dma_semaphore, #tpu.memory_space<semaphore_mem>>) src(%arg9 : memref<128x128xf32, #tpu.memory_space<vmem>>) dst(%dma_wait3A_86 : memref<128x128xf32, #tpu.memory_space<vmem_shared>>)
      tpu.yield
    }) : () -> ()
    %mul3A_15 = arith.constant 640 : i32
    %mul3A_16 = arith.muli %arg1, %mul3A_15 : i32
    %add3A_17 = arith.constant 256 : i32
    %add3A_18 = arith.addi %mul3A_16, %add3A_17 : i32
    "tpu.region"() ({
      %run_scoped3A = tpu.sem_alloc : memref<!tpu.dma_semaphore, #tpu.memory_space<semaphore_mem>>
      %dma_start3A = arith.constant 0 : i32
      %dma_start3A_81 = tpu.memref_slice %arg5[%add3A_18, %dma_start3A] : memref<10240x128xf32, #tpu.memory_space<hbm>> -> memref<128x128xf32, #tpu.memory_space<hbm>>
      %dma_start3A_82 = arith.constant 0 : i32
      %dma_start3A_83 = tpu.memref_slice %arg5[%add3A_18, %dma_start3A_82] : memref<10240x128xf32, #tpu.memory_space<hbm>> -> memref<128x128xf32, #tpu.memory_space<hbm>>
      tpu.enqueue_dma source(%dma_start3A_83 : memref<128x128xf32, #tpu.memory_space<hbm>>) target(%arg9 : memref<128x128xf32, #tpu.memory_space<vmem>>) target_semaphore(%run_scoped3A : memref<!tpu.dma_semaphore, #tpu.memory_space<semaphore_mem>>)
      %dma_wait3A = arith.constant 0 : i32
      %dma_wait3A_84 = tpu.memref_slice %arg5[%add3A_18, %dma_wait3A] : memref<10240x128xf32, #tpu.memory_space<hbm>> -> memref<128x128xf32, #tpu.memory_space<hbm>>
      %dma_wait3A_85 = arith.constant 0 : i32
      %dma_wait3A_86 = tpu.memref_slice %arg5[%add3A_18, %dma_wait3A_85] : memref<10240x128xf32, #tpu.memory_space<hbm>> -> memref<128x128xf32, #tpu.memory_space<hbm>>
      tpu.wait_dma2 semaphore(%run_scoped3A : memref<!tpu.dma_semaphore, #tpu.memory_space<semaphore_mem>>) src(%dma_wait3A_86 : memref<128x128xf32, #tpu.memory_space<hbm>>) dst(%arg9 : memref<128x128xf32, #tpu.memory_space<vmem>>)
      tpu.yield
    }) : () -> ()
    "tpu.region"() ({
      %run_scoped3A = tpu.sem_alloc : memref<!tpu.dma_semaphore, #tpu.memory_space<semaphore_mem>>
      %dma_start3A = arith.constant 0 : i32
      %dma_start3A_81 = tpu.memref_slice %arg10[%add3A_18, %dma_start3A] : memref<10240x128xf32, #tpu.memory_space<vmem_shared>> -> memref<128x128xf32, #tpu.memory_space<vmem_shared>>
      %dma_start3A_82 = arith.constant 0 : i32
      %dma_start3A_83 = tpu.memref_slice %arg10[%add3A_18, %dma_start3A_82] : memref<10240x128xf32, #tpu.memory_space<vmem_shared>> -> memref<128x128xf32, #tpu.memory_space<vmem_shared>>
      tpu.enqueue_dma source(%arg9 : memref<128x128xf32, #tpu.memory_space<vmem>>) target(%dma_start3A_83 : memref<128x128xf32, #tpu.memory_space<vmem_shared>>) target_semaphore(%run_scoped3A : memref<!tpu.dma_semaphore, #tpu.memory_space<semaphore_mem>>)
      %dma_wait3A = arith.constant 0 : i32
      %dma_wait3A_84 = tpu.memref_slice %arg10[%add3A_18, %dma_wait3A] : memref<10240x128xf32, #tpu.memory_space<vmem_shared>> -> memref<128x128xf32, #tpu.memory_space<vmem_shared>>
      %dma_wait3A_85 = arith.constant 0 : i32
      %dma_wait3A_86 = tpu.memref_slice %arg10[%add3A_18, %dma_wait3A_85] : memref<10240x128xf32, #tpu.memory_space<vmem_shared>> -> memref<128x128xf32, #tpu.memory_space<vmem_shared>>
      tpu.wait_dma2 semaphore(%run_scoped3A : memref<!tpu.dma_semaphore, #tpu.memory_space<semaphore_mem>>) src(%arg9 : memref<128x128xf32, #tpu.memory_space<vmem>>) dst(%dma_wait3A_86 : memref<128x128xf32, #tpu.memory_space<vmem_shared>>)
      tpu.yield
    }) : () -> ()
    %mul3A_19 = arith.constant 640 : i32
    %mul3A_20 = arith.muli %arg1, %mul3A_19 : i32
    %add3A_21 = arith.constant 384 : i32
    %add3A_22 = arith.addi %mul3A_20, %add3A_21 : i32
    "tpu.region"() ({
      %run_scoped3A = tpu.sem_alloc : memref<!tpu.dma_semaphore, #tpu.memory_space<semaphore_mem>>
      %dma_start3A = arith.constant 0 : i32
      %dma_start3A_81 = tpu.memref_slice %arg5[%add3A_22, %dma_start3A] : memref<10240x128xf32, #tpu.memory_space<hbm>> -> memref<128x128xf32, #tpu.memory_space<hbm>>
      %dma_start3A_82 = arith.constant 0 : i32
      %dma_start3A_83 = tpu.memref_slice %arg5[%add3A_22, %dma_start3A_82] : memref<10240x128xf32, #tpu.memory_space<hbm>> -> memref<128x128xf32, #tpu.memory_space<hbm>>
      tpu.enqueue_dma source(%dma_start3A_83 : memref<128x128xf32, #tpu.memory_space<hbm>>) target(%arg9 : memref<128x128xf32, #tpu.memory_space<vmem>>) target_semaphore(%run_scoped3A : memref<!tpu.dma_semaphore, #tpu.memory_space<semaphore_mem>>)
      %dma_wait3A = arith.constant 0 : i32
      %dma_wait3A_84 = tpu.memref_slice %arg5[%add3A_22, %dma_wait3A] : memref<10240x128xf32, #tpu.memory_space<hbm>> -> memref<128x128xf32, #tpu.memory_space<hbm>>
      %dma_wait3A_85 = arith.constant 0 : i32
      %dma_wait3A_86 = tpu.memref_slice %arg5[%add3A_22, %dma_wait3A_85] : memref<10240x128xf32, #tpu.memory_space<hbm>> -> memref<128x128xf32, #tpu.memory_space<hbm>>
      tpu.wait_dma2 semaphore(%run_scoped3A : memref<!tpu.dma_semaphore, #tpu.memory_space<semaphore_mem>>) src(%dma_wait3A_86 : memref<128x128xf32, #tpu.memory_space<hbm>>) dst(%arg9 : memref<128x128xf32, #tpu.memory_space<vmem>>)
      tpu.yield
    }) : () -> ()
    "tpu.region"() ({
      %run_scoped3A = tpu.sem_alloc : memref<!tpu.dma_semaphore, #tpu.memory_space<semaphore_mem>>
      %dma_start3A = arith.constant 0 : i32
      %dma_start3A_81 = tpu.memref_slice %arg10[%add3A_22, %dma_start3A] : memref<10240x128xf32, #tpu.memory_space<vmem_shared>> -> memref<128x128xf32, #tpu.memory_space<vmem_shared>>
      %dma_start3A_82 = arith.constant 0 : i32
      %dma_start3A_83 = tpu.memref_slice %arg10[%add3A_22, %dma_start3A_82] : memref<10240x128xf32, #tpu.memory_space<vmem_shared>> -> memref<128x128xf32, #tpu.memory_space<vmem_shared>>
      tpu.enqueue_dma source(%arg9 : memref<128x128xf32, #tpu.memory_space<vmem>>) target(%dma_start3A_83 : memref<128x128xf32, #tpu.memory_space<vmem_shared>>) target_semaphore(%run_scoped3A : memref<!tpu.dma_semaphore, #tpu.memory_space<semaphore_mem>>)
      %dma_wait3A = arith.constant 0 : i32
      %dma_wait3A_84 = tpu.memref_slice %arg10[%add3A_22, %dma_wait3A] : memref<10240x128xf32, #tpu.memory_space<vmem_shared>> -> memref<128x128xf32, #tpu.memory_space<vmem_shared>>
      %dma_wait3A_85 = arith.constant 0 : i32
      %dma_wait3A_86 = tpu.memref_slice %arg10[%add3A_22, %dma_wait3A_85] : memref<10240x128xf32, #tpu.memory_space<vmem_shared>> -> memref<128x128xf32, #tpu.memory_space<vmem_shared>>
      tpu.wait_dma2 semaphore(%run_scoped3A : memref<!tpu.dma_semaphore, #tpu.memory_space<semaphore_mem>>) src(%arg9 : memref<128x128xf32, #tpu.memory_space<vmem>>) dst(%dma_wait3A_86 : memref<128x128xf32, #tpu.memory_space<vmem_shared>>)
      tpu.yield
    }) : () -> ()
    %mul3A_23 = arith.constant 640 : i32
    %mul3A_24 = arith.muli %arg1, %mul3A_23 : i32
    %add3A_25 = arith.constant 512 : i32
    %add3A_26 = arith.addi %mul3A_24, %add3A_25 : i32
    "tpu.region"() ({
      %run_scoped3A = tpu.sem_alloc : memref<!tpu.dma_semaphore, #tpu.memory_space<semaphore_mem>>
      %dma_start3A = arith.constant 0 : i32
      %dma_start3A_81 = tpu.memref_slice %arg5[%add3A_26, %dma_start3A] : memref<10240x128xf32, #tpu.memory_space<hbm>> -> memref<128x128xf32, #tpu.memory_space<hbm>>
      %dma_start3A_82 = arith.constant 0 : i32
      %dma_start3A_83 = tpu.memref_slice %arg5[%add3A_26, %dma_start3A_82] : memref<10240x128xf32, #tpu.memory_space<hbm>> -> memref<128x128xf32, #tpu.memory_space<hbm>>
      tpu.enqueue_dma source(%dma_start3A_83 : memref<128x128xf32, #tpu.memory_space<hbm>>) target(%arg9 : memref<128x128xf32, #tpu.memory_space<vmem>>) target_semaphore(%run_scoped3A : memref<!tpu.dma_semaphore, #tpu.memory_space<semaphore_mem>>)
      %dma_wait3A = arith.constant 0 : i32
      %dma_wait3A_84 = tpu.memref_slice %arg5[%add3A_26, %dma_wait3A] : memref<10240x128xf32, #tpu.memory_space<hbm>> -> memref<128x128xf32, #tpu.memory_space<hbm>>
      %dma_wait3A_85 = arith.constant 0 : i32
      %dma_wait3A_86 = tpu.memref_slice %arg5[%add3A_26, %dma_wait3A_85] : memref<10240x128xf32, #tpu.memory_space<hbm>> -> memref<128x128xf32, #tpu.memory_space<hbm>>
      tpu.wait_dma2 semaphore(%run_scoped3A : memref<!tpu.dma_semaphore, #tpu.memory_space<semaphore_mem>>) src(%dma_wait3A_86 : memref<128x128xf32, #tpu.memory_space<hbm>>) dst(%arg9 : memref<128x128xf32, #tpu.memory_space<vmem>>)
      tpu.yield
    }) : () -> ()
    "tpu.region"() ({
      %run_scoped3A = tpu.sem_alloc : memref<!tpu.dma_semaphore, #tpu.memory_space<semaphore_mem>>
      %dma_start3A = arith.constant 0 : i32
      %dma_start3A_81 = tpu.memref_slice %arg10[%add3A_26, %dma_start3A] : memref<10240x128xf32, #tpu.memory_space<vmem_shared>> -> memref<128x128xf32, #tpu.memory_space<vmem_shared>>
      %dma_start3A_82 = arith.constant 0 : i32
      %dma_start3A_83 = tpu.memref_slice %arg10[%add3A_26, %dma_start3A_82] : memref<10240x128xf32, #tpu.memory_space<vmem_shared>> -> memref<128x128xf32, #tpu.memory_space<vmem_shared>>
      tpu.enqueue_dma source(%arg9 : memref<128x128xf32, #tpu.memory_space<vmem>>) target(%dma_start3A_83 : memref<128x128xf32, #tpu.memory_space<vmem_shared>>) target_semaphore(%run_scoped3A : memref<!tpu.dma_semaphore, #tpu.memory_space<semaphore_mem>>)
      %dma_wait3A = arith.constant 0 : i32
      %dma_wait3A_84 = tpu.memref_slice %arg10[%add3A_26, %dma_wait3A] : memref<10240x128xf32, #tpu.memory_space<vmem_shared>> -> memref<128x128xf32, #tpu.memory_space<vmem_shared>>
      %dma_wait3A_85 = arith.constant 0 : i32
      %dma_wait3A_86 = tpu.memref_slice %arg10[%add3A_26, %dma_wait3A_85] : memref<10240x128xf32, #tpu.memory_space<vmem_shared>> -> memref<128x128xf32, #tpu.memory_space<vmem_shared>>
      tpu.wait_dma2 semaphore(%run_scoped3A : memref<!tpu.dma_semaphore, #tpu.memory_space<semaphore_mem>>) src(%arg9 : memref<128x128xf32, #tpu.memory_space<vmem>>) dst(%dma_wait3A_86 : memref<128x128xf32, #tpu.memory_space<vmem_shared>>)
      tpu.yield
    }) : () -> ()
    %barrier3A = arith.constant 0 : index
    tpu.barrier barrier_id(%barrier3A)
    %sub3A = arith.constant 0 : i32
    %sub3A_27 = arith.subi %select_n3A, %sub3A : i32
    %sub3A_28 = arith.constant 1 : i32
    %sub3A_29 = arith.constant 1 : i32
    %sub3A_30 = arith.subi %sub3A_28, %sub3A_29 : i32
    %add3A_31 = arith.addi %sub3A_27, %sub3A_30 : i32
    %div3A = arith.constant 1 : i32
    %div3A_32 = arith.divsi %add3A_31, %div3A : i32
    %while3A = arith.constant 1 : i32
    %while3A_33 = arith.constant 0 : i32
    %while3A_34 = arith.constant 0 : i32
    %while3A_35 = arith.subi %div3A_32, %while3A_34 : i32
    %while3A_36 = arith.addi %while3A_34, %while3A_35 : i32
    %while3A_37 = arith.constant 1 : i32
    %while3A_38 = arith.divsi %while3A_35, %while3A_37 : i32
    %while3A_39 = arith.muli %while3A_38, %while3A_37 : i32
    %while3A_40 = arith.addi %while3A_34, %while3A_39 : i32
    %while3A_41 = arith.constant 1 : i32
    scf.for %while3A_81 = %while3A_34 to %while3A_40 step %while3A_41  : i32 {
      %mul3A_82 = arith.muli %while3A_81, %while3A : i32
      %add3A_83 = arith.addi %while3A_33, %mul3A_82 : i32
      %mul3A_84 = arith.constant 128 : i32
      %mul3A_85 = arith.muli %add3A_83, %mul3A_84 : i32
      %add3A_86 = arith.addi %mul3A_4, %mul3A_85 : i32
      "tpu.region"() ({
        %run_scoped3A = tpu.sem_alloc : memref<!tpu.dma_semaphore, #tpu.memory_space<semaphore_mem>>
        %dma_start3A_91 = tpu.memref_slice %arg2[%add3A_86] : memref<323584xi32, #tpu.memory_space<hbm>> -> memref<128xi32, #tpu.memory_space<hbm>>
        %dma_start3A_92 = tpu.memref_slice %arg2[%add3A_86] : memref<323584xi32, #tpu.memory_space<hbm>> -> memref<128xi32, #tpu.memory_space<hbm>>
        tpu.enqueue_dma source(%dma_start3A_92 : memref<128xi32, #tpu.memory_space<hbm>>) target(%arg7 : memref<128xi32, #tpu.memory_space<vmem>>) target_semaphore(%run_scoped3A : memref<!tpu.dma_semaphore, #tpu.memory_space<semaphore_mem>>)
        %dma_wait3A_93 = tpu.memref_slice %arg2[%add3A_86] : memref<323584xi32, #tpu.memory_space<hbm>> -> memref<128xi32, #tpu.memory_space<hbm>>
        %dma_wait3A_94 = tpu.memref_slice %arg2[%add3A_86] : memref<323584xi32, #tpu.memory_space<hbm>> -> memref<128xi32, #tpu.memory_space<hbm>>
        tpu.wait_dma2 semaphore(%run_scoped3A : memref<!tpu.dma_semaphore, #tpu.memory_space<semaphore_mem>>) src(%dma_wait3A_94 : memref<128xi32, #tpu.memory_space<hbm>>) dst(%arg7 : memref<128xi32, #tpu.memory_space<vmem>>)
        tpu.yield
      }) : () -> ()
      "tpu.region"() ({
        %run_scoped3A = tpu.sem_alloc : memref<!tpu.dma_semaphore, #tpu.memory_space<semaphore_mem>>
        %dma_start3A_91 = tpu.memref_slice %arg3[%add3A_86] : memref<323584xi32, #tpu.memory_space<hbm>> -> memref<128xi32, #tpu.memory_space<hbm>>
        %dma_start3A_92 = tpu.memref_slice %arg3[%add3A_86] : memref<323584xi32, #tpu.memory_space<hbm>> -> memref<128xi32, #tpu.memory_space<hbm>>
        tpu.enqueue_dma source(%dma_start3A_92 : memref<128xi32, #tpu.memory_space<hbm>>) target(%arg8 : memref<128xi32, #tpu.memory_space<vmem>>) target_semaphore(%run_scoped3A : memref<!tpu.dma_semaphore, #tpu.memory_space<semaphore_mem>>)
        %dma_wait3A_93 = tpu.memref_slice %arg3[%add3A_86] : memref<323584xi32, #tpu.memory_space<hbm>> -> memref<128xi32, #tpu.memory_space<hbm>>
        %dma_wait3A_94 = tpu.memref_slice %arg3[%add3A_86] : memref<323584xi32, #tpu.memory_space<hbm>> -> memref<128xi32, #tpu.memory_space<hbm>>
        tpu.wait_dma2 semaphore(%run_scoped3A : memref<!tpu.dma_semaphore, #tpu.memory_space<semaphore_mem>>) src(%dma_wait3A_94 : memref<128xi32, #tpu.memory_space<hbm>>) dst(%arg8 : memref<128xi32, #tpu.memory_space<vmem>>)
        tpu.yield
      }) : () -> ()
      %dma_start3A = arith.constant 0 : i32
      %dma_start3A_87 = arith.constant 0 : i32
      %dma_start3A_88 = tpu.memref_slice %arg4[%dma_start3A, %dma_start3A_87] : memref<10000x128xf32, #tpu.memory_space<hbm>> -> memref<10000x128xf32, #tpu.memory_space<hbm>>
      tpu.enqueue_indirect_dma source(%dma_start3A_88 : memref<10000x128xf32, #tpu.memory_space<hbm>>) target(%arg9 : memref<128x128xf32, #tpu.memory_space<vmem>>) offsets(%arg7 : memref<128xi32, #tpu.memory_space<vmem>>) semaphore(%arg11 : memref<!tpu.dma_semaphore, #tpu.memory_space<semaphore_mem>>)
      %dma_wait3A = arith.constant 0 : i32
      %dma_wait3A_89 = arith.constant 0 : i32
      %dma_wait3A_90 = tpu.memref_slice %arg4[%dma_wait3A, %dma_wait3A_89] : memref<10000x128xf32, #tpu.memory_space<hbm>> -> memref<10000x128xf32, #tpu.memory_space<hbm>>
      tpu.wait_indirect_dma semaphore(%arg11 : memref<!tpu.dma_semaphore, #tpu.memory_space<semaphore_mem>>) src(%dma_wait3A_90 : memref<10000x128xf32, #tpu.memory_space<hbm>>) dst(%arg9 : memref<128x128xf32, #tpu.memory_space<vmem>>)
      "tpu.region"() ({
        %run_scoped3A = tpu.sem_alloc : memref<!tpu.dma_semaphore, #tpu.memory_space<semaphore_mem>>
        %dma_start3A_91 = arith.constant 0 : i32
        %dma_start3A_92 = arith.constant 0 : i32
        %dma_start3A_93 = tpu.memref_slice %arg10[%dma_start3A_91, %dma_start3A_92] : memref<10240x128xf32, #tpu.memory_space<vmem_shared>> -> memref<10240x128xf32, #tpu.memory_space<vmem_shared>>
        tpu.enqueue_indirect_dma source(%arg9 : memref<128x128xf32, #tpu.memory_space<vmem>>) target(%dma_start3A_93 : memref<10240x128xf32, #tpu.memory_space<vmem_shared>>) offsets(%arg8 : memref<128xi32, #tpu.memory_space<vmem>>) semaphore(%run_scoped3A : memref<!tpu.dma_semaphore, #tpu.memory_space<semaphore_mem>>) {add = true}
        %dma_wait3A_94 = arith.constant 0 : i32
        %dma_wait3A_95 = arith.constant 0 : i32
        %dma_wait3A_96 = tpu.memref_slice %arg10[%dma_wait3A_94, %dma_wait3A_95] : memref<10240x128xf32, #tpu.memory_space<vmem_shared>> -> memref<10240x128xf32, #tpu.memory_space<vmem_shared>>
        tpu.wait_indirect_dma semaphore(%run_scoped3A : memref<!tpu.dma_semaphore, #tpu.memory_space<semaphore_mem>>) src(%arg9 : memref<128x128xf32, #tpu.memory_space<vmem>>) dst(%dma_wait3A_96 : memref<10240x128xf32, #tpu.memory_space<vmem_shared>>)
        tpu.yield
      }) : () -> ()
    }
    %while3A_42 = arith.constant 1 : i32
    scf.for %while3A_81 = %while3A_40 to %while3A_36 step %while3A_42  : i32 {
      %mul3A_82 = arith.muli %while3A_81, %while3A : i32
      %add3A_83 = arith.addi %while3A_33, %mul3A_82 : i32
      %mul3A_84 = arith.constant 128 : i32
      %mul3A_85 = arith.muli %add3A_83, %mul3A_84 : i32
      %add3A_86 = arith.addi %mul3A_4, %mul3A_85 : i32
      "tpu.region"() ({
        %run_scoped3A = tpu.sem_alloc : memref<!tpu.dma_semaphore, #tpu.memory_space<semaphore_mem>>
        %dma_start3A_91 = tpu.memref_slice %arg2[%add3A_86] : memref<323584xi32, #tpu.memory_space<hbm>> -> memref<128xi32, #tpu.memory_space<hbm>>
        %dma_start3A_92 = tpu.memref_slice %arg2[%add3A_86] : memref<323584xi32, #tpu.memory_space<hbm>> -> memref<128xi32, #tpu.memory_space<hbm>>
        tpu.enqueue_dma source(%dma_start3A_92 : memref<128xi32, #tpu.memory_space<hbm>>) target(%arg7 : memref<128xi32, #tpu.memory_space<vmem>>) target_semaphore(%run_scoped3A : memref<!tpu.dma_semaphore, #tpu.memory_space<semaphore_mem>>)
        %dma_wait3A_93 = tpu.memref_slice %arg2[%add3A_86] : memref<323584xi32, #tpu.memory_space<hbm>> -> memref<128xi32, #tpu.memory_space<hbm>>
        %dma_wait3A_94 = tpu.memref_slice %arg2[%add3A_86] : memref<323584xi32, #tpu.memory_space<hbm>> -> memref<128xi32, #tpu.memory_space<hbm>>
        tpu.wait_dma2 semaphore(%run_scoped3A : memref<!tpu.dma_semaphore, #tpu.memory_space<semaphore_mem>>) src(%dma_wait3A_94 : memref<128xi32, #tpu.memory_space<hbm>>) dst(%arg7 : memref<128xi32, #tpu.memory_space<vmem>>)
        tpu.yield
      }) : () -> ()
      "tpu.region"() ({
        %run_scoped3A = tpu.sem_alloc : memref<!tpu.dma_semaphore, #tpu.memory_space<semaphore_mem>>
        %dma_start3A_91 = tpu.memref_slice %arg3[%add3A_86] : memref<323584xi32, #tpu.memory_space<hbm>> -> memref<128xi32, #tpu.memory_space<hbm>>
        %dma_start3A_92 = tpu.memref_slice %arg3[%add3A_86] : memref<323584xi32, #tpu.memory_space<hbm>> -> memref<128xi32, #tpu.memory_space<hbm>>
        tpu.enqueue_dma source(%dma_start3A_92 : memref<128xi32, #tpu.memory_space<hbm>>) target(%arg8 : memref<128xi32, #tpu.memory_space<vmem>>) target_semaphore(%run_scoped3A : memref<!tpu.dma_semaphore, #tpu.memory_space<semaphore_mem>>)
        %dma_wait3A_93 = tpu.memref_slice %arg3[%add3A_86] : memref<323584xi32, #tpu.memory_space<hbm>> -> memref<128xi32, #tpu.memory_space<hbm>>
        %dma_wait3A_94 = tpu.memref_slice %arg3[%add3A_86] : memref<323584xi32, #tpu.memory_space<hbm>> -> memref<128xi32, #tpu.memory_space<hbm>>
        tpu.wait_dma2 semaphore(%run_scoped3A : memref<!tpu.dma_semaphore, #tpu.memory_space<semaphore_mem>>) src(%dma_wait3A_94 : memref<128xi32, #tpu.memory_space<hbm>>) dst(%arg8 : memref<128xi32, #tpu.memory_space<vmem>>)
        tpu.yield
      }) : () -> ()
      %dma_start3A = arith.constant 0 : i32
      %dma_start3A_87 = arith.constant 0 : i32
      %dma_start3A_88 = tpu.memref_slice %arg4[%dma_start3A, %dma_start3A_87] : memref<10000x128xf32, #tpu.memory_space<hbm>> -> memref<10000x128xf32, #tpu.memory_space<hbm>>
      tpu.enqueue_indirect_dma source(%dma_start3A_88 : memref<10000x128xf32, #tpu.memory_space<hbm>>) target(%arg9 : memref<128x128xf32, #tpu.memory_space<vmem>>) offsets(%arg7 : memref<128xi32, #tpu.memory_space<vmem>>) semaphore(%arg11 : memref<!tpu.dma_semaphore, #tpu.memory_space<semaphore_mem>>)
      %dma_wait3A = arith.constant 0 : i32
      %dma_wait3A_89 = arith.constant 0 : i32
      %dma_wait3A_90 = tpu.memref_slice %arg4[%dma_wait3A, %dma_wait3A_89] : memref<10000x128xf32, #tpu.memory_space<hbm>> -> memref<10000x128xf32, #tpu.memory_space<hbm>>
      tpu.wait_indirect_dma semaphore(%arg11 : memref<!tpu.dma_semaphore, #tpu.memory_space<semaphore_mem>>) src(%dma_wait3A_90 : memref<10000x128xf32, #tpu.memory_space<hbm>>) dst(%arg9 : memref<128x128xf32, #tpu.memory_space<vmem>>)
      "tpu.region"() ({
        %run_scoped3A = tpu.sem_alloc : memref<!tpu.dma_semaphore, #tpu.memory_space<semaphore_mem>>
        %dma_start3A_91 = arith.constant 0 : i32
        %dma_start3A_92 = arith.constant 0 : i32
        %dma_start3A_93 = tpu.memref_slice %arg10[%dma_start3A_91, %dma_start3A_92] : memref<10240x128xf32, #tpu.memory_space<vmem_shared>> -> memref<10240x128xf32, #tpu.memory_space<vmem_shared>>
        tpu.enqueue_indirect_dma source(%arg9 : memref<128x128xf32, #tpu.memory_space<vmem>>) target(%dma_start3A_93 : memref<10240x128xf32, #tpu.memory_space<vmem_shared>>) offsets(%arg8 : memref<128xi32, #tpu.memory_space<vmem>>) semaphore(%run_scoped3A : memref<!tpu.dma_semaphore, #tpu.memory_space<semaphore_mem>>) {add = true}
        %dma_wait3A_94 = arith.constant 0 : i32
        %dma_wait3A_95 = arith.constant 0 : i32
        %dma_wait3A_96 = tpu.memref_slice %arg10[%dma_wait3A_94, %dma_wait3A_95] : memref<10240x128xf32, #tpu.memory_space<vmem_shared>> -> memref<10240x128xf32, #tpu.memory_space<vmem_shared>>
        tpu.wait_indirect_dma semaphore(%run_scoped3A : memref<!tpu.dma_semaphore, #tpu.memory_space<semaphore_mem>>) src(%arg9 : memref<128x128xf32, #tpu.memory_space<vmem>>) dst(%dma_wait3A_96 : memref<10240x128xf32, #tpu.memory_space<vmem_shared>>)
        tpu.yield
      }) : () -> ()
    }
    %mul3A_43 = arith.constant 640 : i32
    %mul3A_44 = arith.muli %arg1, %mul3A_43 : i32
    "tpu.region"() ({
      %run_scoped3A = tpu.sem_alloc : memref<!tpu.dma_semaphore, #tpu.memory_space<semaphore_mem>>
      %dma_start3A = arith.constant 0 : i32
      %dma_start3A_81 = tpu.memref_slice %arg10[%mul3A_44, %dma_start3A] : memref<10240x128xf32, #tpu.memory_space<vmem_shared>> -> memref<128x128xf32, #tpu.memory_space<vmem_shared>>
      %dma_start3A_82 = arith.constant 0 : i32
      %dma_start3A_83 = tpu.memref_slice %arg10[%mul3A_44, %dma_start3A_82] : memref<10240x128xf32, #tpu.memory_space<vmem_shared>> -> memref<128x128xf32, #tpu.memory_space<vmem_shared>>
      tpu.enqueue_dma source(%dma_start3A_83 : memref<128x128xf32, #tpu.memory_space<vmem_shared>>) target(%arg9 : memref<128x128xf32, #tpu.memory_space<vmem>>) target_semaphore(%run_scoped3A : memref<!tpu.dma_semaphore, #tpu.memory_space<semaphore_mem>>)
      %dma_wait3A = arith.constant 0 : i32
      %dma_wait3A_84 = tpu.memref_slice %arg10[%mul3A_44, %dma_wait3A] : memref<10240x128xf32, #tpu.memory_space<vmem_shared>> -> memref<128x128xf32, #tpu.memory_space<vmem_shared>>
      %dma_wait3A_85 = arith.constant 0 : i32
      %dma_wait3A_86 = tpu.memref_slice %arg10[%mul3A_44, %dma_wait3A_85] : memref<10240x128xf32, #tpu.memory_space<vmem_shared>> -> memref<128x128xf32, #tpu.memory_space<vmem_shared>>
      tpu.wait_dma2 semaphore(%run_scoped3A : memref<!tpu.dma_semaphore, #tpu.memory_space<semaphore_mem>>) src(%dma_wait3A_86 : memref<128x128xf32, #tpu.memory_space<vmem_shared>>) dst(%arg9 : memref<128x128xf32, #tpu.memory_space<vmem>>)
      tpu.yield
    }) : () -> ()
    %barrier3A_45 = arith.constant 0 : index
    tpu.barrier barrier_id(%barrier3A_45)
    %mul3A_46 = arith.constant 640 : i32
    %mul3A_47 = arith.muli %arg1, %mul3A_46 : i32
    %add3A_48 = arith.constant 0 : i32
    %add3A_49 = arith.addi %mul3A_47, %add3A_48 : i32
    "tpu.region"() ({
      %run_scoped3A = tpu.sem_alloc : memref<!tpu.dma_semaphore, #tpu.memory_space<semaphore_mem>>
      %dma_start3A = arith.constant 0 : i32
      %dma_start3A_81 = tpu.memref_slice %arg10[%add3A_49, %dma_start3A] : memref<10240x128xf32, #tpu.memory_space<vmem_shared>> -> memref<128x128xf32, #tpu.memory_space<vmem_shared>>
      %dma_start3A_82 = arith.constant 0 : i32
      %dma_start3A_83 = tpu.memref_slice %arg10[%add3A_49, %dma_start3A_82] : memref<10240x128xf32, #tpu.memory_space<vmem_shared>> -> memref<128x128xf32, #tpu.memory_space<vmem_shared>>
      tpu.enqueue_dma source(%dma_start3A_83 : memref<128x128xf32, #tpu.memory_space<vmem_shared>>) target(%arg9 : memref<128x128xf32, #tpu.memory_space<vmem>>) target_semaphore(%run_scoped3A : memref<!tpu.dma_semaphore, #tpu.memory_space<semaphore_mem>>)
      %dma_wait3A = arith.constant 0 : i32
      %dma_wait3A_84 = tpu.memref_slice %arg10[%add3A_49, %dma_wait3A] : memref<10240x128xf32, #tpu.memory_space<vmem_shared>> -> memref<128x128xf32, #tpu.memory_space<vmem_shared>>
      %dma_wait3A_85 = arith.constant 0 : i32
      %dma_wait3A_86 = tpu.memref_slice %arg10[%add3A_49, %dma_wait3A_85] : memref<10240x128xf32, #tpu.memory_space<vmem_shared>> -> memref<128x128xf32, #tpu.memory_space<vmem_shared>>
      tpu.wait_dma2 semaphore(%run_scoped3A : memref<!tpu.dma_semaphore, #tpu.memory_space<semaphore_mem>>) src(%dma_wait3A_86 : memref<128x128xf32, #tpu.memory_space<vmem_shared>>) dst(%arg9 : memref<128x128xf32, #tpu.memory_space<vmem>>)
      tpu.yield
    }) : () -> ()
    %mul3A_50 = arith.constant 10240 : i32
    %mul3A_51 = arith.muli %arg0, %mul3A_50 : i32
    %add3A_52 = arith.addi %mul3A_51, %add3A_49 : i32
    "tpu.region"() ({
      %run_scoped3A = tpu.sem_alloc : memref<!tpu.dma_semaphore, #tpu.memory_space<semaphore_mem>>
      %dma_start3A = arith.constant 0 : i32
      %dma_start3A_81 = tpu.memref_slice %arg6[%add3A_52, %dma_start3A] : memref<20480x128xf32, #tpu.memory_space<hbm>> -> memref<128x128xf32, #tpu.memory_space<hbm>>
      %dma_start3A_82 = arith.constant 0 : i32
      %dma_start3A_83 = tpu.memref_slice %arg6[%add3A_52, %dma_start3A_82] : memref<20480x128xf32, #tpu.memory_space<hbm>> -> memref<128x128xf32, #tpu.memory_space<hbm>>
      tpu.enqueue_dma source(%arg9 : memref<128x128xf32, #tpu.memory_space<vmem>>) target(%dma_start3A_83 : memref<128x128xf32, #tpu.memory_space<hbm>>) target_semaphore(%run_scoped3A : memref<!tpu.dma_semaphore, #tpu.memory_space<semaphore_mem>>)
      %dma_wait3A = arith.constant 0 : i32
      %dma_wait3A_84 = tpu.memref_slice %arg6[%add3A_52, %dma_wait3A] : memref<20480x128xf32, #tpu.memory_space<hbm>> -> memref<128x128xf32, #tpu.memory_space<hbm>>
      %dma_wait3A_85 = arith.constant 0 : i32
      %dma_wait3A_86 = tpu.memref_slice %arg6[%add3A_52, %dma_wait3A_85] : memref<20480x128xf32, #tpu.memory_space<hbm>> -> memref<128x128xf32, #tpu.memory_space<hbm>>
      tpu.wait_dma2 semaphore(%run_scoped3A : memref<!tpu.dma_semaphore, #tpu.memory_space<semaphore_mem>>) src(%arg9 : memref<128x128xf32, #tpu.memory_space<vmem>>) dst(%dma_wait3A_86 : memref<128x128xf32, #tpu.memory_space<hbm>>)
      tpu.yield
    }) : () -> ()
    %mul3A_53 = arith.constant 640 : i32
    %mul3A_54 = arith.muli %arg1, %mul3A_53 : i32
    %add3A_55 = arith.constant 128 : i32
    %add3A_56 = arith.addi %mul3A_54, %add3A_55 : i32
    "tpu.region"() ({
      %run_scoped3A = tpu.sem_alloc : memref<!tpu.dma_semaphore, #tpu.memory_space<semaphore_mem>>
      %dma_start3A = arith.constant 0 : i32
      %dma_start3A_81 = tpu.memref_slice %arg10[%add3A_56, %dma_start3A] : memref<10240x128xf32, #tpu.memory_space<vmem_shared>> -> memref<128x128xf32, #tpu.memory_space<vmem_shared>>
      %dma_start3A_82 = arith.constant 0 : i32
      %dma_start3A_83 = tpu.memref_slice %arg10[%add3A_56, %dma_start3A_82] : memref<10240x128xf32, #tpu.memory_space<vmem_shared>> -> memref<128x128xf32, #tpu.memory_space<vmem_shared>>
      tpu.enqueue_dma source(%dma_start3A_83 : memref<128x128xf32, #tpu.memory_space<vmem_shared>>) target(%arg9 : memref<128x128xf32, #tpu.memory_space<vmem>>) target_semaphore(%run_scoped3A : memref<!tpu.dma_semaphore, #tpu.memory_space<semaphore_mem>>)
      %dma_wait3A = arith.constant 0 : i32
      %dma_wait3A_84 = tpu.memref_slice %arg10[%add3A_56, %dma_wait3A] : memref<10240x128xf32, #tpu.memory_space<vmem_shared>> -> memref<128x128xf32, #tpu.memory_space<vmem_shared>>
      %dma_wait3A_85 = arith.constant 0 : i32
      %dma_wait3A_86 = tpu.memref_slice %arg10[%add3A_56, %dma_wait3A_85] : memref<10240x128xf32, #tpu.memory_space<vmem_shared>> -> memref<128x128xf32, #tpu.memory_space<vmem_shared>>
      tpu.wait_dma2 semaphore(%run_scoped3A : memref<!tpu.dma_semaphore, #tpu.memory_space<semaphore_mem>>) src(%dma_wait3A_86 : memref<128x128xf32, #tpu.memory_space<vmem_shared>>) dst(%arg9 : memref<128x128xf32, #tpu.memory_space<vmem>>)
      tpu.yield
    }) : () -> ()
    %mul3A_57 = arith.constant 10240 : i32
    %mul3A_58 = arith.muli %arg0, %mul3A_57 : i32
    %add3A_59 = arith.addi %mul3A_58, %add3A_56 : i32
    "tpu.region"() ({
      %run_scoped3A = tpu.sem_alloc : memref<!tpu.dma_semaphore, #tpu.memory_space<semaphore_mem>>
      %dma_start3A = arith.constant 0 : i32
      %dma_start3A_81 = tpu.memref_slice %arg6[%add3A_59, %dma_start3A] : memref<20480x128xf32, #tpu.memory_space<hbm>> -> memref<128x128xf32, #tpu.memory_space<hbm>>
      %dma_start3A_82 = arith.constant 0 : i32
      %dma_start3A_83 = tpu.memref_slice %arg6[%add3A_59, %dma_start3A_82] : memref<20480x128xf32, #tpu.memory_space<hbm>> -> memref<128x128xf32, #tpu.memory_space<hbm>>
      tpu.enqueue_dma source(%arg9 : memref<128x128xf32, #tpu.memory_space<vmem>>) target(%dma_start3A_83 : memref<128x128xf32, #tpu.memory_space<hbm>>) target_semaphore(%run_scoped3A : memref<!tpu.dma_semaphore, #tpu.memory_space<semaphore_mem>>)
      %dma_wait3A = arith.constant 0 : i32
      %dma_wait3A_84 = tpu.memref_slice %arg6[%add3A_59, %dma_wait3A] : memref<20480x128xf32, #tpu.memory_space<hbm>> -> memref<128x128xf32, #tpu.memory_space<hbm>>
      %dma_wait3A_85 = arith.constant 0 : i32
      %dma_wait3A_86 = tpu.memref_slice %arg6[%add3A_59, %dma_wait3A_85] : memref<20480x128xf32, #tpu.memory_space<hbm>> -> memref<128x128xf32, #tpu.memory_space<hbm>>
      tpu.wait_dma2 semaphore(%run_scoped3A : memref<!tpu.dma_semaphore, #tpu.memory_space<semaphore_mem>>) src(%arg9 : memref<128x128xf32, #tpu.memory_space<vmem>>) dst(%dma_wait3A_86 : memref<128x128xf32, #tpu.memory_space<hbm>>)
      tpu.yield
    }) : () -> ()
    %mul3A_60 = arith.constant 640 : i32
    %mul3A_61 = arith.muli %arg1, %mul3A_60 : i32
    %add3A_62 = arith.constant 256 : i32
    %add3A_63 = arith.addi %mul3A_61, %add3A_62 : i32
    "tpu.region"() ({
      %run_scoped3A = tpu.sem_alloc : memref<!tpu.dma_semaphore, #tpu.memory_space<semaphore_mem>>
      %dma_start3A = arith.constant 0 : i32
      %dma_start3A_81 = tpu.memref_slice %arg10[%add3A_63, %dma_start3A] : memref<10240x128xf32, #tpu.memory_space<vmem_shared>> -> memref<128x128xf32, #tpu.memory_space<vmem_shared>>
      %dma_start3A_82 = arith.constant 0 : i32
      %dma_start3A_83 = tpu.memref_slice %arg10[%add3A_63, %dma_start3A_82] : memref<10240x128xf32, #tpu.memory_space<vmem_shared>> -> memref<128x128xf32, #tpu.memory_space<vmem_shared>>
      tpu.enqueue_dma source(%dma_start3A_83 : memref<128x128xf32, #tpu.memory_space<vmem_shared>>) target(%arg9 : memref<128x128xf32, #tpu.memory_space<vmem>>) target_semaphore(%run_scoped3A : memref<!tpu.dma_semaphore, #tpu.memory_space<semaphore_mem>>)
      %dma_wait3A = arith.constant 0 : i32
      %dma_wait3A_84 = tpu.memref_slice %arg10[%add3A_63, %dma_wait3A] : memref<10240x128xf32, #tpu.memory_space<vmem_shared>> -> memref<128x128xf32, #tpu.memory_space<vmem_shared>>
      %dma_wait3A_85 = arith.constant 0 : i32
      %dma_wait3A_86 = tpu.memref_slice %arg10[%add3A_63, %dma_wait3A_85] : memref<10240x128xf32, #tpu.memory_space<vmem_shared>> -> memref<128x128xf32, #tpu.memory_space<vmem_shared>>
      tpu.wait_dma2 semaphore(%run_scoped3A : memref<!tpu.dma_semaphore, #tpu.memory_space<semaphore_mem>>) src(%dma_wait3A_86 : memref<128x128xf32, #tpu.memory_space<vmem_shared>>) dst(%arg9 : memref<128x128xf32, #tpu.memory_space<vmem>>)
      tpu.yield
    }) : () -> ()
    %mul3A_64 = arith.constant 10240 : i32
    %mul3A_65 = arith.muli %arg0, %mul3A_64 : i32
    %add3A_66 = arith.addi %mul3A_65, %add3A_63 : i32
    "tpu.region"() ({
      %run_scoped3A = tpu.sem_alloc : memref<!tpu.dma_semaphore, #tpu.memory_space<semaphore_mem>>
      %dma_start3A = arith.constant 0 : i32
      %dma_start3A_81 = tpu.memref_slice %arg6[%add3A_66, %dma_start3A] : memref<20480x128xf32, #tpu.memory_space<hbm>> -> memref<128x128xf32, #tpu.memory_space<hbm>>
      %dma_start3A_82 = arith.constant 0 : i32
      %dma_start3A_83 = tpu.memref_slice %arg6[%add3A_66, %dma_start3A_82] : memref<20480x128xf32, #tpu.memory_space<hbm>> -> memref<128x128xf32, #tpu.memory_space<hbm>>
      tpu.enqueue_dma source(%arg9 : memref<128x128xf32, #tpu.memory_space<vmem>>) target(%dma_start3A_83 : memref<128x128xf32, #tpu.memory_space<hbm>>) target_semaphore(%run_scoped3A : memref<!tpu.dma_semaphore, #tpu.memory_space<semaphore_mem>>)
      %dma_wait3A = arith.constant 0 : i32
      %dma_wait3A_84 = tpu.memref_slice %arg6[%add3A_66, %dma_wait3A] : memref<20480x128xf32, #tpu.memory_space<hbm>> -> memref<128x128xf32, #tpu.memory_space<hbm>>
      %dma_wait3A_85 = arith.constant 0 : i32
      %dma_wait3A_86 = tpu.memref_slice %arg6[%add3A_66, %dma_wait3A_85] : memref<20480x128xf32, #tpu.memory_space<hbm>> -> memref<128x128xf32, #tpu.memory_space<hbm>>
      tpu.wait_dma2 semaphore(%run_scoped3A : memref<!tpu.dma_semaphore, #tpu.memory_space<semaphore_mem>>) src(%arg9 : memref<128x128xf32, #tpu.memory_space<vmem>>) dst(%dma_wait3A_86 : memref<128x128xf32, #tpu.memory_space<hbm>>)
      tpu.yield
    }) : () -> ()
    %mul3A_67 = arith.constant 640 : i32
    %mul3A_68 = arith.muli %arg1, %mul3A_67 : i32
    %add3A_69 = arith.constant 384 : i32
    %add3A_70 = arith.addi %mul3A_68, %add3A_69 : i32
    "tpu.region"() ({
      %run_scoped3A = tpu.sem_alloc : memref<!tpu.dma_semaphore, #tpu.memory_space<semaphore_mem>>
      %dma_start3A = arith.constant 0 : i32
      %dma_start3A_81 = tpu.memref_slice %arg10[%add3A_70, %dma_start3A] : memref<10240x128xf32, #tpu.memory_space<vmem_shared>> -> memref<128x128xf32, #tpu.memory_space<vmem_shared>>
      %dma_start3A_82 = arith.constant 0 : i32
      %dma_start3A_83 = tpu.memref_slice %arg10[%add3A_70, %dma_start3A_82] : memref<10240x128xf32, #tpu.memory_space<vmem_shared>> -> memref<128x128xf32, #tpu.memory_space<vmem_shared>>
      tpu.enqueue_dma source(%dma_start3A_83 : memref<128x128xf32, #tpu.memory_space<vmem_shared>>) target(%arg9 : memref<128x128xf32, #tpu.memory_space<vmem>>) target_semaphore(%run_scoped3A : memref<!tpu.dma_semaphore, #tpu.memory_space<semaphore_mem>>)
      %dma_wait3A = arith.constant 0 : i32
      %dma_wait3A_84 = tpu.memref_slice %arg10[%add3A_70, %dma_wait3A] : memref<10240x128xf32, #tpu.memory_space<vmem_shared>> -> memref<128x128xf32, #tpu.memory_space<vmem_shared>>
      %dma_wait3A_85 = arith.constant 0 : i32
      %dma_wait3A_86 = tpu.memref_slice %arg10[%add3A_70, %dma_wait3A_85] : memref<10240x128xf32, #tpu.memory_space<vmem_shared>> -> memref<128x128xf32, #tpu.memory_space<vmem_shared>>
      tpu.wait_dma2 semaphore(%run_scoped3A : memref<!tpu.dma_semaphore, #tpu.memory_space<semaphore_mem>>) src(%dma_wait3A_86 : memref<128x128xf32, #tpu.memory_space<vmem_shared>>) dst(%arg9 : memref<128x128xf32, #tpu.memory_space<vmem>>)
      tpu.yield
    }) : () -> ()
    %mul3A_71 = arith.constant 10240 : i32
    %mul3A_72 = arith.muli %arg0, %mul3A_71 : i32
    %add3A_73 = arith.addi %mul3A_72, %add3A_70 : i32
    "tpu.region"() ({
      %run_scoped3A = tpu.sem_alloc : memref<!tpu.dma_semaphore, #tpu.memory_space<semaphore_mem>>
      %dma_start3A = arith.constant 0 : i32
      %dma_start3A_81 = tpu.memref_slice %arg6[%add3A_73, %dma_start3A] : memref<20480x128xf32, #tpu.memory_space<hbm>> -> memref<128x128xf32, #tpu.memory_space<hbm>>
      %dma_start3A_82 = arith.constant 0 : i32
      %dma_start3A_83 = tpu.memref_slice %arg6[%add3A_73, %dma_start3A_82] : memref<20480x128xf32, #tpu.memory_space<hbm>> -> memref<128x128xf32, #tpu.memory_space<hbm>>
      tpu.enqueue_dma source(%arg9 : memref<128x128xf32, #tpu.memory_space<vmem>>) target(%dma_start3A_83 : memref<128x128xf32, #tpu.memory_space<hbm>>) target_semaphore(%run_scoped3A : memref<!tpu.dma_semaphore, #tpu.memory_space<semaphore_mem>>)
      %dma_wait3A = arith.constant 0 : i32
      %dma_wait3A_84 = tpu.memref_slice %arg6[%add3A_73, %dma_wait3A] : memref<20480x128xf32, #tpu.memory_space<hbm>> -> memref<128x128xf32, #tpu.memory_space<hbm>>
      %dma_wait3A_85 = arith.constant 0 : i32
      %dma_wait3A_86 = tpu.memref_slice %arg6[%add3A_73, %dma_wait3A_85] : memref<20480x128xf32, #tpu.memory_space<hbm>> -> memref<128x128xf32, #tpu.memory_space<hbm>>
      tpu.wait_dma2 semaphore(%run_scoped3A : memref<!tpu.dma_semaphore, #tpu.memory_space<semaphore_mem>>) src(%arg9 : memref<128x128xf32, #tpu.memory_space<vmem>>) dst(%dma_wait3A_86 : memref<128x128xf32, #tpu.memory_space<hbm>>)
      tpu.yield
    }) : () -> ()
    %mul3A_74 = arith.constant 640 : i32
    %mul3A_75 = arith.muli %arg1, %mul3A_74 : i32
    %add3A_76 = arith.constant 512 : i32
    %add3A_77 = arith.addi %mul3A_75, %add3A_76 : i32
    "tpu.region"() ({
      %run_scoped3A = tpu.sem_alloc : memref<!tpu.dma_semaphore, #tpu.memory_space<semaphore_mem>>
      %dma_start3A = arith.constant 0 : i32
      %dma_start3A_81 = tpu.memref_slice %arg10[%add3A_77, %dma_start3A] : memref<10240x128xf32, #tpu.memory_space<vmem_shared>> -> memref<128x128xf32, #tpu.memory_space<vmem_shared>>
      %dma_start3A_82 = arith.constant 0 : i32
      %dma_start3A_83 = tpu.memref_slice %arg10[%add3A_77, %dma_start3A_82] : memref<10240x128xf32, #tpu.memory_space<vmem_shared>> -> memref<128x128xf32, #tpu.memory_space<vmem_shared>>
      tpu.enqueue_dma source(%dma_start3A_83 : memref<128x128xf32, #tpu.memory_space<vmem_shared>>) target(%arg9 : memref<128x128xf32, #tpu.memory_space<vmem>>) target_semaphore(%run_scoped3A : memref<!tpu.dma_semaphore, #tpu.memory_space<semaphore_mem>>)
      %dma_wait3A = arith.constant 0 : i32
      %dma_wait3A_84 = tpu.memref_slice %arg10[%add3A_77, %dma_wait3A] : memref<10240x128xf32, #tpu.memory_space<vmem_shared>> -> memref<128x128xf32, #tpu.memory_space<vmem_shared>>
      %dma_wait3A_85 = arith.constant 0 : i32
      %dma_wait3A_86 = tpu.memref_slice %arg10[%add3A_77, %dma_wait3A_85] : memref<10240x128xf32, #tpu.memory_space<vmem_shared>> -> memref<128x128xf32, #tpu.memory_space<vmem_shared>>
      tpu.wait_dma2 semaphore(%run_scoped3A : memref<!tpu.dma_semaphore, #tpu.memory_space<semaphore_mem>>) src(%dma_wait3A_86 : memref<128x128xf32, #tpu.memory_space<vmem_shared>>) dst(%arg9 : memref<128x128xf32, #tpu.memory_space<vmem>>)
      tpu.yield
    }) : () -> ()
    %mul3A_78 = arith.constant 10240 : i32
    %mul3A_79 = arith.muli %arg0, %mul3A_78 : i32
    %add3A_80 = arith.addi %mul3A_79, %add3A_77 : i32
    "tpu.region"() ({
      %run_scoped3A = tpu.sem_alloc : memref<!tpu.dma_semaphore, #tpu.memory_space<semaphore_mem>>
      %dma_start3A = arith.constant 0 : i32
      %dma_start3A_81 = tpu.memref_slice %arg6[%add3A_80, %dma_start3A] : memref<20480x128xf32, #tpu.memory_space<hbm>> -> memref<128x128xf32, #tpu.memory_space<hbm>>
      %dma_start3A_82 = arith.constant 0 : i32
      %dma_start3A_83 = tpu.memref_slice %arg6[%add3A_80, %dma_start3A_82] : memref<20480x128xf32, #tpu.memory_space<hbm>> -> memref<128x128xf32, #tpu.memory_space<hbm>>
      tpu.enqueue_dma source(%arg9 : memref<128x128xf32, #tpu.memory_space<vmem>>) target(%dma_start3A_83 : memref<128x128xf32, #tpu.memory_space<hbm>>) target_semaphore(%run_scoped3A : memref<!tpu.dma_semaphore, #tpu.memory_space<semaphore_mem>>)
      %dma_wait3A = arith.constant 0 : i32
      %dma_wait3A_84 = tpu.memref_slice %arg6[%add3A_80, %dma_wait3A] : memref<20480x128xf32, #tpu.memory_space<hbm>> -> memref<128x128xf32, #tpu.memory_space<hbm>>
      %dma_wait3A_85 = arith.constant 0 : i32
      %dma_wait3A_86 = tpu.memref_slice %arg6[%add3A_80, %dma_wait3A_85] : memref<20480x128xf32, #tpu.memory_space<hbm>> -> memref<128x128xf32, #tpu.memory_space<hbm>>
      tpu.wait_dma2 semaphore(%run_scoped3A : memref<!tpu.dma_semaphore, #tpu.memory_space<semaphore_mem>>) src(%arg9 : memref<128x128xf32, #tpu.memory_space<vmem>>) dst(%dma_wait3A_86 : memref<128x128xf32, #tpu.memory_space<hbm>>)
      tpu.yield
    }) : () -> ()
    return
  }
}

module attributes {stable_mosaic.version = 14 : i64} {
  func.func @_lin_body(%arg0: i32, %arg1: memref<2000x128xf32, #tpu.memory_space<vmem>>, %arg2: memref<128x128xf32, #tpu.memory_space<vmem>>, %arg3: memref<1x128xf32, #tpu.memory_space<vmem>>, %arg4: memref<2000x128xf32, #tpu.memory_space<vmem>>) attributes {dimension_semantics = [#tpu.dimension_semantics<arbitrary>], iteration_bounds = array<i64: 5>, scalar_prefetch = 0 : i64, scratch_operands = 0 : i64, tpu.core_type = #tpu.core_type<tc>, window_params = [{transform_indices = @transform_0, window_bounds = array<i64: 2000, 128>}, {pipeline_mode = #tpu.pipeline_mode<synchronous>, transform_indices = @transform_1, window_bounds = array<i64: 128, 128>}, {pipeline_mode = #tpu.pipeline_mode<synchronous>, transform_indices = @transform_2, window_bounds = array<i64: 1, 128>}, {transform_indices = @transform_3, window_bounds = array<i64: 2000, 128>}]} {
    %get3A = arith.constant 0 : index
    %get3A_0 = arith.constant 0 : index
    %get3A_1 = vector.load %arg1[%get3A, %get3A_0] : memref<2000x128xf32, #tpu.memory_space<vmem>>, vector<2000x128xf32>
    %get3A_2 = arith.constant 0 : index
    %get3A_3 = arith.constant 0 : index
    %get3A_4 = vector.load %arg2[%get3A_2, %get3A_3] : memref<128x128xf32, #tpu.memory_space<vmem>>, vector<128x128xf32>
    %dot_general3A = arith.constant dense<0.000000e+00> : vector<2000x128xf32>
    %dot_general3A_5 = tpu.matmul %get3A_1, %get3A_4, %dot_general3A {dimension_numbers = #tpu.dot_dimension_numbers<[1], [0], [0], [1], [0, 0, 1, 1], [], []>, transpose_lhs_hint = false} : vector<2000x128xf32>, vector<128x128xf32>, vector<2000x128xf32> -> vector<2000x128xf32>
    %get3A_6 = arith.constant 0 : index
    %get3A_7 = arith.constant 0 : index
    %get3A_8 = vector.load %arg3[%get3A_6, %get3A_7] : memref<1x128xf32, #tpu.memory_space<vmem>>, vector<1x128xf32>
    %add3A = vector.broadcast %get3A_8 : vector<1x128xf32> to vector<2000x128xf32>
    %add3A_9 = arith.addf %dot_general3A_5, %add3A : vector<2000x128xf32>
    %swap3A = arith.constant 0 : index
    %swap3A_10 = arith.constant 0 : index
    %swap3A_11 = vector.load %arg4[%swap3A, %swap3A_10] : memref<2000x128xf32, #tpu.memory_space<vmem>>, vector<2000x128xf32>
    tpu.vector_store %arg4[%swap3A, %swap3A_10], %add3A_9 {strides = array<i32>} : memref<2000x128xf32, #tpu.memory_space<vmem>>, vector<2000x128xf32>,
    return
  }
  func.func @transform_0(%arg0: i32) -> (i32, i32) {
    %c0_i32 = arith.constant 0 : i32
    %c0_i32_0 = arith.constant 0 : i32
    return %arg0, %c0_i32 : i32, i32
  }
  func.func @transform_1(%arg0: i32) -> (i32, i32) {
    %c0_i32 = arith.constant 0 : i32
    %c0_i32_0 = arith.constant 0 : i32
    %c0_i32_1 = arith.constant 0 : i32
    return %c0_i32, %c0_i32_0 : i32, i32
  }
  func.func @transform_2(%arg0: i32) -> (i32, i32) {
    %c0_i32 = arith.constant 0 : i32
    %c0_i32_0 = arith.constant 0 : i32
    %c0_i32_1 = arith.constant 0 : i32
    return %c0_i32, %c0_i32_0 : i32, i32
  }
  func.func @transform_3(%arg0: i32) -> (i32, i32) {
    %c0_i32 = arith.constant 0 : i32
    %c0_i32_0 = arith.constant 0 : i32
    return %arg0, %c0_i32 : i32, i32
  }
}

module attributes {stable_mosaic.version = 14 : i64} {
  func.func @_mid_body(%arg0: i32, %arg1: memref<1x2000x128xf32, #tpu.memory_space<vmem>>, %arg2: memref<1x2000x128xf32, #tpu.memory_space<vmem>>, %arg3: memref<2000x128xf32, #tpu.memory_space<vmem>>, %arg4: memref<2000x128xf32, #tpu.memory_space<vmem>>, %arg5: memref<1x128xf32, #tpu.memory_space<vmem>>, %arg6: memref<1x128xf32, #tpu.memory_space<vmem>>, %arg7: memref<128x128xf32, #tpu.memory_space<vmem>>, %arg8: memref<1x128xf32, #tpu.memory_space<vmem>>, %arg9: memref<2000x128xf32, #tpu.memory_space<vmem>>, %arg10: memref<2000x128xf32, #tpu.memory_space<vmem>>) attributes {dimension_semantics = [#tpu.dimension_semantics<arbitrary>], iteration_bounds = array<i64: 5>, scalar_prefetch = 0 : i64, scratch_operands = 0 : i64, tpu.core_type = #tpu.core_type<tc>, window_params = [{transform_indices = @transform_0, window_bounds = array<i64: 1, 2000, 128>}, {transform_indices = @transform_1, window_bounds = array<i64: 1, 2000, 128>}, {transform_indices = @transform_2, window_bounds = array<i64: 2000, 128>}, {transform_indices = @transform_3, window_bounds = array<i64: 2000, 128>}, {pipeline_mode = #tpu.pipeline_mode<synchronous>, transform_indices = @transform_4, window_bounds = array<i64: 1, 128>}, {pipeline_mode = #tpu.pipeline_mode<synchronous>, transform_indices = @transform_5, window_bounds = array<i64: 1, 128>}, {pipeline_mode = #tpu.pipeline_mode<synchronous>, transform_indices = @transform_6, window_bounds = array<i64: 128, 128>}, {pipeline_mode = #tpu.pipeline_mode<synchronous>, transform_indices = @transform_7, window_bounds = array<i64: 1, 128>}, {transform_indices = @transform_8, window_bounds = array<i64: 2000, 128>}, {transform_indices = @transform_9, window_bounds = array<i64: 2000, 128>}]} {
    %get3A = arith.constant 0 : index
    %get3A_0 = arith.constant 0 : index
    %get3A_1 = vector.load %arg3[%get3A, %get3A_0] : memref<2000x128xf32, #tpu.memory_space<vmem>>, vector<2000x128xf32>
    %get3A_2 = arith.constant 0 : index
    %get3A_3 = arith.constant 0 : index
    %get3A_4 = vector.load %arg4[%get3A_2, %get3A_3] : memref<2000x128xf32, #tpu.memory_space<vmem>>, vector<2000x128xf32>
    %add3A = arith.addf %get3A_1, %get3A_4 : vector<2000x128xf32>
    %max3A = arith.constant 1.000000e+00 : f32
    %max3A_5 = vector.broadcast %max3A : f32 to vector<2000x128xf32>
    %max3A_6 = arith.maximumf %add3A, %max3A_5 : vector<2000x128xf32>
    %get3A_7 = arith.constant 0 : index
    %get3A_8 = arith.constant 0 : index
    %get3A_9 = arith.constant 0 : index
    %get3A_10 = vector.load %arg1[%get3A_7, %get3A_8, %get3A_9] : memref<1x2000x128xf32, #tpu.memory_space<vmem>>, vector<1x2000x128xf32>
    %get3A_11 = vector.shape_cast %get3A_10 : vector<1x2000x128xf32> to vector<2000x128xf32>
    %get3A_12 = arith.constant 0 : index
    %get3A_13 = arith.constant 0 : index
    %get3A_14 = arith.constant 0 : index
    %get3A_15 = vector.load %arg2[%get3A_12, %get3A_13, %get3A_14] : memref<1x2000x128xf32, #tpu.memory_space<vmem>>, vector<1x2000x128xf32>
    %get3A_16 = vector.shape_cast %get3A_15 : vector<1x2000x128xf32> to vector<2000x128xf32>
    %add3A_17 = arith.addf %get3A_11, %get3A_16 : vector<2000x128xf32>
    %div3A = arith.divf %add3A_17, %max3A_6 : vector<2000x128xf32>
    %get3A_18 = arith.constant 0 : index
    %get3A_19 = arith.constant 0 : index
    %get3A_20 = vector.load %arg5[%get3A_18, %get3A_19] : memref<1x128xf32, #tpu.memory_space<vmem>>, vector<1x128xf32>
    %get3A_21 = arith.constant 0 : index
    %get3A_22 = arith.constant 0 : index
    %get3A_23 = vector.load %arg6[%get3A_21, %get3A_22] : memref<1x128xf32, #tpu.memory_space<vmem>>, vector<1x128xf32>
    %reduce_sum3A = arith.constant dense<0.000000e+00> : vector<2000xf32>
    %reduce_sum3A_24 = vector.multi_reduction <add>, %div3A, %reduce_sum3A [1] : vector<2000x128xf32> to vector<2000xf32>
    %broadcast_in_dim3A = vector.shape_cast %reduce_sum3A_24 : vector<2000xf32> to vector<2000x1xf32>
    %div3A_25 = arith.constant 1.280000e+02 : f32
    %div3A_26 = vector.broadcast %div3A_25 : f32 to vector<2000x1xf32>
    %div3A_27 = arith.divf %broadcast_in_dim3A, %div3A_26 : vector<2000x1xf32>
    %sub3A = vector.broadcast %div3A_27 : vector<2000x1xf32> to vector<2000x128xf32>
    %sub3A_28 = arith.subf %div3A, %sub3A : vector<2000x128xf32>
    %sub3A_29 = vector.broadcast %div3A_27 : vector<2000x1xf32> to vector<2000x128xf32>
    %sub3A_30 = arith.subf %div3A, %sub3A_29 : vector<2000x128xf32>
    %mul3A = arith.mulf %sub3A_28, %sub3A_30 : vector<2000x128xf32>
    %reduce_sum3A_31 = arith.constant dense<0.000000e+00> : vector<2000xf32>
    %reduce_sum3A_32 = vector.multi_reduction <add>, %mul3A, %reduce_sum3A_31 [1] : vector<2000x128xf32> to vector<2000xf32>
    %broadcast_in_dim3A_33 = vector.shape_cast %reduce_sum3A_32 : vector<2000xf32> to vector<2000x1xf32>
    %div3A_34 = arith.constant 1.280000e+02 : f32
    %div3A_35 = vector.broadcast %div3A_34 : f32 to vector<2000x1xf32>
    %div3A_36 = arith.divf %broadcast_in_dim3A_33, %div3A_35 : vector<2000x1xf32>
    %sub3A_37 = vector.broadcast %div3A_27 : vector<2000x1xf32> to vector<2000x128xf32>
    %sub3A_38 = arith.subf %div3A, %sub3A_37 : vector<2000x128xf32>
    %add3A_39 = arith.constant 9.99999974E-6 : f32
    %add3A_40 = vector.broadcast %add3A_39 : f32 to vector<2000x1xf32>
    %add3A_41 = arith.addf %div3A_36, %add3A_40 : vector<2000x1xf32>
    %sqrt3A = math.sqrt %add3A_41 : vector<2000x1xf32>
    %div3A_42 = vector.broadcast %sqrt3A : vector<2000x1xf32> to vector<2000x128xf32>
    %div3A_43 = arith.divf %sub3A_38, %div3A_42 : vector<2000x128xf32>
    %mul3A_44 = vector.broadcast %get3A_20 : vector<1x128xf32> to vector<2000x128xf32>
    %mul3A_45 = arith.mulf %div3A_43, %mul3A_44 : vector<2000x128xf32>
    %add3A_46 = vector.broadcast %get3A_23 : vector<1x128xf32> to vector<2000x128xf32>
    %add3A_47 = arith.addf %mul3A_45, %add3A_46 : vector<2000x128xf32>
    %max3A_48 = arith.constant 0.000000e+00 : f32
    %max3A_49 = vector.broadcast %max3A_48 : f32 to vector<2000x128xf32>
    %max3A_50 = arith.maximumf %add3A_47, %max3A_49 : vector<2000x128xf32>
    %swap3A = arith.constant 0 : index
    %swap3A_51 = arith.constant 0 : index
    %swap3A_52 = vector.load %arg9[%swap3A, %swap3A_51] : memref<2000x128xf32, #tpu.memory_space<vmem>>, vector<2000x128xf32>
    tpu.vector_store %arg9[%swap3A, %swap3A_51], %max3A_50 {strides = array<i32>} : memref<2000x128xf32, #tpu.memory_space<vmem>>, vector<2000x128xf32>,
    %get3A_53 = arith.constant 0 : index
    %get3A_54 = arith.constant 0 : index
    %get3A_55 = vector.load %arg7[%get3A_53, %get3A_54] : memref<128x128xf32, #tpu.memory_space<vmem>>, vector<128x128xf32>
    %dot_general3A = arith.constant dense<0.000000e+00> : vector<2000x128xf32>
    %dot_general3A_56 = tpu.matmul %max3A_50, %get3A_55, %dot_general3A {dimension_numbers = #tpu.dot_dimension_numbers<[1], [0], [0], [1], [0, 0, 1, 1], [], []>, transpose_lhs_hint = false} : vector<2000x128xf32>, vector<128x128xf32>, vector<2000x128xf32> -> vector<2000x128xf32>
    %get3A_57 = arith.constant 0 : index
    %get3A_58 = arith.constant 0 : index
    %get3A_59 = vector.load %arg8[%get3A_57, %get3A_58] : memref<1x128xf32, #tpu.memory_space<vmem>>, vector<1x128xf32>
    %add3A_60 = vector.broadcast %get3A_59 : vector<1x128xf32> to vector<2000x128xf32>
    %add3A_61 = arith.addf %dot_general3A_56, %add3A_60 : vector<2000x128xf32>
    %swap3A_62 = arith.constant 0 : index
    %swap3A_63 = arith.constant 0 : index
    %swap3A_64 = vector.load %arg10[%swap3A_62, %swap3A_63] : memref<2000x128xf32, #tpu.memory_space<vmem>>, vector<2000x128xf32>
    tpu.vector_store %arg10[%swap3A_62, %swap3A_63], %add3A_61 {strides = array<i32>} : memref<2000x128xf32, #tpu.memory_space<vmem>>, vector<2000x128xf32>,
    return
  }
  func.func @transform_0(%arg0: i32) -> (i32, i32, i32) {
    %c0_i32 = arith.constant 0 : i32
    %c0_i32_0 = arith.constant 0 : i32
    %c0_i32_1 = arith.constant 0 : i32
    return %c0_i32, %arg0, %c0_i32_0 : i32, i32, i32
  }
  func.func @transform_1(%arg0: i32) -> (i32, i32, i32) {
    %c1_i32 = arith.constant 1 : i32
    %c0_i32 = arith.constant 0 : i32
    %c0_i32_0 = arith.constant 0 : i32
    return %c1_i32, %arg0, %c0_i32 : i32, i32, i32
  }
  func.func @transform_2(%arg0: i32) -> (i32, i32) {
    %c0_i32 = arith.constant 0 : i32
    %c0_i32_0 = arith.constant 0 : i32
    return %arg0, %c0_i32 : i32, i32
  }
  func.func @transform_3(%arg0: i32) -> (i32, i32) {
    %c0_i32 = arith.constant 0 : i32
    %c0_i32_0 = arith.constant 0 : i32
    return %arg0, %c0_i32 : i32, i32
  }
  func.func @transform_4(%arg0: i32) -> (i32, i32) {
    %c0_i32 = arith.constant 0 : i32
    %c0_i32_0 = arith.constant 0 : i32
    %c0_i32_1 = arith.constant 0 : i32
    return %c0_i32, %c0_i32_0 : i32, i32
  }
  func.func @transform_5(%arg0: i32) -> (i32, i32) {
    %c0_i32 = arith.constant 0 : i32
    %c0_i32_0 = arith.constant 0 : i32
    %c0_i32_1 = arith.constant 0 : i32
    return %c0_i32, %c0_i32_0 : i32, i32
  }
  func.func @transform_6(%arg0: i32) -> (i32, i32) {
    %c0_i32 = arith.constant 0 : i32
    %c0_i32_0 = arith.constant 0 : i32
    %c0_i32_1 = arith.constant 0 : i32
    return %c0_i32, %c0_i32_0 : i32, i32
  }
  func.func @transform_7(%arg0: i32) -> (i32, i32) {
    %c0_i32 = arith.constant 0 : i32
    %c0_i32_0 = arith.constant 0 : i32
    %c0_i32_1 = arith.constant 0 : i32
    return %c0_i32, %c0_i32_0 : i32, i32
  }
  func.func @transform_8(%arg0: i32) -> (i32, i32) {
    %c0_i32 = arith.constant 0 : i32
    %c0_i32_0 = arith.constant 0 : i32
    return %arg0, %c0_i32 : i32, i32
  }
  func.func @transform_9(%arg0: i32) -> (i32, i32) {
    %c0_i32 = arith.constant 0 : i32
    %c0_i32_0 = arith.constant 0 : i32
    return %arg0, %c0_i32 : i32, i32
  }
}

module attributes {stable_mosaic.version = 14 : i64} {
  func.func @_fin_body(%arg0: i32, %arg1: memref<2000x128xf32, #tpu.memory_space<vmem>>, %arg2: memref<1x2000x128xf32, #tpu.memory_space<vmem>>, %arg3: memref<1x2000x128xf32, #tpu.memory_space<vmem>>, %arg4: memref<2000x128xf32, #tpu.memory_space<vmem>>, %arg5: memref<2000x128xf32, #tpu.memory_space<vmem>>, %arg6: memref<1x128xf32, #tpu.memory_space<vmem>>, %arg7: memref<1x128xf32, #tpu.memory_space<vmem>>, %arg8: memref<128x128xf32, #tpu.memory_space<vmem>>, %arg9: memref<1x128xf32, #tpu.memory_space<vmem>>, %arg10: memref<2000x128xf32, #tpu.memory_space<vmem>>, %arg11: memref<2000x128xf32, #tpu.memory_space<vmem>>) attributes {dimension_semantics = [#tpu.dimension_semantics<arbitrary>], iteration_bounds = array<i64: 5>, scalar_prefetch = 0 : i64, scratch_operands = 0 : i64, tpu.core_type = #tpu.core_type<tc>, window_params = [{transform_indices = @transform_0, window_bounds = array<i64: 2000, 128>}, {transform_indices = @transform_1, window_bounds = array<i64: 1, 2000, 128>}, {transform_indices = @transform_2, window_bounds = array<i64: 1, 2000, 128>}, {transform_indices = @transform_3, window_bounds = array<i64: 2000, 128>}, {transform_indices = @transform_4, window_bounds = array<i64: 2000, 128>}, {pipeline_mode = #tpu.pipeline_mode<synchronous>, transform_indices = @transform_5, window_bounds = array<i64: 1, 128>}, {pipeline_mode = #tpu.pipeline_mode<synchronous>, transform_indices = @transform_6, window_bounds = array<i64: 1, 128>}, {pipeline_mode = #tpu.pipeline_mode<synchronous>, transform_indices = @transform_7, window_bounds = array<i64: 128, 128>}, {pipeline_mode = #tpu.pipeline_mode<synchronous>, transform_indices = @transform_8, window_bounds = array<i64: 1, 128>}, {transform_indices = @transform_9, window_bounds = array<i64: 2000, 128>}, {transform_indices = @transform_10, window_bounds = array<i64: 2000, 128>}]} {
    %get3A = arith.constant 0 : index
    %get3A_0 = arith.constant 0 : index
    %get3A_1 = vector.load %arg4[%get3A, %get3A_0] : memref<2000x128xf32, #tpu.memory_space<vmem>>, vector<2000x128xf32>
    %get3A_2 = arith.constant 0 : index
    %get3A_3 = arith.constant 0 : index
    %get3A_4 = vector.load %arg5[%get3A_2, %get3A_3] : memref<2000x128xf32, #tpu.memory_space<vmem>>, vector<2000x128xf32>
    %add3A = arith.addf %get3A_1, %get3A_4 : vector<2000x128xf32>
    %max3A = arith.constant 1.000000e+00 : f32
    %max3A_5 = vector.broadcast %max3A : f32 to vector<2000x128xf32>
    %max3A_6 = arith.maximumf %add3A, %max3A_5 : vector<2000x128xf32>
    %get3A_7 = arith.constant 0 : index
    %get3A_8 = arith.constant 0 : index
    %get3A_9 = arith.constant 0 : index
    %get3A_10 = vector.load %arg2[%get3A_7, %get3A_8, %get3A_9] : memref<1x2000x128xf32, #tpu.memory_space<vmem>>, vector<1x2000x128xf32>
    %get3A_11 = vector.shape_cast %get3A_10 : vector<1x2000x128xf32> to vector<2000x128xf32>
    %get3A_12 = arith.constant 0 : index
    %get3A_13 = arith.constant 0 : index
    %get3A_14 = arith.constant 0 : index
    %get3A_15 = vector.load %arg3[%get3A_12, %get3A_13, %get3A_14] : memref<1x2000x128xf32, #tpu.memory_space<vmem>>, vector<1x2000x128xf32>
    %get3A_16 = vector.shape_cast %get3A_15 : vector<1x2000x128xf32> to vector<2000x128xf32>
    %add3A_17 = arith.addf %get3A_11, %get3A_16 : vector<2000x128xf32>
    %div3A = arith.divf %add3A_17, %max3A_6 : vector<2000x128xf32>
    %get3A_18 = arith.constant 0 : index
    %get3A_19 = arith.constant 0 : index
    %get3A_20 = vector.load %arg1[%get3A_18, %get3A_19] : memref<2000x128xf32, #tpu.memory_space<vmem>>, vector<2000x128xf32>
    %add3A_21 = arith.addf %get3A_20, %div3A : vector<2000x128xf32>
    %get3A_22 = arith.constant 0 : index
    %get3A_23 = arith.constant 0 : index
    %get3A_24 = vector.load %arg6[%get3A_22, %get3A_23] : memref<1x128xf32, #tpu.memory_space<vmem>>, vector<1x128xf32>
    %get3A_25 = arith.constant 0 : index
    %get3A_26 = arith.constant 0 : index
    %get3A_27 = vector.load %arg7[%get3A_25, %get3A_26] : memref<1x128xf32, #tpu.memory_space<vmem>>, vector<1x128xf32>
    %reduce_sum3A = arith.constant dense<0.000000e+00> : vector<2000xf32>
    %reduce_sum3A_28 = vector.multi_reduction <add>, %add3A_21, %reduce_sum3A [1] : vector<2000x128xf32> to vector<2000xf32>
    %broadcast_in_dim3A = vector.shape_cast %reduce_sum3A_28 : vector<2000xf32> to vector<2000x1xf32>
    %div3A_29 = arith.constant 1.280000e+02 : f32
    %div3A_30 = vector.broadcast %div3A_29 : f32 to vector<2000x1xf32>
    %div3A_31 = arith.divf %broadcast_in_dim3A, %div3A_30 : vector<2000x1xf32>
    %sub3A = vector.broadcast %div3A_31 : vector<2000x1xf32> to vector<2000x128xf32>
    %sub3A_32 = arith.subf %add3A_21, %sub3A : vector<2000x128xf32>
    %sub3A_33 = vector.broadcast %div3A_31 : vector<2000x1xf32> to vector<2000x128xf32>
    %sub3A_34 = arith.subf %add3A_21, %sub3A_33 : vector<2000x128xf32>
    %mul3A = arith.mulf %sub3A_32, %sub3A_34 : vector<2000x128xf32>
    %reduce_sum3A_35 = arith.constant dense<0.000000e+00> : vector<2000xf32>
    %reduce_sum3A_36 = vector.multi_reduction <add>, %mul3A, %reduce_sum3A_35 [1] : vector<2000x128xf32> to vector<2000xf32>
    %broadcast_in_dim3A_37 = vector.shape_cast %reduce_sum3A_36 : vector<2000xf32> to vector<2000x1xf32>
    %div3A_38 = arith.constant 1.280000e+02 : f32
    %div3A_39 = vector.broadcast %div3A_38 : f32 to vector<2000x1xf32>
    %div3A_40 = arith.divf %broadcast_in_dim3A_37, %div3A_39 : vector<2000x1xf32>
    %sub3A_41 = vector.broadcast %div3A_31 : vector<2000x1xf32> to vector<2000x128xf32>
    %sub3A_42 = arith.subf %add3A_21, %sub3A_41 : vector<2000x128xf32>
    %add3A_43 = arith.constant 9.99999974E-6 : f32
    %add3A_44 = vector.broadcast %add3A_43 : f32 to vector<2000x1xf32>
    %add3A_45 = arith.addf %div3A_40, %add3A_44 : vector<2000x1xf32>
    %sqrt3A = math.sqrt %add3A_45 : vector<2000x1xf32>
    %div3A_46 = vector.broadcast %sqrt3A : vector<2000x1xf32> to vector<2000x128xf32>
    %div3A_47 = arith.divf %sub3A_42, %div3A_46 : vector<2000x128xf32>
    %mul3A_48 = vector.broadcast %get3A_24 : vector<1x128xf32> to vector<2000x128xf32>
    %mul3A_49 = arith.mulf %div3A_47, %mul3A_48 : vector<2000x128xf32>
    %add3A_50 = vector.broadcast %get3A_27 : vector<1x128xf32> to vector<2000x128xf32>
    %add3A_51 = arith.addf %mul3A_49, %add3A_50 : vector<2000x128xf32>
    %max3A_52 = arith.constant 0.000000e+00 : f32
    %max3A_53 = vector.broadcast %max3A_52 : f32 to vector<2000x128xf32>
    %max3A_54 = arith.maximumf %add3A_51, %max3A_53 : vector<2000x128xf32>
    %get3A_55 = arith.constant 0 : index
    %get3A_56 = arith.constant 0 : index
    %get3A_57 = vector.load %arg8[%get3A_55, %get3A_56] : memref<128x128xf32, #tpu.memory_space<vmem>>, vector<128x128xf32>
    %dot_general3A = arith.constant dense<0.000000e+00> : vector<2000x128xf32>
    %dot_general3A_58 = tpu.matmul %max3A_54, %get3A_57, %dot_general3A {dimension_numbers = #tpu.dot_dimension_numbers<[1], [0], [0], [1], [0, 0, 1, 1], [], []>, transpose_lhs_hint = false} : vector<2000x128xf32>, vector<128x128xf32>, vector<2000x128xf32> -> vector<2000x128xf32>
    %get3A_59 = arith.constant 0 : index
    %get3A_60 = arith.constant 0 : index
    %get3A_61 = vector.load %arg9[%get3A_59, %get3A_60] : memref<1x128xf32, #tpu.memory_space<vmem>>, vector<1x128xf32>
    %add3A_62 = vector.broadcast %get3A_61 : vector<1x128xf32> to vector<2000x128xf32>
    %add3A_63 = arith.addf %dot_general3A_58, %add3A_62 : vector<2000x128xf32>
    %get3A_64 = arith.constant 0 : index
    %get3A_65 = arith.constant 0 : index
    %get3A_66 = vector.load %arg10[%get3A_64, %get3A_65] : memref<2000x128xf32, #tpu.memory_space<vmem>>, vector<2000x128xf32>
    %add3A_67 = arith.addf %add3A_63, %get3A_66 : vector<2000x128xf32>
    %swap3A = arith.constant 0 : index
    %swap3A_68 = arith.constant 0 : index
    %swap3A_69 = vector.load %arg11[%swap3A, %swap3A_68] : memref<2000x128xf32, #tpu.memory_space<vmem>>, vector<2000x128xf32>
    tpu.vector_store %arg11[%swap3A, %swap3A_68], %add3A_67 {strides = array<i32>} : memref<2000x128xf32, #tpu.memory_space<vmem>>, vector<2000x128xf32>,
    return
  }
  func.func @transform_0(%arg0: i32) -> (i32, i32) {
    %c0_i32 = arith.constant 0 : i32
    %c0_i32_0 = arith.constant 0 : i32
    return %arg0, %c0_i32 : i32, i32
  }
  func.func @transform_1(%arg0: i32) -> (i32, i32, i32) {
    %c0_i32 = arith.constant 0 : i32
    %c0_i32_0 = arith.constant 0 : i32
    %c0_i32_1 = arith.constant 0 : i32
    return %c0_i32, %arg0, %c0_i32_0 : i32, i32, i32
  }
  func.func @transform_2(%arg0: i32) -> (i32, i32, i32) {
    %c1_i32 = arith.constant 1 : i32
    %c0_i32 = arith.constant 0 : i32
    %c0_i32_0 = arith.constant 0 : i32
    return %c1_i32, %arg0, %c0_i32 : i32, i32, i32
  }
  func.func @transform_3(%arg0: i32) -> (i32, i32) {
    %c0_i32 = arith.constant 0 : i32
    %c0_i32_0 = arith.constant 0 : i32
    return %arg0, %c0_i32 : i32, i32
  }
  func.func @transform_4(%arg0: i32) -> (i32, i32) {
    %c0_i32 = arith.constant 0 : i32
    %c0_i32_0 = arith.constant 0 : i32
    return %arg0, %c0_i32 : i32, i32
  }
  func.func @transform_5(%arg0: i32) -> (i32, i32) {
    %c0_i32 = arith.constant 0 : i32
    %c0_i32_0 = arith.constant 0 : i32
    %c0_i32_1 = arith.constant 0 : i32
    return %c0_i32, %c0_i32_0 : i32, i32
  }
  func.func @transform_6(%arg0: i32) -> (i32, i32) {
    %c0_i32 = arith.constant 0 : i32
    %c0_i32_0 = arith.constant 0 : i32
    %c0_i32_1 = arith.constant 0 : i32
    return %c0_i32, %c0_i32_0 : i32, i32
  }
  func.func @transform_7(%arg0: i32) -> (i32, i32) {
    %c0_i32 = arith.constant 0 : i32
    %c0_i32_0 = arith.constant 0 : i32
    %c0_i32_1 = arith.constant 0 : i32
    return %c0_i32, %c0_i32_0 : i32, i32
  }
  func.func @transform_8(%arg0: i32) -> (i32, i32) {
    %c0_i32 = arith.constant 0 : i32
    %c0_i32_0 = arith.constant 0 : i32
    %c0_i32_1 = arith.constant 0 : i32
    return %c0_i32, %c0_i32_0 : i32, i32
  }
  func.func @transform_9(%arg0: i32) -> (i32, i32) {
    %c0_i32 = arith.constant 0 : i32
    %c0_i32_0 = arith.constant 0 : i32
    return %arg0, %c0_i32 : i32, i32
  }
  func.func @transform_10(%arg0: i32) -> (i32, i32) {
    %c0_i32 = arith.constant 0 : i32
    %c0_i32_0 = arith.constant 0 : i32
    return %arg0, %c0_i32 : i32, i32
  }
}

</mosaic_0001>

<sc_bundles>
// kernel: kernel.10.cloned.1.call-start
scs
__scs_entry_jumppad:
0x0: {  	(pc) =	sbr.rel $0x88, $3  }
0x1: {  	(tag) =	ssettag $0x0;
	lr =	simm.s32 $0x1  }
0x2: {  	[smem:$0x3F95] =	sst lr;
	_ =	strace $0xD0000000  }
0x3: {  	_ = 	snop  }
0x4: {  	_ = 	snop  }
0x5: {  	_ = 	snop  }
0x6: {  	_ = 	snop  }
0x7: {  	_ = 	snop  }
__scs_overlays_trampoline_lowered:
0x8: {  	[smem:$0x3FA4] =	sst s0  }
0x9: {  	[smem:$0x3FA5] =	sst s1  }
0xa: {  	[smem:$0x3FA6] =	sst s2  }
0xb: {  	[smem:$0x3FA7] =	sst s3  }
0xc: {  	[smem:$0x3FA8] =	sst s4  }
0xd: {  	[smem:$0x3FA9] =	sst s5  }
0xe: {  	[smem:$0x3FAA] =	sst s6  }
0xf: {  	[smem:$0x3FAB] =	sst s7  }
0x10: {  	[smem:$0x3FAC] =	sst s8  }
0x11: {  	[smem:$0x3FAD] =	sst s9;
	s0 =	simm.s32 @!p0 $0x0  }
0x12: {  	s1 =	sld [smem:$0x3F93];
	s0 =	simm.s32 @p0 $0x1  }
0x13: {  	[smem:$0x3FAE] =	sst s0;
	s0 =	simm.s32 @!p1 $0x0  }
0x14: {  	s2 =	sld [smem:$0x3F92];
	s0 =	simm.s32 @p1 $0x1  }
0x15: {  	[smem:$0x3FAF] =	sst s0;
	s0 =	simm.s32 @!p2 $0x0  }
0x16: {  	s3 =	sld [smem:$0x3FDB];
	s0 =	simm.s32 @p2 $0x1  }
0x17: {  	s4 =	simm.s32 $0x1BF5;
	[smem:$0x3FB1] =	sst s0  }
0x18: {  	s0 =	sld [smem:$0x3F94];
	_ =	swait.ge [sflag:s4], $0x0  }
0x19: {  	s7 =	sld [smem:$0x3F95]  }
0x1a: {  	s8 =	sadd.s32 $0xFFFFE003, lr  }
0x1b: {  	s9 =	sadd.s32 $0xFFFFFEF7, lr;
	s5 =	simm.s32 $0xFFFFFFFF;
	p2 =	slt.u32 s8, $0xFFFFF086  }
0x1c: {  	p1 =	slt.u32 s9, $0xF7A;
	s5 =	simm.s32 @!p2 $0x0  }
0x1d: {  	s5 =	simm.s32 @p1 $0x1;
	p0 =	seq.s32 s7, s2  }
0x1e: {  	s7 =	smul.u32 @!p0 $0xF7A, s2;
	p2 =	seq.s32 @!p0 s5, $0x0  }
0x1f: {  	s9 =	smul.u32 $0xF7A, s1;
	s8 =	simm.s32 @!p0 $0x1BF5;
	p2 =	por !p2, p0  }
0x20: {  	[sflag:s8] =	ssyncset.s32 @!p0 $0xFFFFF086;
	s6 =	sadd.s32 @!p0 s3, s7;
	s7 =	simm.s32 @!p0 $0x108  }
0x21: {  	s3 =	sadd.s32 s3, s9;
	s6 =	sadd.s32 @!p0 $0x88, s6;
	s7 =	simm.s32 @p2 $0x1082  }
0x22: {  	[simem:s7], [sflag:s8] =	dma.local @!p0 [hbm:s6], $0xF7A  }
0x23: {  	s9 =	sor.u32 $0xD0000000, s2;
	s6 =	simm.s32 $0x108;
	_ =	swait.ge @!p0 [sflag:s8], $0x0  }
0x24: {  	s3 =	sadd.s32 $0x88, s3;
	s6 =	simm.s32 @!p1 $0x1082;
	[sflag:s4] =	ssyncset.s32 $0xFFFFF086  }
0x25: {  	[simem:s6], [sflag:s4] =	dma.local [hbm:s3], $0xF7A  }
0x26: {  	[smem:$0x3F95] =	sst s1;
	(tag) =	ssettag s2;
	_ =	strace s9  }
0x27: {  	s1 =	sld [smem:$0x3FA5]  }
0x28: {  	s2 =	sld [smem:$0x3FA6]  }
0x29: {  	s4 =	sld [smem:$0x3FA8]  }
0x2a: {  	p0 =	seq.s32 s5, $0x0;
	s5 =	sld [smem:$0x3FA9]  }
0x2b: {  	s6 =	sld [smem:$0x3FAA]  }
0x2c: {  	s7 =	sld [smem:$0x3FAB]  }
0x2d: {  	s3 =	simm.s32 $0x108;
	s8 =	sld [smem:$0x3FAC]  }
0x2e: {  	s3 =	simm.s32 @!p0 $0x1082;
	s9 =	sld [smem:$0x3FAD]  }
0x2f: {  	lr =	sadd.s32 s0, s3;
	s0 =	sld [smem:$0x3FA4]  }
0x30: {  	s3 =	sld [smem:$0x3FA7]  }
0x31: {  	[smem:$0x3FB0] =	sst s10  }
0x32: {  	s10 =	sld [smem:$0x3FAE];
	_ =	sdelay $0x3  }
0x33: {  	p0 =	seq.s32 s10, $0x1;
	s10 =	sld [smem:$0x3FB0];
	_ =	sdelay $0x3  }
0x34: {  	[smem:$0x3FB0] =	sst s10  }
0x35: {  	s10 =	sld [smem:$0x3FAF];
	_ =	sdelay $0x3  }
0x36: {  	p1 =	seq.s32 s10, $0x1;
	s10 =	sld [smem:$0x3FB0];
	_ =	sdelay $0x3  }
0x37: {  	[smem:$0x3FB0] =	sst s10  }
0x38: {  	s10 =	sld [smem:$0x3FB1]  }
0x39: {  	_ = 	snop;
	(pc) =	sbr.ind lr, $3  }
0x3a: {  	_ = 	snop  }
0x3b: {  	_ = 	snop  }
0x3c: {  	p2 =	seq.s32 s10, $0x1;
	s10 =	sld [smem:$0x3FB0]  }
0x3d: {  	_ =	shalt  }
0x3e: {  	_ =	shalt  }
0x3f: {  	_ =	shalt  }
0x40: {  	_ =	shalt  }
0x41: {  	_ =	shalt  }
0x42: {  	_ =	shalt  }
0x43: {  	_ =	shalt  }
0x44: {  	_ =	shalt  }
0x45: {  	_ =	shalt  }
0x46: {  	_ =	shalt  }
0x47: {  	_ =	shalt  }
0x48: {  	_ =	shalt  }
0x49: {  	_ =	shalt  }
0x4a: {  	_ =	shalt  }
0x4b: {  	_ =	shalt  }
0x4c: {  	_ =	shalt  }
0x4d: {  	_ =	shalt  }
0x4e: {  	_ =	shalt  }
0x4f: {  	_ =	shalt  }
0x50: {  	_ =	shalt  }
0x51: {  	_ =	shalt  }
0x52: {  	_ =	shalt  }
0x53: {  	_ =	shalt  }
0x54: {  	_ =	shalt  }
0x55: {  	_ =	shalt  }
0x56: {  	_ =	shalt  }
0x57: {  	_ =	shalt  }
0x58: {  	_ =	shalt  }
0x59: {  	_ =	shalt  }
0x5a: {  	_ =	shalt  }
0x5b: {  	_ =	shalt  }
0x5c: {  	_ =	shalt  }
0x5d: {  	_ =	shalt  }
0x5e: {  	_ =	shalt  }
0x5f: {  	_ =	shalt  }
0x60: {  	_ =	shalt  }
0x61: {  	_ =	shalt  }
0x62: {  	_ =	shalt  }
0x63: {  	_ =	shalt  }
0x64: {  	_ =	shalt  }
0x65: {  	_ =	shalt  }
0x66: {  	_ =	shalt  }
0x67: {  	_ =	shalt  }
0x68: {  	_ =	shalt  }
0x69: {  	_ =	shalt  }
0x6a: {  	_ =	shalt  }
0x6b: {  	_ =	shalt  }
0x6c: {  	_ =	shalt  }
0x6d: {  	_ =	shalt  }
0x6e: {  	_ =	shalt  }
0x6f: {  	_ =	shalt  }
0x70: {  	_ =	shalt  }
0x71: {  	_ =	shalt  }
0x72: {  	_ =	shalt  }
0x73: {  	_ =	shalt  }
0x74: {  	_ =	shalt  }
0x75: {  	_ =	shalt  }
0x76: {  	_ =	shalt  }
0x77: {  	_ =	shalt  }
0x78: {  	_ =	shalt  }
0x79: {  	_ =	shalt  }
0x7a: {  	_ =	shalt  }
0x7b: {  	_ =	shalt  }
0x7c: {  	_ =	shalt  }
0x7d: {  	_ =	shalt  }
0x7e: {  	_ =	shalt  }
0x7f: {  	_ =	shalt  }
0x80: {  	_ =	shalt  }
0x81: {  	_ =	shalt  }
0x82: {  	_ =	shalt  }
0x83: {  	_ =	shalt  }
0x84: {  	_ =	shalt  }
0x85: {  	_ =	shalt  }
0x86: {  	_ =	shalt  }
0x87: {  	_ =	shalt  }
.Lfunc_end0:
.L_simem_size_0:
called_computation.1_lowered:
.L_overlay_start_0:
0x88: {  	s2 =	sld [smem:$0x3FD9]  }
0x89: {  	s3 =	sld [smem:$0x3FFE];
	_ =	sdelay $0x1  }
0x8a: {  	s1 =	srdreg.scid  }
0x8b: {  	s0 =	sand.u32 $0x1, s1  }
0x8c: {  	s17 =	sshll.u32 s0, $0xA;
	s2 =	sadd.s32 s3, s2  }
0x8d: {  	s2 =	sadd.s32 s2, s17  }
0x8e: {  	[smem:$0x3FBC] =	sst s2  }
0x8f: {  	_ = 	snop  }
0x90: {  	s2 =	sld [smem:$0x3FD0];
	(tm) =	ssettm $0x1  }
0x91: {  	s18 =	sld [smem:$0x3FFB];
	_ =	sdelay $0x3  }
0x92: {  	_ =	strace s18  }
0x93: {  	s3 =	sld [smem:$0x3FFC];
	_ =	sdelay $0x3  }
0x94: {  	_ =	strace s3  }
0x95: {  	s3 =	sld [smem:$0x3FFD];
	_ =	sdelay $0x3  }
0x96: {  	_ =	strace s3  }
0x97: {  	_ =	strace $0x8FFFFFFF  }
0x98: {  	s19 =	sld [smem:$0x3FDB];
	_ =	sdelay $0x1  }
0x99: {  	s4 =	simm.s32 $_scs_section_size  }
0x9a: {  	s5 =	simm.s32 $_size__tile_overlayer_lowered;
	s6 =	simm.s32 $_tile_overlayer_lowered  }
0x9b: {  	s22 =	simm.s32 $0x1BFF;
	s21 =	sshll.u32 s6, $0x1;
	s3 =	sadd.s32 s4, s19  }
0x9c: {  	s7 =	simm.s32 $0x0;
	s20 =	sshll.u32 s5, $0x1;
	s5 =	sadd.s32 s21, s3  }
0x9d: {  	[timem:s7], [sflag:s22] =	dma.local [hbm:s5], s20  }
0x9e: {  	_ =	swait.ge [sflag:s22], s20  }
0x9f: {  	s4 =	ssub.s32 $0x0, s20;
	[sflag:s22] =	ssyncset.done $0x0  }
0xa0: {  	[sflag:s22] =	ssyncadd.s32 s4;
	_ =	sdelay $0x1  }
0xa1: {  	s23 =	simm.s32 $0x1B8B  }
0xa2: {  	_ =	swait.ge [sflag:s23], $0x1  }
0xa3: {  	[sflag:s23] =	ssyncset.done $0x0  }
0xa4: {  	s25 =	simm.s32 $0x1B8E;
	s24 =	sld [smem:$0x3FFE];
	[sflag:s23] =	ssyncadd.s32 $0xFFFFFFFF  }
0xa5: {  	s26 =	simm.s32 $execute0_lowered;
	[smem:$0x3FD2] =	sst s25  }
0xa6: {  	s5 =	sshll.u32 s26, $0x1;
	_ =	strace $0x80000049;
	[dreg:$0x1] =	wrdreg $0xFFFFFFFF  }
0xa7: {  	s28 =	simm.s32 $_size_execute0_lowered;
	s3 =	sadd.s32 s3, s5;
	[dreg:$0x0] =	wrdreg $0x0  }
0xa8: {  	s5 =	sshll.u32 s28, $0x1;
	[dreg:$0x2] =	wrdreg s3  }
0xa9: {  	[dreg:$0x3] =	wrdreg s5  }
0xaa: {  	[dreg:$0x4] =	wrdreg $0xC0  }
0xab: {  	_ =	task [dreg:s7], $0x5FFFF  }
0xac: {  	[dreg:$0x1] =	wrdreg $0xFFFFFFFF  }
0xad: {  	[dreg:$0x0] =	wrdreg $0x60  }
0xae: {  	[dreg:$0x2] =	wrdreg s24  }
0xaf: {  	[dreg:$0x3] =	wrdreg s2  }
0xb0: {  	[dreg:$0x4] =	wrdreg $0x41000  }
0xb1: {  	[dreg:$0x5] =	wrdreg $0x9  }
0xb2: {  	_ =	task.clear_ibuf [dreg:s7], $0x6FFFF;
	_ =	strace $0x90000049  }
0xb3: {  	s29 =	simm.s32 $0x9;
	_ =	strace $0x8000004B  }
0xb4: {  	_ =	swait.ge [sflag:s29], $0x1  }
0xb5: {  	[sflag:s29] =	ssyncadd.s32 $0xFFFFFFFF  }
0xb6: {  	_ =	strace $0x9000004B  }
0xb7: {  	_ =	sfence  }
0xb8: {  	s30 =	sld [smem:$0x0];
	_ =	sdelay $0x2  }
0xb9: {  	s31 =	sshll.u32 s1, $0xD;
	s1 =	sshrl.u32 s1, $0x2  }
0xba: {  	s3 =	sand.u32 $0x4000, s31;
	s1 =	sadd.s32 s1, s30  }
0xbb: {  	s0 =	sor.u32 s3, s0;
	s1 =	sshll.u32 s1, $0x11  }
0xbc: {  	s0 =	sor.u32 s1, s0  }
0xbd: {  	s0 =	sadd.s32 $0x8F2B, s0  }
0xbe: {  	[sflag:s0] =	ssyncadd.remote.s32 $0x1  }
0xbf: {  	_ =	sfence.sel $0xFFFF  }
0xc0: {  	[dreg:$0x0] =	wrdreg $0xFFFFFFFF;
	(pc) =	sbr.abs _section_cstart, $3  }
0xc1: {  	[dreg:$0x1] =	wrdreg $0xFFFFFFFF  }
0xc2: {  	_ =	task.clear_ibuf [dreg:s7], $0x2FFFF;
	_ =	strace $0x9FFFFFFF  }
0xc3: {  	(tm) =	ssettm $0x7FFFFFFF  }
tec
execute0_lowered:
.L_overlay_start_1:
0x0: {  	(tag) =	ssettag $0x1  }
0x1: {  	s0 =	rddreg [dreg:$0x0]  }
0x2: {  	s2 =	rddreg [dreg:$0x1]  }
0x3: {  	s3 =	rddreg [dreg:$0x2];
	s1 =	stileid.u32;
	s4 =	simm.s32 $0x0  }
0x4: {  	s6 =	srdreg.scid;
	s28 =	simm.s32 $0x1;
	s5 =	smul.u32 $0x9E0, s1  }
0x5: {  	s29 =	simm.s32 $0x0;
	[smem:$0x7FF] =	sst s4;
	s15 =	smul.u32 $0x280, s1  }
0x6: {  	s18 =	sand.u32 $0x1, s6;
	s14 =	sadd.s32 $0x15200, s0;
	s8 =	smul.u32 $0x50000, s1  }
0x7: {  	s9 =	smul.u32 $0x2800, s1;
	_ =	strace $0x8000004A;
	s6 =	ssub.s32 $0x2, s18  }
0x8: {  	p0 =	seq.s32 s18, $0x0;
	s24 =	smul.u32 $0x2800, s18;
	s20 =	sadd.s32 s5, s0  }
0x9: {  	s0 =	sadd.s32 $0x3D200, s0;
	s7 =	sshrl.u32 s6, $0x1;
	s5 =	simm.s32 $0x5F  }
0xa: {  	s25 =	sshrl.u32 s8, $0x2;
	s16 =	sadd.s32 $0x80, s15;
	s19 =	sadd.s32 $0x100, s15  }
0xb: {  	s22 =	sadd.s32 $0x180, s15;
	s23 =	sadd.s32 $0x200, s15;
	s21 =	ssub.s32 s6, s7  }
0xc: {  	s5 =	simm.s32 @!p0 $0x3F;
	s6 =	sadd.s32 s14, s9;
	s7 =	sadd.s32 s25, s3  }
0xd: {  	s26 =	sshll.u32 s16, $0x4;
	s30 =	sshll.u32 s16, $0x7;
	s10 =	sshll.u32 s19, $0x4  }
0xe: {  	s11 =	sshll.u32 s19, $0x7;
	s12 =	sshll.u32 s22, $0x4;
	s13 =	sshll.u32 s22, $0x7  }
0xf: {  	s17 =	sshll.u32 s23, $0x4;
	s31 =	sshll.u32 s23, $0x7;
	s25 =	sadd.s32 s15, s24  }
0x10: {  	s16 =	sadd.s32 s24, s16;
	s19 =	sadd.s32 s24, s19;
	s22 =	sadd.s32 s24, s22  }
0x11: {  	s8 =	sadd.s32 s14, s26;
	s9 =	sadd.s32 s30, s3;
	s10 =	sadd.s32 s14, s10  }
0x12: {  	s11 =	sadd.s32 s11, s3;
	s12 =	sadd.s32 s14, s12;
	s13 =	sadd.s32 s13, s3  }
0x13: {  	s14 =	sadd.s32 s14, s17;
	s15 =	sadd.s32 s31, s3;
	s26 =	sshll.u32 s25, $0x4  }
0x14: {  	s30 =	sshll.u32 s16, $0x4;
	s19 =	sshll.u32 s19, $0x4;
	s31 =	smul.u32 $0x5F0, s18  }
0x15: {  	s21 =	smax.u32 s21, $0x1;
	s25 =	simm.s32 $0x2;
	s16 =	sadd.s32 s0, s26  }
0x16: {  	s17 =	sadd.s32 s0, s30;
	s18 =	sadd.s32 s0, s19;
	s26 =	sshll.u32 s22, $0x4  }
0x17: {  	s30 =	sadd.s32 s24, s23;
	s24 =	simm.s32 $0x100;
	s19 =	sadd.s32 s0, s26  }
0x18: {  	s22 =	sshll.u32 s30, $0x4;
	s31 =	sadd.s32 s31, s20;
	s26 =	simm.s32 $0x80  }
0x19: {  	s20 =	sadd.s32 s0, s22;
	s22 =	sadd.s32 $0x1600, s31;
	s0 =	sadd.s32 $0xB400, s31  }
.LBB2_1:
0x1a: {  	[tilespmem:s24], [sflag:$0x2] =	stream.linear.gather [hbm4b:s6+s4], $0x4000, $0x38;
	[tilespmem:$0x18100] =	vst v63  }
0x1b: {  	_ =	swait.ge [sflag:s25], $0x4000  }
0x1c: {  	[sflag:s25] =	ssyncset.done $0x0  }
0x1d: {  	[sflag:s25] =	ssyncadd.s32 $0xFFFFC000  }
0x1e: {  	[spmem:s7] =	stream.linear.scatter [tilespmem:s24], [sflag:$0x2], $0x4000, $0x38;
	[tilespmem:$0x18100] =	vst v63  }
0x1f: {  	_ =	swait.ge [sflag:s25], $0x4000  }
0x20: {  	[sflag:s25] =	ssyncset.done $0x0  }
0x21: {  	[sflag:s25] =	ssyncadd.s32 $0xFFFFC000  }
0x22: {  	[tilespmem:s24], [sflag:$0x2] =	stream.linear.gather [hbm4b:s8+s4], $0x4000, $0x38;
	[tilespmem:$0x18100] =	vst v63  }
0x23: {  	_ =	swait.ge [sflag:s25], $0x4000  }
0x24: {  	[sflag:s25] =	ssyncset.done $0x0  }
0x25: {  	[sflag:s25] =	ssyncadd.s32 $0xFFFFC000  }
0x26: {  	[spmem:s9] =	stream.linear.scatter [tilespmem:s24], [sflag:$0x2], $0x4000, $0x38;
	[tilespmem:$0x18100] =	vst v63  }
0x27: {  	_ =	swait.ge [sflag:s25], $0x4000  }
0x28: {  	[sflag:s25] =	ssyncset.done $0x0  }
0x29: {  	[sflag:s25] =	ssyncadd.s32 $0xFFFFC000  }
0x2a: {  	[tilespmem:s24], [sflag:$0x2] =	stream.linear.gather [hbm4b:s10+s4], $0x4000, $0x38;
	[tilespmem:$0x18100] =	vst v63  }
0x2b: {  	_ =	swait.ge [sflag:s25], $0x4000  }
0x2c: {  	[sflag:s25] =	ssyncset.done $0x0  }
0x2d: {  	[sflag:s25] =	ssyncadd.s32 $0xFFFFC000  }
0x2e: {  	[spmem:s11] =	stream.linear.scatter [tilespmem:s24], [sflag:$0x2], $0x4000, $0x38;
	[tilespmem:$0x18100] =	vst v63  }
0x2f: {  	_ =	swait.ge [sflag:s25], $0x4000  }
0x30: {  	[sflag:s25] =	ssyncset.done $0x0  }
0x31: {  	[sflag:s25] =	ssyncadd.s32 $0xFFFFC000  }
0x32: {  	[tilespmem:s24], [sflag:$0x2] =	stream.linear.gather [hbm4b:s12+s4], $0x4000, $0x38;
	[tilespmem:$0x18100] =	vst v63  }
0x33: {  	_ =	swait.ge [sflag:s25], $0x4000  }
0x34: {  	[sflag:s25] =	ssyncset.done $0x0  }
0x35: {  	[sflag:s25] =	ssyncadd.s32 $0xFFFFC000  }
0x36: {  	[spmem:s13] =	stream.linear.scatter [tilespmem:s24], [sflag:$0x2], $0x4000, $0x38;
	[tilespmem:$0x18100] =	vst v63  }
0x37: {  	_ =	swait.ge [sflag:s25], $0x4000  }
0x38: {  	[sflag:s25] =	ssyncset.done $0x0  }
0x39: {  	[sflag:s25] =	ssyncadd.s32 $0xFFFFC000  }
0x3a: {  	[tilespmem:s24], [sflag:$0x2] =	stream.linear.gather [hbm4b:s14+s4], $0x4000, $0x38;
	[tilespmem:$0x18100] =	vst v63  }
0x3b: {  	_ =	swait.ge [sflag:s25], $0x4000  }
0x3c: {  	[sflag:s25] =	ssyncset.done $0x0  }
0x3d: {  	[sflag:s25] =	ssyncadd.s32 $0xFFFFC000  }
0x3e: {  	[spmem:s15] =	stream.linear.scatter [tilespmem:s24], [sflag:$0x2], $0x4000, $0x38;
	[tilespmem:$0x18100] =	vst v63  }
0x3f: {  	_ =	swait.ge [sflag:s25], $0x4000  }
0x40: {  	[sflag:s25] =	ssyncset.done $0x0  }
0x41: {  	[sflag:s25] =	ssyncadd.s32 $0xFFFFC000  }
0x42: {  	[bflag:$0x0] =	sbarrier.arrive $0xFFFF  }
0x43: {  	[tilespmem:s4], [sflag:$0x2] =	stream.linear.gather [hbm4b:s0+s4], $0x80, $0x38;
	[tilespmem:$0x18100] =	vst v63  }
0x44: {  	_ =	swait.ge [sflag:s25], $0x80  }
0x45: {  	[sflag:s25] =	ssyncset.done $0x0  }
0x46: {  	[sflag:s25] =	ssyncadd.s32 $0xFFFFFF80  }
0x47: {  	[tilespmem:s26], [sflag:$0x2] =	stream.linear.gather [hbm4b:s22+s4], $0x80, $0x38;
	[tilespmem:$0x18100] =	vst v63  }
0x48: {  	_ =	swait.ge [sflag:s25], $0x80  }
0x49: {  	[sflag:s25] =	ssyncset.done $0x0  }
0x4a: {  	[sflag:s25] =	ssyncadd.s32 $0xFFFFFF80  }
0x4b: {  	[tilespmem:s24], [sflag:$0x1] =	stream.indirect.gather [hbm4b:s2+s26], $0x80, s4, s26, $0xb8;
	[tilespmem:$0x18100] =	vst v63  }
0x4c: {  	p0 =	sne.s32 s5, $0x1;
	_ =	swait.ge [sflag:s28], $0x4000  }
.Ltmp0:
0x4d: {  	[sflag:s28] =	ssyncset.done $0x0;
	(pc) =	sbr.rel @!p0 .LBB2_3-.Ltmp0, $4  }
0x4e: {  	[sflag:s28] =	ssyncadd.s32 $0xFFFFC000  }
0x4f: {  	[spmem:s3] =	stream.indirect.scatter.add.f32 [tilespmem:s24], [sflag:$0x2], $0x80, s26, s26, $0xb8;
	[tilespmem:$0x18100] =	vst v63  }
0x50: {  	s30 =	sadd.s32 $0xFFFFFFFF, s5;
	_ =	swait.ge [sflag:s25], $0x4000  }
0x51: {  	s31 =	smov.u32 s22;
	s23 =	smov.u32 s0;
	[sflag:s25] =	ssyncset.done $0x0  }
.LBB2_2:
0x52: {  	[sflag:s25] =	ssyncadd.s32 $0xFFFFC000;
	s31 =	sadd.s32 $0x10, s31;
	s23 =	sadd.s32 $0x10, s23  }
0x53: {  	[tilespmem:s4], [sflag:$0x2] =	stream.linear.gather [hbm4b:s23+s4], $0x80, $0x38;
	[tilespmem:$0x18100] =	vst v63  }
0x54: {  	p0 =	sne.s32 s30, $0x1;
	s30 =	sadd.s32 $0xFFFFFFFF, s30;
	_ =	swait.ge [sflag:s25], $0x80  }
0x55: {  	[sflag:s25] =	ssyncset.done $0x0  }
0x56: {  	[sflag:s25] =	ssyncadd.s32 $0xFFFFFF80  }
0x57: {  	[tilespmem:s26], [sflag:$0x2] =	stream.linear.gather [hbm4b:s31+s4], $0x80, $0x38;
	[tilespmem:$0x18100] =	vst v63  }
0x58: {  	_ =	swait.ge [sflag:s25], $0x80  }
0x59: {  	[sflag:s25] =	ssyncset.done $0x0  }
0x5a: {  	[sflag:s25] =	ssyncadd.s32 $0xFFFFFF80  }
0x5b: {  	[tilespmem:s24], [sflag:$0x1] =	stream.indirect.gather [hbm4b:s2+s26], $0x80, s4, s26, $0xb8;
	[tilespmem:$0x18100] =	vst v63  }
0x5c: {  	_ =	swait.ge [sflag:s28], $0x4000  }
.Ltmp1:
0x5d: {  	[sflag:s28] =	ssyncset.done $0x0;
	(pc) =	sbr.rel @p0 .LBB2_2-.Ltmp1, $4  }
0x5e: {  	[sflag:s28] =	ssyncadd.s32 $0xFFFFC000  }
0x5f: {  	[spmem:s3] =	stream.indirect.scatter.add.f32 [tilespmem:s24], [sflag:$0x2], $0x80, s26, s26, $0xb8;
	[tilespmem:$0x18100] =	vst v63  }
0x60: {  	_ =	swait.ge [sflag:s25], $0x4000  }
0x61: {  	[sflag:s25] =	ssyncset.done $0x0  }
.LBB2_3:
0x62: {  	[sflag:s25] =	ssyncadd.s32 $0xFFFFC000  }
0x63: {  	[tilespmem:s24], [sflag:$0x2] =	stream.linear.gather [spmem:s7], $0x4000, $0x38;
	[tilespmem:$0x18100] =	vst v63  }
0x64: {  	_ =	swait.ge [sflag:s25], $0x4000  }
0x65: {  	[sflag:s25] =	ssyncset.done $0x0  }
0x66: {  	[sflag:s25] =	ssyncadd.s32 $0xFFFFC000  }
0x67: {  	[bflag:$0x0] =	sbarrier.arrive $0xFFFF  }
0x68: {  	[tilespmem:s24], [sflag:$0x2] =	stream.linear.gather [spmem:s7], $0x4000, $0x38;
	[tilespmem:$0x18100] =	vst v63  }
0x69: {  	_ =	swait.ge [sflag:s25], $0x4000  }
0x6a: {  	[sflag:s25] =	ssyncset.done $0x0  }
0x6b: {  	[sflag:s25] =	ssyncadd.s32 $0xFFFFC000  }
0x6c: {  	[hbm4b:s16+s4] =	stream.linear.scatter [tilespmem:s24], [sflag:$0x2], $0x4000, $0x38;
	[tilespmem:$0x18100] =	vst v63  }
0x6d: {  	_ =	swait.ge [sflag:s25], $0x4000  }
0x6e: {  	[sflag:s25] =	ssyncset.done $0x0  }
0x6f: {  	[sflag:s25] =	ssyncadd.s32 $0xFFFFC000  }
0x70: {  	[tilespmem:s24], [sflag:$0x2] =	stream.linear.gather [spmem:s9], $0x4000, $0x38;
	[tilespmem:$0x18100] =	vst v63  }
0x71: {  	_ =	swait.ge [sflag:s25], $0x4000  }
0x72: {  	[sflag:s25] =	ssyncset.done $0x0  }
0x73: {  	[sflag:s25] =	ssyncadd.s32 $0xFFFFC000  }
0x74: {  	[hbm4b:s17+s4] =	stream.linear.scatter [tilespmem:s24], [sflag:$0x2], $0x4000, $0x38;
	[tilespmem:$0x18100] =	vst v63  }
0x75: {  	_ =	swait.ge [sflag:s25], $0x4000  }
0x76: {  	[sflag:s25] =	ssyncset.done $0x0  }
0x77: {  	[sflag:s25] =	ssyncadd.s32 $0xFFFFC000  }
0x78: {  	[tilespmem:s24], [sflag:$0x2] =	stream.linear.gather [spmem:s11], $0x4000, $0x38;
	[tilespmem:$0x18100] =	vst v63  }
0x79: {  	_ =	swait.ge [sflag:s25], $0x4000  }
0x7a: {  	[sflag:s25] =	ssyncset.done $0x0  }
0x7b: {  	[sflag:s25] =	ssyncadd.s32 $0xFFFFC000  }
0x7c: {  	[hbm4b:s18+s4] =	stream.linear.scatter [tilespmem:s24], [sflag:$0x2], $0x4000, $0x38;
	[tilespmem:$0x18100] =	vst v63  }
0x7d: {  	_ =	swait.ge [sflag:s25], $0x4000  }
0x7e: {  	[sflag:s25] =	ssyncset.done $0x0  }
0x7f: {  	[sflag:s25] =	ssyncadd.s32 $0xFFFFC000  }
0x80: {  	[tilespmem:s24], [sflag:$0x2] =	stream.linear.gather [spmem:s13], $0x4000, $0x38;
	[tilespmem:$0x18100] =	vst v63  }
0x81: {  	_ =	swait.ge [sflag:s25], $0x4000  }
0x82: {  	[sflag:s25] =	ssyncset.done $0x0  }
0x83: {  	[sflag:s25] =	ssyncadd.s32 $0xFFFFC000  }
0x84: {  	[hbm4b:s19+s4] =	stream.linear.scatter [tilespmem:s24], [sflag:$0x2], $0x4000, $0x38;
	[tilespmem:$0x18100] =	vst v63  }
0x85: {  	_ =	swait.ge [sflag:s25], $0x4000  }
0x86: {  	[sflag:s25] =	ssyncset.done $0x0  }
0x87: {  	[sflag:s25] =	ssyncadd.s32 $0xFFFFC000  }
0x88: {  	[tilespmem:s24], [sflag:$0x2] =	stream.linear.gather [spmem:s15], $0x4000, $0x38;
	[tilespmem:$0x18100] =	vst v63  }
0x89: {  	s29 =	sadd.s32 $0x1, s29;
	_ =	swait.ge [sflag:s25], $0x4000  }
0x8a: {  	p0 =	sne.s32 s29, s21;
	[sflag:s25] =	ssyncset.done $0x0  }
.Ltmp2:
0x8b: {  	[sflag:s25] =	ssyncadd.s32 $0xFFFFC000;
	(pc) =	sbr.rel @p0 .LBB2_1-.Ltmp2, $4  }
0x8c: {  	[hbm4b:s20+s4] =	stream.linear.scatter [tilespmem:s24], [sflag:$0x2], $0x4000, $0x38;
	[tilespmem:$0x18100] =	vst v63  }
0x8d: {  	_ =	swait.ge [sflag:s25], $0x4000  }
0x8e: {  	[sflag:s25] =	ssyncset.done $0x0  }
0x8f: {  	[sflag:s25] =	ssyncadd.s32 $0xFFFFC000  }
0x90: {  	_ =	sfence.sel $0x180000  }
0x91: {  	[bflag:$0x0] =	sbarrier.arrive $0xFFFF  }
0x92: {  	_ =	strace $0x9000004A  }
0x93: {  	[bflag:$0x2] =	sbarrier.arrive $0xFFFF  }
0x94: {  	p0 =	sne.s32 s1, $0x0;
	s0 =	rddreg [dreg:$0x3]  }
0x95: {  	s0 =	sadd.s32 @!p0 $0x100000, s0  }
0x96: {  	[sflag:s0] =	ssyncadd.tile.s32 @!p0 $0x1;
	_ =	shalt  }
.Lfunc_end2:
_tile_overlayer_lowered:
.L_overlay_start_2:
0x97: {  	(tag) =	ssettag $0x2  }
0x98: {  	s0 =	rddreg [dreg:$0x0];
	s2 =	stileid.u32  }
0x99: {  	s1 =	rddreg [dreg:$0x1];
	p0 =	sne.s32 s2, $0x0  }
0x9a: {  	s3 =	rddreg [dreg:$0x2];
	[bflag:$0x3] =	sbarrier.arrive $0xFFFF;
	s2 =	simm.s32 @!p0 $0x1C02  }
0x9b: {  	[timem:s3], [sflag:s2] =	dma.local @!p0 [hbm:s0], s1  }
0x9c: {  	s0 =	simm.s32 @!p0 $0x2  }
0x9d: {  	_ =	swait.ge @!p0 [sflag:s0], s1  }
0x9e: {  	s1 =	ssub.s32 @!p0 $0x0, s1;
	[sflag:s0] =	ssyncset.done @!p0 $0x0  }
0x9f: {  	[sflag:s0] =	ssyncadd.s32 @!p0 s1  }
0xa0: {  	[bflag:$0x3] =	sbarrier.arrive $0xFFFF  }
0xa1: {  	_ =	shalt  }

// kernel: kernel.7.cloned.1.call-start
scs
__scs_entry_jumppad:
0x0: {  	(pc) =	sbr.rel $0x88, $3  }
0x1: {  	(tag) =	ssettag $0x0;
	lr =	simm.s32 $0x1  }
0x2: {  	[smem:$0x3F95] =	sst lr;
	_ =	strace $0xD0000000  }
0x3: {  	_ = 	snop  }
0x4: {  	_ = 	snop  }
0x5: {  	_ = 	snop  }
0x6: {  	_ = 	snop  }
0x7: {  	_ = 	snop  }
__scs_overlays_trampoline_lowered:
0x8: {  	[smem:$0x3FA4] =	sst s0  }
0x9: {  	[smem:$0x3FA5] =	sst s1  }
0xa: {  	[smem:$0x3FA6] =	sst s2  }
0xb: {  	[smem:$0x3FA7] =	sst s3  }
0xc: {  	[smem:$0x3FA8] =	sst s4  }
0xd: {  	[smem:$0x3FA9] =	sst s5  }
0xe: {  	[smem:$0x3FAA] =	sst s6  }
0xf: {  	[smem:$0x3FAB] =	sst s7  }
0x10: {  	[smem:$0x3FAC] =	sst s8  }
0x11: {  	[smem:$0x3FAD] =	sst s9;
	s0 =	simm.s32 @!p0 $0x0  }
0x12: {  	s1 =	sld [smem:$0x3F93];
	s0 =	simm.s32 @p0 $0x1  }
0x13: {  	[smem:$0x3FAE] =	sst s0;
	s0 =	simm.s32 @!p1 $0x0  }
0x14: {  	s2 =	sld [smem:$0x3F92];
	s0 =	simm.s32 @p1 $0x1  }
0x15: {  	[smem:$0x3FAF] =	sst s0;
	s0 =	simm.s32 @!p2 $0x0  }
0x16: {  	s3 =	sld [smem:$0x3FDB];
	s0 =	simm.s32 @p2 $0x1  }
0x17: {  	s4 =	simm.s32 $0x1BF5;
	[smem:$0x3FB1] =	sst s0  }
0x18: {  	s0 =	sld [smem:$0x3F94];
	_ =	swait.ge [sflag:s4], $0x0  }
0x19: {  	s7 =	sld [smem:$0x3F95]  }
0x1a: {  	s8 =	sadd.s32 $0xFFFFE003, lr  }
0x1b: {  	s9 =	sadd.s32 $0xFFFFFEF7, lr;
	s5 =	simm.s32 $0xFFFFFFFF;
	p2 =	slt.u32 s8, $0xFFFFF086  }
0x1c: {  	p1 =	slt.u32 s9, $0xF7A;
	s5 =	simm.s32 @!p2 $0x0  }
0x1d: {  	s5 =	simm.s32 @p1 $0x1;
	p0 =	seq.s32 s7, s2  }
0x1e: {  	s7 =	smul.u32 @!p0 $0xF7A, s2;
	p2 =	seq.s32 @!p0 s5, $0x0  }
0x1f: {  	s9 =	smul.u32 $0xF7A, s1;
	s8 =	simm.s32 @!p0 $0x1BF5;
	p2 =	por !p2, p0  }
0x20: {  	[sflag:s8] =	ssyncset.s32 @!p0 $0xFFFFF086;
	s6 =	sadd.s32 @!p0 s3, s7;
	s7 =	simm.s32 @!p0 $0x108  }
0x21: {  	s3 =	sadd.s32 s3, s9;
	s6 =	sadd.s32 @!p0 $0x88, s6;
	s7 =	simm.s32 @p2 $0x1082  }
0x22: {  	[simem:s7], [sflag:s8] =	dma.local @!p0 [hbm:s6], $0xF7A  }
0x23: {  	s9 =	sor.u32 $0xD0000000, s2;
	s6 =	simm.s32 $0x108;
	_ =	swait.ge @!p0 [sflag:s8], $0x0  }
0x24: {  	s3 =	sadd.s32 $0x88, s3;
	s6 =	simm.s32 @!p1 $0x1082;
	[sflag:s4] =	ssyncset.s32 $0xFFFFF086  }
0x25: {  	[simem:s6], [sflag:s4] =	dma.local [hbm:s3], $0xF7A  }
0x26: {  	[smem:$0x3F95] =	sst s1;
	(tag) =	ssettag s2;
	_ =	strace s9  }
0x27: {  	s1 =	sld [smem:$0x3FA5]  }
0x28: {  	s2 =	sld [smem:$0x3FA6]  }
0x29: {  	s4 =	sld [smem:$0x3FA8]  }
0x2a: {  	p0 =	seq.s32 s5, $0x0;
	s5 =	sld [smem:$0x3FA9]  }
0x2b: {  	s6 =	sld [smem:$0x3FAA]  }
0x2c: {  	s7 =	sld [smem:$0x3FAB]  }
0x2d: {  	s3 =	simm.s32 $0x108;
	s8 =	sld [smem:$0x3FAC]  }
0x2e: {  	s3 =	simm.s32 @!p0 $0x1082;
	s9 =	sld [smem:$0x3FAD]  }
0x2f: {  	lr =	sadd.s32 s0, s3;
	s0 =	sld [smem:$0x3FA4]  }
0x30: {  	s3 =	sld [smem:$0x3FA7]  }
0x31: {  	[smem:$0x3FB0] =	sst s10  }
0x32: {  	s10 =	sld [smem:$0x3FAE];
	_ =	sdelay $0x3  }
0x33: {  	p0 =	seq.s32 s10, $0x1;
	s10 =	sld [smem:$0x3FB0];
	_ =	sdelay $0x3  }
0x34: {  	[smem:$0x3FB0] =	sst s10  }
0x35: {  	s10 =	sld [smem:$0x3FAF];
	_ =	sdelay $0x3  }
0x36: {  	p1 =	seq.s32 s10, $0x1;
	s10 =	sld [smem:$0x3FB0];
	_ =	sdelay $0x3  }
0x37: {  	[smem:$0x3FB0] =	sst s10  }
0x38: {  	s10 =	sld [smem:$0x3FB1]  }
0x39: {  	_ = 	snop;
	(pc) =	sbr.ind lr, $3  }
0x3a: {  	_ = 	snop  }
0x3b: {  	_ = 	snop  }
0x3c: {  	p2 =	seq.s32 s10, $0x1;
	s10 =	sld [smem:$0x3FB0]  }
0x3d: {  	_ =	shalt  }
0x3e: {  	_ =	shalt  }
0x3f: {  	_ =	shalt  }
0x40: {  	_ =	shalt  }
0x41: {  	_ =	shalt  }
0x42: {  	_ =	shalt  }
0x43: {  	_ =	shalt  }
0x44: {  	_ =	shalt  }
0x45: {  	_ =	shalt  }
0x46: {  	_ =	shalt  }
0x47: {  	_ =	shalt  }
0x48: {  	_ =	shalt  }
0x49: {  	_ =	shalt  }
0x4a: {  	_ =	shalt  }
0x4b: {  	_ =	shalt  }
0x4c: {  	_ =	shalt  }
0x4d: {  	_ =	shalt  }
0x4e: {  	_ =	shalt  }
0x4f: {  	_ =	shalt  }
0x50: {  	_ =	shalt  }
0x51: {  	_ =	shalt  }
0x52: {  	_ =	shalt  }
0x53: {  	_ =	shalt  }
0x54: {  	_ =	shalt  }
0x55: {  	_ =	shalt  }
0x56: {  	_ =	shalt  }
0x57: {  	_ =	shalt  }
0x58: {  	_ =	shalt  }
0x59: {  	_ =	shalt  }
0x5a: {  	_ =	shalt  }
0x5b: {  	_ =	shalt  }
0x5c: {  	_ =	shalt  }
0x5d: {  	_ =	shalt  }
0x5e: {  	_ =	shalt  }
0x5f: {  	_ =	shalt  }
0x60: {  	_ =	shalt  }
0x61: {  	_ =	shalt  }
0x62: {  	_ =	shalt  }
0x63: {  	_ =	shalt  }
0x64: {  	_ =	shalt  }
0x65: {  	_ =	shalt  }
0x66: {  	_ =	shalt  }
0x67: {  	_ =	shalt  }
0x68: {  	_ =	shalt  }
0x69: {  	_ =	shalt  }
0x6a: {  	_ =	shalt  }
0x6b: {  	_ =	shalt  }
0x6c: {  	_ =	shalt  }
0x6d: {  	_ =	shalt  }
0x6e: {  	_ =	shalt  }
0x6f: {  	_ =	shalt  }
0x70: {  	_ =	shalt  }
0x71: {  	_ =	shalt  }
0x72: {  	_ =	shalt  }
0x73: {  	_ =	shalt  }
0x74: {  	_ =	shalt  }
0x75: {  	_ =	shalt  }
0x76: {  	_ =	shalt  }
0x77: {  	_ =	shalt  }
0x78: {  	_ =	shalt  }
0x79: {  	_ =	shalt  }
0x7a: {  	_ =	shalt  }
0x7b: {  	_ =	shalt  }
0x7c: {  	_ =	shalt  }
0x7d: {  	_ =	shalt  }
0x7e: {  	_ =	shalt  }
0x7f: {  	_ =	shalt  }
0x80: {  	_ =	shalt  }
0x81: {  	_ =	shalt  }
0x82: {  	_ =	shalt  }
0x83: {  	_ =	shalt  }
0x84: {  	_ =	shalt  }
0x85: {  	_ =	shalt  }
0x86: {  	_ =	shalt  }
0x87: {  	_ =	shalt  }
.Lfunc_end0:
.L_simem_size_0:
called_computation_lowered:
.L_overlay_start_0:
0x88: {  	s2 =	sld [smem:$0x3FD9]  }
0x89: {  	s3 =	sld [smem:$0x3FFE];
	_ =	sdelay $0x1  }
0x8a: {  	s1 =	srdreg.scid  }
0x8b: {  	s0 =	sand.u32 $0x1, s1  }
0x8c: {  	s17 =	sshll.u32 s0, $0xA;
	s2 =	sadd.s32 s3, s2  }
0x8d: {  	s2 =	sadd.s32 s2, s17  }
0x8e: {  	[smem:$0x3FBC] =	sst s2  }
0x8f: {  	_ = 	snop  }
0x90: {  	s2 =	sld [smem:$0x3FD0];
	(tm) =	ssettm $0x1  }
0x91: {  	s18 =	sld [smem:$0x3FFB];
	_ =	sdelay $0x3  }
0x92: {  	_ =	strace s18  }
0x93: {  	s3 =	sld [smem:$0x3FFC];
	_ =	sdelay $0x3  }
0x94: {  	_ =	strace s3  }
0x95: {  	s3 =	sld [smem:$0x3FFD];
	_ =	sdelay $0x3  }
0x96: {  	_ =	strace s3  }
0x97: {  	_ =	strace $0x8FFFFFFF  }
0x98: {  	s19 =	sld [smem:$0x3FDB];
	_ =	sdelay $0x1  }
0x99: {  	s4 =	simm.s32 $_scs_section_size  }
0x9a: {  	s5 =	simm.s32 $_size__tile_overlayer_lowered;
	s6 =	simm.s32 $_tile_overlayer_lowered  }
0x9b: {  	s22 =	simm.s32 $0x1BFF;
	s21 =	sshll.u32 s6, $0x1;
	s3 =	sadd.s32 s4, s19  }
0x9c: {  	s7 =	simm.s32 $0x0;
	s20 =	sshll.u32 s5, $0x1;
	s5 =	sadd.s32 s21, s3  }
0x9d: {  	[timem:s7], [sflag:s22] =	dma.local [hbm:s5], s20  }
0x9e: {  	_ =	swait.ge [sflag:s22], s20  }
0x9f: {  	s4 =	ssub.s32 $0x0, s20;
	[sflag:s22] =	ssyncset.done $0x0  }
0xa0: {  	[sflag:s22] =	ssyncadd.s32 s4;
	_ =	sdelay $0x1  }
0xa1: {  	s23 =	simm.s32 $0x1B8B  }
0xa2: {  	_ =	swait.ge [sflag:s23], $0x1  }
0xa3: {  	[sflag:s23] =	ssyncset.done $0x0  }
0xa4: {  	s25 =	simm.s32 $0x1B8E;
	s24 =	sld [smem:$0x3FFE];
	[sflag:s23] =	ssyncadd.s32 $0xFFFFFFFF  }
0xa5: {  	s26 =	simm.s32 $execute0_lowered;
	[smem:$0x3FD2] =	sst s25  }
0xa6: {  	s5 =	sshll.u32 s26, $0x1;
	_ =	strace $0x80000046;
	[dreg:$0x1] =	wrdreg $0xFFFFFFFF  }
0xa7: {  	s28 =	simm.s32 $_size_execute0_lowered;
	s3 =	sadd.s32 s3, s5;
	[dreg:$0x0] =	wrdreg $0x0  }
0xa8: {  	s5 =	sshll.u32 s28, $0x1;
	[dreg:$0x2] =	wrdreg s3  }
0xa9: {  	[dreg:$0x3] =	wrdreg s5  }
0xaa: {  	[dreg:$0x4] =	wrdreg $0xC0  }
0xab: {  	_ =	task [dreg:s7], $0x5FFFF  }
0xac: {  	[dreg:$0x1] =	wrdreg $0xFFFFFFFF  }
0xad: {  	[dreg:$0x0] =	wrdreg $0x60  }
0xae: {  	[dreg:$0x2] =	wrdreg s24  }
0xaf: {  	[dreg:$0x3] =	wrdreg s2  }
0xb0: {  	[dreg:$0x4] =	wrdreg $0x41000  }
0xb1: {  	[dreg:$0x5] =	wrdreg $0x184000  }
0xb2: {  	[dreg:$0x6] =	wrdreg $0x9  }
0xb3: {  	_ =	task.clear_ibuf [dreg:s7], $0x7FFFF;
	_ =	strace $0x90000046  }
0xb4: {  	s29 =	simm.s32 $0x9;
	_ =	strace $0x80000048  }
0xb5: {  	_ =	swait.ge [sflag:s29], $0x1  }
0xb6: {  	[sflag:s29] =	ssyncadd.s32 $0xFFFFFFFF  }
0xb7: {  	_ =	strace $0x90000048  }
0xb8: {  	_ =	sfence  }
0xb9: {  	s30 =	sld [smem:$0x0];
	_ =	sdelay $0x2  }
0xba: {  	s31 =	sshll.u32 s1, $0xD;
	s1 =	sshrl.u32 s1, $0x2  }
0xbb: {  	s3 =	sand.u32 $0x4000, s31;
	s1 =	sadd.s32 s1, s30  }
0xbc: {  	s0 =	sor.u32 s3, s0;
	s1 =	sshll.u32 s1, $0x11  }
0xbd: {  	s0 =	sor.u32 s1, s0  }
0xbe: {  	s0 =	sadd.s32 $0x8F2B, s0  }
0xbf: {  	[sflag:s0] =	ssyncadd.remote.s32 $0x1  }
0xc0: {  	_ =	sfence.sel $0xFFFF  }
0xc1: {  	[dreg:$0x0] =	wrdreg $0xFFFFFFFF;
	(pc) =	sbr.abs _section_cstart, $3  }
0xc2: {  	[dreg:$0x1] =	wrdreg $0xFFFFFFFF  }
0xc3: {  	_ =	task.clear_ibuf [dreg:s7], $0x2FFFF;
	_ =	strace $0x9FFFFFFF  }
0xc4: {  	(tm) =	ssettm $0x7FFFFFFF  }
0xc5: {  	_ =	shalt  }
tec
execute0_lowered:
.L_overlay_start_1:
0x0: {  	(tag) =	ssettag $0x1  }
0x1: {  	s0 =	rddreg [dreg:$0x0]  }
0x2: {  	s1 =	rddreg [dreg:$0x1]  }
0x3: {  	s2 =	rddreg [dreg:$0x2];
	s16 =	stileid.u32  }
0x4: {  	s5 =	srdreg.scid;
	s4 =	rddreg [dreg:$0x3];
	s28 =	simm.s32 $0x100  }
0x5: {  	s29 =	simm.s32 $0x2;
	s30 =	simm.s32 $0x18180;
	s3 =	smul.u32 $0x9E0, s16  }
0x6: {  	s31 =	simm.s32 $0x80;
	s6 =	sand.u32 $0x1, s5;
	s7 =	smul.u32 $0x280, s16  }
0x7: {  	s5 =	simm.s32 $0x0;
	s9 =	sadd.s32 $0x15200, s0;
	s14 =	smul.u32 $0x2800, s16  }
0x8: {  	s15 =	sadd.s32 $0x3DC00, s0;
	s8 =	smul.u32 $0x2800, s6;
	[smem:$0x7FF] =	sst s5  }
0x9: {  	s12 =	ssub.s32 $0x2, s6;
	p0 =	seq.s32 s6, $0x0;
	s6 =	smul.u32 $0x5F0, s6  }
0xa: {  	s3 =	sadd.s32 s3, s0;
	s13 =	sshrl.u32 s12, $0x1;
	s17 =	sadd.s32 $0x80, s7  }
0xb: {  	s22 =	sadd.s32 s9, s14;
	s19 =	sadd.s32 $0x100, s7;
	s20 =	sadd.s32 $0x180, s7  }
0xc: {  	s11 =	sadd.s32 s7, s8;
	s24 =	ssub.s32 s12, s13;
	s21 =	sshll.u32 s17, $0x4  }
0xd: {  	[dreg:$0x5] =	wrdreg s22;
	s23 =	sshll.u32 s19, $0x4;
	s25 =	sshll.u32 s20, $0x4  }
0xe: {  	s18 =	sadd.s32 s8, s17;
	s22 =	sadd.s32 s8, s19;
	s3 =	sadd.s32 s6, s3  }
0xf: {  	s6 =	simm.s32 $0x0;
	s10 =	sshrl.u32 s11, $0x3;
	s12 =	sadd.s32 s9, s25  }
0x10: {  	s14 =	sshll.u32 s11, $0x4;
	s13 =	sshll.u32 s22, $0x4;
	s25 =	sadd.s32 s8, s20  }
0x11: {  	s22 =	sshll.u32 s17, $0x7;
	s24 =	smax.u32 s24, $0x1;
	s0 =	sadd.s32 s10, s0  }
0x12: {  	s10 =	sadd.s32 s9, s21;
	s21 =	sadd.s32 $0x200, s7;
	[dreg:$0x8] =	wrdreg s12  }
0x13: {  	s11 =	sadd.s32 s15, s14;
	s13 =	sadd.s32 s15, s13;
	[dreg:$0x6] =	wrdreg s10  }
0x14: {  	s26 =	sshll.u32 s21, $0x4;
	s10 =	sadd.s32 s9, s23;
	s23 =	sshll.u32 s18, $0x4  }
0x15: {  	s8 =	sadd.s32 s8, s21;
	[dreg:$0x7] =	wrdreg s10;
	s10 =	sadd.s32 s9, s26  }
0x16: {  	s12 =	sadd.s32 s15, s23;
	s9 =	sshll.u32 s25, $0x4;
	s8 =	sshll.u32 s8, $0x4  }
0x17: {  	s26 =	smul.u32 $0x50000, s16;
	s16 =	simm.s32 $0x5F;
	s23 =	sshll.u32 s19, $0x7  }
0x18: {  	s25 =	sshll.u32 s20, $0x7;
	s14 =	sadd.s32 s15, s9;
	s15 =	sadd.s32 s15, s8  }
0x19: {  	_ =	strace $0x80000047;
	s16 =	simm.s32 @!p0 $0x3F;
	s19 =	sadd.s32 s23, s2  }
0x1a: {  	s20 =	sadd.s32 s25, s2;
	s23 =	sadd.s32 $0x3D200, s0;
	s8 =	sadd.s32 $0x1600, s3  }
0x1b: {  	s9 =	sadd.s32 $0xB400, s3;
	s3 =	simm.s32 $0x1;
	s18 =	sshrl.u32 s26, $0x2  }
0x1c: {  	s0 =	simm.s32 $0x18100;
	s26 =	sshll.u32 s21, $0x7;
	s17 =	sadd.s32 s18, s2  }
0x1d: {  	v0 =	vimm.f32 $0.0e+00;
	v1 =	vimm.f32 $1.000000000e+00;
	s18 =	sadd.s32 s22, s2;
	s21 =	sadd.s32 s26, s2;
	s22 =	sadd.s32 s7, s4  }
.LBB2_1:
0x1e: {  	s7 =	rddreg [dreg:$0x5]  }
0x1f: {  	[tilespmem:s28], [sflag:$0x2] =	stream.linear.gather [hbm4b:s7+s5], $0x4000, $0x38;
	[tilespmem:$0x18680] =	vst v63  }
0x20: {  	_ =	swait.ge [sflag:s29], $0x4000  }
0x21: {  	[sflag:s29] =	ssyncset.done $0x0  }
0x22: {  	[sflag:s29] =	ssyncadd.s32 $0xFFFFC000  }
0x23: {  	[spmem:s17] =	stream.linear.scatter [tilespmem:s28], [sflag:$0x2], $0x4000, $0x38;
	[tilespmem:$0x18680] =	vst v63  }
0x24: {  	_ =	swait.ge [sflag:s29], $0x4000  }
0x25: {  	[sflag:s29] =	ssyncset.done $0x0  }
0x26: {  	s26 =	rddreg [dreg:$0x6];
	[sflag:s29] =	ssyncadd.s32 $0xFFFFC000  }
0x27: {  	[tilespmem:s28], [sflag:$0x2] =	stream.linear.gather [hbm4b:s26+s5], $0x4000, $0x38;
	[tilespmem:$0x18680] =	vst v63  }
0x28: {  	_ =	swait.ge [sflag:s29], $0x4000  }
0x29: {  	[sflag:s29] =	ssyncset.done $0x0  }
0x2a: {  	[sflag:s29] =	ssyncadd.s32 $0xFFFFC000  }
0x2b: {  	[spmem:s18] =	stream.linear.scatter [tilespmem:s28], [sflag:$0x2], $0x4000, $0x38;
	[tilespmem:$0x18680] =	vst v63  }
0x2c: {  	_ =	swait.ge [sflag:s29], $0x4000  }
0x2d: {  	[sflag:s29] =	ssyncset.done $0x0  }
0x2e: {  	s25 =	rddreg [dreg:$0x7];
	[sflag:s29] =	ssyncadd.s32 $0xFFFFC000  }
0x2f: {  	[tilespmem:s28], [sflag:$0x2] =	stream.linear.gather [hbm4b:s25+s5], $0x4000, $0x38;
	[tilespmem:$0x18680] =	vst v63  }
0x30: {  	_ =	swait.ge [sflag:s29], $0x4000  }
0x31: {  	[sflag:s29] =	ssyncset.done $0x0  }
0x32: {  	[sflag:s29] =	ssyncadd.s32 $0xFFFFC000  }
0x33: {  	[spmem:s19] =	stream.linear.scatter [tilespmem:s28], [sflag:$0x2], $0x4000, $0x38;
	[tilespmem:$0x18680] =	vst v63  }
0x34: {  	_ =	swait.ge [sflag:s29], $0x4000  }
0x35: {  	[sflag:s29] =	ssyncset.done $0x0  }
0x36: {  	s26 =	rddreg [dreg:$0x8];
	[sflag:s29] =	ssyncadd.s32 $0xFFFFC000  }
0x37: {  	[tilespmem:s28], [sflag:$0x2] =	stream.linear.gather [hbm4b:s26+s5], $0x4000, $0x38;
	[tilespmem:$0x18680] =	vst v63  }
0x38: {  	_ =	swait.ge [sflag:s29], $0x4000  }
0x39: {  	[sflag:s29] =	ssyncset.done $0x0  }
0x3a: {  	[sflag:s29] =	ssyncadd.s32 $0xFFFFC000  }
0x3b: {  	[spmem:s20] =	stream.linear.scatter [tilespmem:s28], [sflag:$0x2], $0x4000, $0x38;
	[tilespmem:$0x18680] =	vst v63  }
0x3c: {  	_ =	swait.ge [sflag:s29], $0x4000  }
0x3d: {  	[sflag:s29] =	ssyncset.done $0x0  }
0x3e: {  	[sflag:s29] =	ssyncadd.s32 $0xFFFFC000  }
0x3f: {  	[tilespmem:s28], [sflag:$0x2] =	stream.linear.gather [hbm4b:s10+s5], $0x4000, $0x38;
	[tilespmem:$0x18680] =	vst v63  }
0x40: {  	_ =	swait.ge [sflag:s29], $0x4000  }
0x41: {  	[sflag:s29] =	ssyncset.done $0x0  }
0x42: {  	[sflag:s29] =	ssyncadd.s32 $0xFFFFC000  }
0x43: {  	[spmem:s21] =	stream.linear.scatter [tilespmem:s28], [sflag:$0x2], $0x4000, $0x38;
	[tilespmem:$0x18680] =	vst v63  }
0x44: {  	_ =	swait.ge [sflag:s29], $0x4000  }
0x45: {  	[sflag:s29] =	ssyncset.done $0x0  }
0x46: {  	[sflag:s29] =	ssyncadd.s32 $0xFFFFC000  }
0x47: {  	[tilespmem:$0x18180] =	vst v0  }
0x48: {  	[tilespmem:$0x18190] =	vst v0  }
0x49: {  	[tilespmem:$0x181A0] =	vst v0  }
0x4a: {  	[tilespmem:$0x181B0] =	vst v0  }
0x4b: {  	[tilespmem:$0x181C0] =	vst v0  }
0x4c: {  	[tilespmem:$0x181D0] =	vst v0  }
0x4d: {  	[tilespmem:$0x181E0] =	vst v0  }
0x4e: {  	[tilespmem:$0x181F0] =	vst v0  }
0x4f: {  	[tilespmem:$0x18200] =	vst v0  }
0x50: {  	[tilespmem:$0x18210] =	vst v0  }
0x51: {  	[tilespmem:$0x18220] =	vst v0  }
0x52: {  	[tilespmem:$0x18230] =	vst v0  }
0x53: {  	[tilespmem:$0x18240] =	vst v0  }
0x54: {  	[tilespmem:$0x18250] =	vst v0  }
0x55: {  	[tilespmem:$0x18260] =	vst v0  }
0x56: {  	[tilespmem:$0x18270] =	vst v0  }
0x57: {  	[tilespmem:$0x18280] =	vst v0  }
0x58: {  	[tilespmem:$0x18290] =	vst v0  }
0x59: {  	[tilespmem:$0x182A0] =	vst v0  }
0x5a: {  	[tilespmem:$0x182B0] =	vst v0  }
0x5b: {  	[tilespmem:$0x182C0] =	vst v0  }
0x5c: {  	[tilespmem:$0x182D0] =	vst v0  }
0x5d: {  	[tilespmem:$0x182E0] =	vst v0  }
0x5e: {  	[tilespmem:$0x182F0] =	vst v0  }
0x5f: {  	[tilespmem:$0x18300] =	vst v0  }
0x60: {  	[tilespmem:$0x18310] =	vst v0  }
0x61: {  	[tilespmem:$0x18320] =	vst v0  }
0x62: {  	[tilespmem:$0x18330] =	vst v0  }
0x63: {  	[tilespmem:$0x18340] =	vst v0  }
0x64: {  	[tilespmem:$0x18350] =	vst v0  }
0x65: {  	[tilespmem:$0x18360] =	vst v0  }
0x66: {  	[tilespmem:$0x18370] =	vst v0  }
0x67: {  	[tilespmem:$0x18380] =	vst v0  }
0x68: {  	[tilespmem:$0x18390] =	vst v0  }
0x69: {  	[tilespmem:$0x183A0] =	vst v0  }
0x6a: {  	[tilespmem:$0x183B0] =	vst v0  }
0x6b: {  	[tilespmem:$0x183C0] =	vst v0  }
0x6c: {  	[tilespmem:$0x183D0] =	vst v0  }
0x6d: {  	[tilespmem:$0x183E0] =	vst v0  }
0x6e: {  	[tilespmem:$0x183F0] =	vst v0  }
0x6f: {  	[tilespmem:$0x18100] =	vst v1  }
0x70: {  	[tilespmem:$0x18110] =	vst v1  }
0x71: {  	[tilespmem:$0x18120] =	vst v1  }
0x72: {  	[tilespmem:$0x18130] =	vst v1  }
0x73: {  	[tilespmem:$0x18140] =	vst v1  }
0x74: {  	[tilespmem:$0x18150] =	vst v1  }
0x75: {  	[tilespmem:$0x18160] =	vst v1  }
0x76: {  	[tilespmem:$0x18170] =	vst v1  }
0x77: {  	[spmem:s22] =	stream.linear.scatter [tilespmem:s30], [sflag:$0x2], $0x280, $0x38;
	[tilespmem:$0x18680] =	vst v63  }
0x78: {  	_ =	swait.ge [sflag:s29], $0x280  }
0x79: {  	[sflag:s29] =	ssyncset.done $0x0  }
0x7a: {  	[sflag:s29] =	ssyncadd.s32 $0xFFFFFD80  }
0x7b: {  	[bflag:$0x0] =	sbarrier.arrive $0xFFFF  }
0x7c: {  	[tilespmem:s5], [sflag:$0x2] =	stream.linear.gather [hbm4b:s9+s5], $0x80, $0x38;
	[tilespmem:$0x18680] =	vst v63  }
0x7d: {  	_ =	swait.ge [sflag:s29], $0x80  }
0x7e: {  	[sflag:s29] =	ssyncset.done $0x0  }
0x7f: {  	[sflag:s29] =	ssyncadd.s32 $0xFFFFFF80  }
0x80: {  	[tilespmem:s31], [sflag:$0x2] =	stream.linear.gather [hbm4b:s8+s5], $0x80, $0x38;
	[tilespmem:$0x18680] =	vst v63  }
0x81: {  	_ =	swait.ge [sflag:s29], $0x80  }
0x82: {  	[sflag:s29] =	ssyncset.done $0x0  }
0x83: {  	[sflag:s29] =	ssyncadd.s32 $0xFFFFFF80  }
0x84: {  	[tilespmem:s28], [sflag:$0x1] =	stream.indirect.gather [hbm4b:s1+s31], $0x80, s5, s31, $0xb8;
	[tilespmem:$0x18680] =	vst v63  }
0x85: {  	_ =	swait.ge [sflag:s3], $0x4000  }
0x86: {  	[sflag:s3] =	ssyncset.done $0x0  }
0x87: {  	[sflag:s3] =	ssyncadd.s32 $0xFFFFC000  }
0x88: {  	[spmem:s2] =	stream.indirect.scatter.add.f32 [tilespmem:s28], [sflag:$0x2], $0x80, s31, s31, $0xb8;
	[tilespmem:$0x18680] =	vst v63  }
0x89: {  	p0 =	sne.s32 s16, $0x1;
	_ =	swait.ge [sflag:s29], $0x4000  }
.Ltmp0:
0x8a: {  	[sflag:s29] =	ssyncset.done $0x0;
	(pc) =	sbr.rel @!p0 .LBB2_3-.Ltmp0, $4  }
0x8b: {  	[sflag:s29] =	ssyncadd.s32 $0xFFFFC000  }
0x8c: {  	[spmem:s4] =	stream.indirect.scatter.add.f32 [tilespmem:s0], [sflag:$0x2], $0x1, s31, s31, $0xb8;
	[tilespmem:$0x18680] =	vst v63  }
0x8d: {  	s7 =	sadd.s32 $0xFFFFFFFF, s16;
	_ =	swait.ge [sflag:s29], $0x80  }
0x8e: {  	s25 =	smov.u32 s8;
	s26 =	smov.u32 s9;
	[sflag:s29] =	ssyncset.done $0x0  }
.LBB2_2:
0x8f: {  	[sflag:s29] =	ssyncadd.s32 $0xFFFFFF80;
	s25 =	sadd.s32 $0x10, s25;
	s26 =	sadd.s32 $0x10, s26  }
0x90: {  	[tilespmem:s5], [sflag:$0x2] =	stream.linear.gather [hbm4b:s26+s5], $0x80, $0x38;
	[tilespmem:$0x18680] =	vst v63  }
0x91: {  	p0 =	sne.s32 s7, $0x1;
	s7 =	sadd.s32 $0xFFFFFFFF, s7;
	_ =	swait.ge [sflag:s29], $0x80  }
0x92: {  	[sflag:s29] =	ssyncset.done $0x0  }
0x93: {  	[sflag:s29] =	ssyncadd.s32 $0xFFFFFF80  }
0x94: {  	[tilespmem:s31], [sflag:$0x2] =	stream.linear.gather [hbm4b:s25+s5], $0x80, $0x38;
	[tilespmem:$0x18680] =	vst v63  }
0x95: {  	_ =	swait.ge [sflag:s29], $0x80  }
0x96: {  	[sflag:s29] =	ssyncset.done $0x0  }
0x97: {  	[sflag:s29] =	ssyncadd.s32 $0xFFFFFF80  }
0x98: {  	[tilespmem:s28], [sflag:$0x1] =	stream.indirect.gather [hbm4b:s1+s31], $0x80, s5, s31, $0xb8;
	[tilespmem:$0x18680] =	vst v63  }
0x99: {  	_ =	swait.ge [sflag:s3], $0x4000  }
0x9a: {  	[sflag:s3] =	ssyncset.done $0x0  }
0x9b: {  	[sflag:s3] =	ssyncadd.s32 $0xFFFFC000  }
0x9c: {  	[spmem:s2] =	stream.indirect.scatter.add.f32 [tilespmem:s28], [sflag:$0x2], $0x80, s31, s31, $0xb8;
	[tilespmem:$0x18680] =	vst v63  }
0x9d: {  	_ =	swait.ge [sflag:s29], $0x4000  }
.Ltmp1:
0x9e: {  	[sflag:s29] =	ssyncset.done $0x0;
	(pc) =	sbr.rel @p0 .LBB2_2-.Ltmp1, $4  }
0x9f: {  	[sflag:s29] =	ssyncadd.s32 $0xFFFFC000  }
0xa0: {  	[spmem:s4] =	stream.indirect.scatter.add.f32 [tilespmem:s0], [sflag:$0x2], $0x1, s31, s31, $0xb8;
	[tilespmem:$0x18680] =	vst v63  }
0xa1: {  	_ =	swait.ge [sflag:s29], $0x80  }
0xa2: {  	[sflag:s29] =	ssyncset.done $0x0  }
.LBB2_3:
0xa3: {  	[sflag:s29] =	ssyncadd.s32 $0xFFFFFF80  }
0xa4: {  	[tilespmem:s28], [sflag:$0x2] =	stream.linear.gather [spmem:s17], $0x4000, $0x38;
	[tilespmem:$0x18680] =	vst v63  }
0xa5: {  	_ =	swait.ge [sflag:s29], $0x4000  }
0xa6: {  	[sflag:s29] =	ssyncset.done $0x0  }
0xa7: {  	[sflag:s29] =	ssyncadd.s32 $0xFFFFC000  }
0xa8: {  	[bflag:$0x0] =	sbarrier.arrive $0xFFFF  }
0xa9: {  	[tilespmem:s28], [sflag:$0x2] =	stream.linear.gather [spmem:s17], $0x4000, $0x38;
	[tilespmem:$0x18680] =	vst v63  }
0xaa: {  	_ =	swait.ge [sflag:s29], $0x4000  }
0xab: {  	[sflag:s29] =	ssyncset.done $0x0  }
0xac: {  	[sflag:s29] =	ssyncadd.s32 $0xFFFFC000  }
0xad: {  	[hbm4b:s11+s5] =	stream.linear.scatter [tilespmem:s28], [sflag:$0x2], $0x4000, $0x38;
	[tilespmem:$0x18680] =	vst v63  }
0xae: {  	_ =	swait.ge [sflag:s29], $0x4000  }
0xaf: {  	[sflag:s29] =	ssyncset.done $0x0  }
0xb0: {  	[sflag:s29] =	ssyncadd.s32 $0xFFFFC000  }
0xb1: {  	[tilespmem:s28], [sflag:$0x2] =	stream.linear.gather [spmem:s18], $0x4000, $0x38;
	[tilespmem:$0x18680] =	vst v63  }
0xb2: {  	_ =	swait.ge [sflag:s29], $0x4000  }
0xb3: {  	[sflag:s29] =	ssyncset.done $0x0  }
0xb4: {  	[sflag:s29] =	ssyncadd.s32 $0xFFFFC000  }
0xb5: {  	[hbm4b:s12+s5] =	stream.linear.scatter [tilespmem:s28], [sflag:$0x2], $0x4000, $0x38;
	[tilespmem:$0x18680] =	vst v63  }
0xb6: {  	_ =	swait.ge [sflag:s29], $0x4000  }
0xb7: {  	[sflag:s29] =	ssyncset.done $0x0  }
0xb8: {  	[sflag:s29] =	ssyncadd.s32 $0xFFFFC000  }
0xb9: {  	[tilespmem:s28], [sflag:$0x2] =	stream.linear.gather [spmem:s19], $0x4000, $0x38;
	[tilespmem:$0x18680] =	vst v63  }
0xba: {  	_ =	swait.ge [sflag:s29], $0x4000  }
0xbb: {  	[sflag:s29] =	ssyncset.done $0x0  }
0xbc: {  	[sflag:s29] =	ssyncadd.s32 $0xFFFFC000  }
0xbd: {  	[hbm4b:s13+s5] =	stream.linear.scatter [tilespmem:s28], [sflag:$0x2], $0x4000, $0x38;
	[tilespmem:$0x18680] =	vst v63  }
0xbe: {  	_ =	swait.ge [sflag:s29], $0x4000  }
0xbf: {  	[sflag:s29] =	ssyncset.done $0x0  }
0xc0: {  	[sflag:s29] =	ssyncadd.s32 $0xFFFFC000  }
0xc1: {  	[tilespmem:s28], [sflag:$0x2] =	stream.linear.gather [spmem:s20], $0x4000, $0x38;
	[tilespmem:$0x18680] =	vst v63  }
0xc2: {  	_ =	swait.ge [sflag:s29], $0x4000  }
0xc3: {  	[sflag:s29] =	ssyncset.done $0x0  }
0xc4: {  	[sflag:s29] =	ssyncadd.s32 $0xFFFFC000  }
0xc5: {  	[hbm4b:s14+s5] =	stream.linear.scatter [tilespmem:s28], [sflag:$0x2], $0x4000, $0x38;
	[tilespmem:$0x18680] =	vst v63  }
0xc6: {  	_ =	swait.ge [sflag:s29], $0x4000  }
0xc7: {  	[sflag:s29] =	ssyncset.done $0x0  }
0xc8: {  	[sflag:s29] =	ssyncadd.s32 $0xFFFFC000  }
0xc9: {  	[tilespmem:s28], [sflag:$0x2] =	stream.linear.gather [spmem:s21], $0x4000, $0x38;
	[tilespmem:$0x18680] =	vst v63  }
0xca: {  	_ =	swait.ge [sflag:s29], $0x4000  }
0xcb: {  	[sflag:s29] =	ssyncset.done $0x0  }
0xcc: {  	[sflag:s29] =	ssyncadd.s32 $0xFFFFC000  }
0xcd: {  	[hbm4b:s15+s5] =	stream.linear.scatter [tilespmem:s28], [sflag:$0x2], $0x4000, $0x38;
	[tilespmem:$0x18680] =	vst v63  }
0xce: {  	_ =	swait.ge [sflag:s29], $0x4000  }
0xcf: {  	[sflag:s29] =	ssyncset.done $0x0  }
0xd0: {  	[sflag:s29] =	ssyncadd.s32 $0xFFFFC000  }
0xd1: {  	[tilespmem:s30], [sflag:$0x2] =	stream.linear.gather [spmem:s22], $0x280, $0x38;
	[tilespmem:$0x18680] =	vst v63  }
0xd2: {  	s6 =	sadd.s32 $0x1, s6;
	_ =	swait.ge [sflag:s29], $0x280  }
0xd3: {  	p0 =	sne.s32 s6, s24;
	[sflag:s29] =	ssyncset.done $0x0  }
.Ltmp2:
0xd4: {  	[sflag:s29] =	ssyncadd.s32 $0xFFFFFD80;
	(pc) =	sbr.rel @p0 .LBB2_1-.Ltmp2, $4  }
0xd5: {  	[hbm4b:s23+s5] =	stream.linear.scatter [tilespmem:s30], [sflag:$0x2], $0x280, $0x38;
	[tilespmem:$0x18680] =	vst v63  }
0xd6: {  	_ =	swait.ge [sflag:s29], $0x280  }
0xd7: {  	[sflag:s29] =	ssyncset.done $0x0  }
0xd8: {  	[sflag:s29] =	ssyncadd.s32 $0xFFFFFD80  }
0xd9: {  	_ =	sfence.sel $0x180000  }
0xda: {  	[bflag:$0x0] =	sbarrier.arrive $0xFFFF  }
0xdb: {  	_ =	strace $0x90000047  }
0xdc: {  	s0 =	stileid.u32;
	[bflag:$0x2] =	sbarrier.arrive $0xFFFF  }
0xdd: {  	p0 =	sne.s32 s0, $0x0;
	s0 =	rddreg [dreg:$0x4]  }
0xde: {  	s0 =	sadd.s32 @!p0 $0x100000, s0  }
0xdf: {  	[sflag:s0] =	ssyncadd.tile.s32 @!p0 $0x1;
	_ =	shalt  }
.Lfunc_end2:
_tile_overlayer_lowered:
.L_overlay_start_2:
0xe0: {  	(tag) =	ssettag $0x2  }
0xe1: {  	s0 =	rddreg [dreg:$0x0];
	s2 =	stileid.u32  }
0xe2: {  	s1 =	rddreg [dreg:$0x1];
	p0 =	sne.s32 s2, $0x0  }
0xe3: {  	s3 =	rddreg [dreg:$0x2];
	[bflag:$0x3] =	sbarrier.arrive $0xFFFF;
	s2 =	simm.s32 @!p0 $0x1C02  }
0xe4: {  	[timem:s3], [sflag:s2] =	dma.local @!p0 [hbm:s0], s1  }
0xe5: {  	s0 =	simm.s32 @!p0 $0x2  }
0xe6: {  	_ =	swait.ge @!p0 [sflag:s0], s1  }
0xe7: {  	s1 =	ssub.s32 @!p0 $0x0, s1;
	[sflag:s0] =	ssyncset.done @!p0 $0x0  }
0xe8: {  	[sflag:s0] =	ssyncadd.s32 @!p0 s1  }
0xe9: {  	[bflag:$0x3] =	sbarrier.arrive $0xFFFF  }
0xea: {  	_ =	shalt  }

</sc_bundles>
